<compile_context>
chip_gen: v7x
topology: tpu7x:2x2x1
jax: 0.10.2.dev20260603
libtpu: 0.0.44.dev20260713+nightly
codegen_flags: <defaults>
</compile_context>

<pallas_src>
import functools

import jax
import jax.numpy as jnp
from jax import lax
from jax.experimental import pallas as pl
from jax.experimental.pallas import tpu as pltpu
from jax.experimental.pallas import tpu_sc as plsc

_FROZEN = 0
_LANES = 16


@functools.lru_cache(maxsize=None)
def _build_sc_kernel(n_tokens, vocab, r, feat, n_workers, chunk):
    assert n_tokens % (n_workers * chunk) == 0
    assert r & (r - 1) == 0 and r <= _LANES
    assert feat % _LANES == 0
    tok_per_w = n_tokens // n_workers
    n_chunks = tok_per_w // chunk
    assert n_chunks % 2 == 0 and chunk % 2 == 0
    cr = chunk * r
    f_groups = feat // _LANES
    rows_per_line = _LANES // r
    assert vocab % rows_per_line == 0
    r_shift = r.bit_length() - 1
    line_shift = rows_per_line.bit_length() - 1

    mesh = plsc.VectorSubcoreMesh(core_axis_name="c", subcore_axis_name="s")

    @functools.partial(
        pl.kernel,
        out_type=jax.ShapeDtypeStruct((n_tokens, feat), jnp.float32),
        mesh=mesh,
        scratch_types=[
            pltpu.VMEM((tok_per_w,), jnp.int32),
            pltpu.VMEM((tok_per_w,), jnp.int32),
            pltpu.VMEM((2, chunk, _LANES), jnp.int32),
            pltpu.VMEM((2, cr), jnp.int32),
            pltpu.VMEM((2, chunk, _LANES), jnp.float32),
            pltpu.VMEM((2, cr, feat), jnp.float32),
            pltpu.VMEM((2, chunk, feat), jnp.float32),
            pltpu.VMEM_SHARED((vocab // rows_per_line, _LANES), jnp.int32),
            pltpu.SemaphoreType.DMA,
            [pltpu.SemaphoreType.DMA] * 2,
            [pltpu.SemaphoreType.DMA] * 2,
            [pltpu.SemaphoreType.DMA] * 2,
        ],
        compiler_params=pltpu.CompilerParams(
            use_tc_tiling_on_sc=False, needs_layout_passes=False),
    )
    def sc_kernel(bidx_hbm, res_hbm, emb_hbm, out_hbm,
                  bidx_v, line_v, rline_v, ridx_v, mask_v, erows_v, out_v,
                  res_sh, bsem, lsems, esems, osems):
        n_cores = mesh.num_cores
        wid = lax.axis_index("s") * n_cores + lax.axis_index("c")
        base = pl.multiple_of(wid * tok_per_w, chunk)

        def tok0_of(cidx):
            return pl.multiple_of(base + cidx * chunk, chunk)

        n_lines = vocab // rows_per_line
        span = n_lines // mesh.num_subcores
        rem = n_lines - span * mesh.num_subcores
        sid = lax.axis_index("s")
        lo = sid * span
        pltpu.sync_copy(res_hbm.at[pl.ds(lo, span)], res_sh.at[pl.ds(lo, span)])
        if rem:
            @pl.when(sid == 0)
            def _():
                pltpu.sync_copy(
                    res_hbm.at[pl.ds(span * mesh.num_subcores, rem)],
                    res_sh.at[pl.ds(span * mesh.num_subcores, rem)])

        pltpu.async_copy(
            bidx_hbm.at[pl.ds(base, tok_per_w)], bidx_v, bsem).wait()

        @pl.loop(0, tok_per_w // _LANES)
        def _line_loop(i):
            bv = bidx_v[pl.ds(_LANES * i, _LANES)]
            line_v[pl.ds(_LANES * i, _LANES)] = bv >> line_shift

        plsc.subcore_barrier()

        def line_slice(cidx):
            return line_v.at[pl.ds(pl.multiple_of(cidx * chunk, chunk), chunk)]

        def stage_b(b, cidx):
            pltpu.async_copy(
                res_sh.at[line_slice(cidx)], rline_v.at[b], lsems[b])

        def stage_c(b, cidx):
            pltpu.make_async_copy(
                res_sh.at[line_slice(cidx)], rline_v.at[b], lsems[b]).wait()
            rb, ib, mb = rline_v.at[b], ridx_v.at[b], mask_v.at[b]
            cbase = cidx * chunk

            @pl.loop(0, cr // _LANES)
            def _build_loop(j):
                ones = jnp.full((_LANES,), 1.0, dtype=jnp.float32)
                zeros = jnp.zeros((_LANES,), dtype=jnp.float32)
                iota = lax.iota(jnp.int32, _LANES)
                lane_r = iota & (r - 1)
                tok = (iota >> r_shift) + rows_per_line * j
                bvals = plsc.load_gather(bidx_v, [cbase + tok])
                off = ((bvals & (rows_per_line - 1)) << r_shift) + lane_r
                vals = plsc.load_gather(rb, [tok, off])
                ib[pl.ds(_LANES * j, _LANES)] = vals
                plsc.store_scatter(
                    mb, [tok, lane_r],
                    jnp.where(vals != _FROZEN, ones, zeros))

            pltpu.async_copy(emb_hbm.at[ib], erows_v.at[b], esems[b])

        def stage_d(b, cidx):
            eb, mb, ob = erows_v.at[b], mask_v.at[b], out_v.at[b]
            pltpu.make_async_copy(
                emb_hbm.at[ridx_v.at[b]], eb, esems[b]).wait()

            @pl.when(cidx >= 2)
            def _():
                pltpu.make_async_copy(
                    ob, out_hbm.at[pl.ds(tok0_of(cidx - 2), chunk)],
                    osems[b]).wait()

            @pl.loop(0, chunk // 2)
            def _accum_loop(t2):
                for half in range(2):
                    t = 2 * t2 + half
                    row0 = r * t
                    mv = mb[t, pl.ds(0, _LANES)]
                    for k in range(f_groups):
                        s = pl.ds(_LANES * k, _LANES)
                        parts = [eb[row0 + i, s] * mv[i] for i in range(r)]
                        while len(parts) > 1:
                            parts = [parts[i] + parts[i + 1]
                                     for i in range(0, len(parts) - 1, 2)] + (
                                         [parts[-1]] if len(parts) % 2 else [])
                        ob[t, s] = parts[0]

            pltpu.async_copy(
                ob, out_hbm.at[pl.ds(tok0_of(cidx), chunk)], osems[b])

        stage_b(0, 0)
        stage_c(0, 0)
        stage_b(1, 1)

        @pl.loop(0, n_chunks, step=2)
        def _chunk_loop(g):
            stage_c(1, g + 1)
            stage_d(0, g)

            @pl.when(g + 2 < n_chunks)
            def _():
                stage_b(0, g + 2)
                stage_c(0, g + 2)

            stage_d(1, g + 1)

            @pl.when(g + 3 < n_chunks)
            def _():
                stage_b(1, g + 3)

        pltpu.make_async_copy(
            out_v.at[0], out_hbm.at[pl.ds(tok0_of(n_chunks - 2), chunk)],
            osems[0]).wait()
        pltpu.make_async_copy(
            out_v.at[1], out_hbm.at[pl.ds(tok0_of(n_chunks - 1), chunk)],
            osems[1]).wait()

    return sc_kernel


def kernel(base_indices, reservoir_encoded, embedding_weight):
    b, l = base_indices.shape
    vocab, r = reservoir_encoded.shape
    feat = embedding_weight.shape[1]
    n_tokens = b * l
    flat = base_indices.reshape(n_tokens)
    rows_per_line = _LANES // r
    res_lines = reservoir_encoded.reshape(vocab // rows_per_line, _LANES)
    sc = _build_sc_kernel(n_tokens, vocab, r, feat, n_workers=32, chunk=128)
    out = sc(flat, res_lines, embedding_weight)
    return out.reshape(b, l, feat)

# --- scband reference (transcript-rebuilt; emitter-appended) ---
"""Pipeline reference for scband-reservoir-embedding-74251394613895 (READ-ONLY COPY).

The authoritative reference and input builder live on the scoring server;
editing this copy changes nothing except your own understanding.
"""

import jax, jax.numpy as jnp
import numpy as np

VOCAB = 100000
FEAT = 64
B = 4096
L = 50
R = 4
FROZEN = 0


def setup_inputs(seed: int = 0) -> dict:
    key = jax.random.key(seed)
    k1, k2, k3 = jax.random.split(key, 3)
    base_indices = jax.random.randint(k1, (B, L), 0, VOCAB)
    reservoir_encoded = jax.random.randint(k2, (VOCAB, R), 0, VOCAB)
    embedding_weight = jax.random.normal(k3, (VOCAB, FEAT), dtype=jnp.float32)
    return {
        "base_indices": base_indices,
        "reservoir_encoded": reservoir_encoded,
        "embedding_weight": embedding_weight,
    }


def reference(base_indices, reservoir_encoded, embedding_weight):
    # Faithful translation of ReservoirEmbedding.forward:
    #   embedding_weight.data[frozen_index] = 0 (value change without grad tracking)
    w0 = embedding_weight.at[FROZEN].set(0.0)
    #   penultimate = w.detach() + (w - w.detach()) * (arange != frozen).unsqueeze(1)
    mask = (jnp.arange(VOCAB) != FROZEN).astype(w0.dtype)[:, None]
    penultimate = jax.lax.stop_gradient(w0) + (w0 - jax.lax.stop_gradient(w0)) * mask
    # reservoir_indices = token_reservoir_lookup[base_indices]  -> [B, L, R]
    reservoir_indices = jnp.take(reservoir_encoded, base_indices, axis=0)
    # ultimate = penultimate[reservoir_indices]  -> [B, L, R, FEAT]
    ultimate = jnp.take(penultimate, reservoir_indices, axis=0)
    # sum over reservoir dim (-2) -> [B, L, FEAT]
    return jnp.sum(ultimate, axis=-2)

if __name__ == "__main__":
    import jax
    _d = setup_inputs()
    print(jax.jit(kernel)(*tuple(_d.values())))

</pallas_src>

<mosaic_0001>
#map = affine_map<(d0, d1) -> (0)>
#map1 = affine_map<(d0, d1) -> (0, 0)>
module attributes {stable_mosaic.version = 14 : i64} {
  func.func @sc_kernel(%arg0: i32, %arg1: i32, %arg2: memref<204800xi32, #tpu.memory_space<hbm>>, %arg3: memref<25000x16xi32, #tpu.memory_space<hbm>>, %arg4: memref<100000x64xf32, #tpu.memory_space<hbm>>, %arg5: memref<204800x64xf32, #tpu.memory_space<hbm>>, %arg6: memref<6400xi32, #tpu.memory_space<vmem>>, %arg7: memref<6400xi32, #tpu.memory_space<vmem>>, %arg8: memref<2x128x16xi32, #tpu.memory_space<vmem>>, %arg9: memref<2x512xi32, #tpu.memory_space<vmem>>, %arg10: memref<2x128x16xf32, #tpu.memory_space<vmem>>, %arg11: memref<2x512x64xf32, #tpu.memory_space<vmem>>, %arg12: memref<2x128x64xf32, #tpu.memory_space<vmem>>, %arg13: memref<25000x16xi32, #tpu.memory_space<vmem_shared>>, %arg14: memref<!tpu.dma_semaphore, #tpu.memory_space<semaphore_mem>>, %arg15: memref<!tpu.dma_semaphore, #tpu.memory_space<semaphore_mem>>, %arg16: memref<!tpu.dma_semaphore, #tpu.memory_space<semaphore_mem>>, %arg17: memref<!tpu.dma_semaphore, #tpu.memory_space<semaphore_mem>>, %arg18: memref<!tpu.dma_semaphore, #tpu.memory_space<semaphore_mem>>, %arg19: memref<!tpu.dma_semaphore, #tpu.memory_space<semaphore_mem>>, %arg20: memref<!tpu.dma_semaphore, #tpu.memory_space<semaphore_mem>>) attributes {dimension_semantics = [#tpu.dimension_semantics<core_parallel>, #tpu.dimension_semantics<subcore_parallel>], iteration_bounds = array<i64: 2, 16>, scalar_prefetch = 0 : i64, scratch_operands = 15 : i64, tpu.core_type = #tpu.core_type<sc_vector_subcore>, window_params = [{transform_indices = #map}, {transform_indices = #map1}, {transform_indices = #map1}, {transform_indices = #map1}]} {
    %mul3A = arith.constant 2 : i32
    %mul3A_0 = arith.muli %arg1, %mul3A : i32
    %add3A = arith.addi %mul3A_0, %arg0 : i32
    %mul3A_1 = arith.constant 6400 : i32
    %mul3A_2 = arith.muli %add3A, %mul3A_1 : i32
    %multiple_of3A = tpu.assume_multiple %mul3A_2, 128 : i32
    %mul3A_3 = arith.constant 1562 : i32
    %mul3A_4 = arith.muli %arg1, %mul3A_3 : i32
    "tpu.region"() ({
      %run_scoped3A = tpu.sem_alloc : memref<!tpu.dma_semaphore, #tpu.memory_space<semaphore_mem>>
      %dma_start3A_103 = arith.constant 0 : i32
      %dma_start3A_104 = tpu.memref_slice %arg13[%mul3A_4, %dma_start3A_103] : memref<25000x16xi32, #tpu.memory_space<vmem_shared>> -> memref<1562x16xi32, #tpu.memory_space<vmem_shared>>
      %dma_start3A_105 = arith.constant 0 : i32
      %dma_start3A_106 = tpu.memref_slice %arg3[%mul3A_4, %dma_start3A_105] : memref<25000x16xi32, #tpu.memory_space<hbm>> -> memref<1562x16xi32, #tpu.memory_space<hbm>>
      tpu.enqueue_dma source(%dma_start3A_106 : memref<1562x16xi32, #tpu.memory_space<hbm>>) target(%dma_start3A_104 : memref<1562x16xi32, #tpu.memory_space<vmem_shared>>) target_semaphore(%run_scoped3A : memref<!tpu.dma_semaphore, #tpu.memory_space<semaphore_mem>>)
      %dma_wait3A_107 = arith.constant 0 : i32
      %dma_wait3A_108 = tpu.memref_slice %arg13[%mul3A_4, %dma_wait3A_107] : memref<25000x16xi32, #tpu.memory_space<vmem_shared>> -> memref<1562x16xi32, #tpu.memory_space<vmem_shared>>
      %dma_wait3A_109 = arith.constant 0 : i32
      %dma_wait3A_110 = tpu.memref_slice %arg3[%mul3A_4, %dma_wait3A_109] : memref<25000x16xi32, #tpu.memory_space<hbm>> -> memref<1562x16xi32, #tpu.memory_space<hbm>>
      tpu.wait_dma2 semaphore(%run_scoped3A : memref<!tpu.dma_semaphore, #tpu.memory_space<semaphore_mem>>) src(%dma_wait3A_110 : memref<1562x16xi32, #tpu.memory_space<hbm>>) dst(%dma_wait3A_108 : memref<1562x16xi32, #tpu.memory_space<vmem_shared>>)
      tpu.yield
    }) : () -> ()
    %eq3A = arith.constant 0 : i32
    %eq3A_5 = arith.cmpi eq, %arg1, %eq3A : i32
    %convert_element_type3A = arith.extui %eq3A_5 : i1 to i32
    %cond3A = arith.constant 0 : i32
    %cond3A_6 = arith.cmpi ne, %convert_element_type3A, %cond3A : i32
    scf.if %cond3A_6 {
      "tpu.region"() ({
        %run_scoped3A = tpu.sem_alloc : memref<!tpu.dma_semaphore, #tpu.memory_space<semaphore_mem>>
        %dma_start3A_103 = arith.constant 24992 : i32
        %dma_start3A_104 = arith.constant 0 : i32
        %dma_start3A_105 = tpu.memref_slice %arg13[%dma_start3A_103, %dma_start3A_104] : memref<25000x16xi32, #tpu.memory_space<vmem_shared>> -> memref<8x16xi32, #tpu.memory_space<vmem_shared>>
        %dma_start3A_106 = arith.constant 24992 : i32
        %dma_start3A_107 = arith.constant 0 : i32
        %dma_start3A_108 = tpu.memref_slice %arg3[%dma_start3A_106, %dma_start3A_107] : memref<25000x16xi32, #tpu.memory_space<hbm>> -> memref<8x16xi32, #tpu.memory_space<hbm>>
        tpu.enqueue_dma source(%dma_start3A_108 : memref<8x16xi32, #tpu.memory_space<hbm>>) target(%dma_start3A_105 : memref<8x16xi32, #tpu.memory_space<vmem_shared>>) target_semaphore(%run_scoped3A : memref<!tpu.dma_semaphore, #tpu.memory_space<semaphore_mem>>)
        %dma_wait3A_109 = arith.constant 24992 : i32
        %dma_wait3A_110 = arith.constant 0 : i32
        %dma_wait3A_111 = tpu.memref_slice %arg13[%dma_wait3A_109, %dma_wait3A_110] : memref<25000x16xi32, #tpu.memory_space<vmem_shared>> -> memref<8x16xi32, #tpu.memory_space<vmem_shared>>
        %dma_wait3A_112 = arith.constant 24992 : i32
        %dma_wait3A_113 = arith.constant 0 : i32
        %dma_wait3A_114 = tpu.memref_slice %arg3[%dma_wait3A_112, %dma_wait3A_113] : memref<25000x16xi32, #tpu.memory_space<hbm>> -> memref<8x16xi32, #tpu.memory_space<hbm>>
        tpu.wait_dma2 semaphore(%run_scoped3A : memref<!tpu.dma_semaphore, #tpu.memory_space<semaphore_mem>>) src(%dma_wait3A_114 : memref<8x16xi32, #tpu.memory_space<hbm>>) dst(%dma_wait3A_111 : memref<8x16xi32, #tpu.memory_space<vmem_shared>>)
        tpu.yield
      }) : () -> ()
    } else {
    }
    %dma_start3A = tpu.memref_slice %arg2[%multiple_of3A] : memref<204800xi32, #tpu.memory_space<hbm>> -> memref<6400xi32, #tpu.memory_space<hbm>>
    %dma_start3A_7 = tpu.memref_slice %arg2[%multiple_of3A] : memref<204800xi32, #tpu.memory_space<hbm>> -> memref<6400xi32, #tpu.memory_space<hbm>>
    tpu.enqueue_dma source(%dma_start3A_7 : memref<6400xi32, #tpu.memory_space<hbm>>) target(%arg6 : memref<6400xi32, #tpu.memory_space<vmem>>) target_semaphore(%arg14 : memref<!tpu.dma_semaphore, #tpu.memory_space<semaphore_mem>>)
    %dma_wait3A = tpu.memref_slice %arg2[%multiple_of3A] : memref<204800xi32, #tpu.memory_space<hbm>> -> memref<6400xi32, #tpu.memory_space<hbm>>
    %dma_wait3A_8 = tpu.memref_slice %arg2[%multiple_of3A] : memref<204800xi32, #tpu.memory_space<hbm>> -> memref<6400xi32, #tpu.memory_space<hbm>>
    tpu.wait_dma2 semaphore(%arg14 : memref<!tpu.dma_semaphore, #tpu.memory_space<semaphore_mem>>) src(%dma_wait3A_8 : memref<6400xi32, #tpu.memory_space<hbm>>) dst(%arg6 : memref<6400xi32, #tpu.memory_space<vmem>>)
    %scan3A = arith.constant 0 : i32
    %scan3A_9 = arith.constant 400 : i32
    %scan3A_10 = arith.addi %scan3A, %scan3A_9 : i32
    %scan3A_11 = arith.constant 1 : i32
    scf.for %scan3A_103 = %scan3A to %scan3A_10 step %scan3A_11  : i32 {
      %mul3A_104 = arith.constant 1 : i32
      %mul3A_105 = arith.muli %scan3A_103, %mul3A_104 : i32
      %add3A_106 = arith.constant 0 : i32
      %add3A_107 = arith.addi %add3A_106, %mul3A_105 : i32
      %mul3A_108 = arith.constant 16 : i32
      %mul3A_109 = arith.muli %mul3A_108, %add3A_107 : i32
      %get3A = arith.index_cast %mul3A_109 : i32 to index
      %get3A_110 = tpu.vector_load %arg6[%get3A] {strides = array<i32>} : memref<6400xi32, #tpu.memory_space<vmem>>, vector<16xi32>,
      %shift_right_arithmetic3A = arith.constant 2 : i32
      %shift_right_arithmetic3A_111 = vector.broadcast %shift_right_arithmetic3A : i32 to vector<16xi32>
      %shift_right_arithmetic3A_112 = arith.shrsi %get3A_110, %shift_right_arithmetic3A_111 : vector<16xi32>
      %mul3A_113 = arith.constant 16 : i32
      %mul3A_114 = arith.muli %mul3A_113, %add3A_107 : i32
      %swap3A = arith.index_cast %mul3A_114 : i32 to index
      %swap3A_115 = tpu.vector_load %arg7[%swap3A] {strides = array<i32>} : memref<6400xi32, #tpu.memory_space<vmem>>, vector<16xi32>,
      tpu.vector_store %arg7[%swap3A], %shift_right_arithmetic3A_112 {strides = array<i32>} : memref<6400xi32, #tpu.memory_space<vmem>>, vector<16xi32>,
    }
    %scan3A_12 = arith.constant 400 : i32
    %barrier3A = arith.constant 0 : index
    tpu.barrier barrier_id(%barrier3A)
    %multiple_of3A_13 = arith.constant 0 : i32
    %multiple_of3A_14 = tpu.assume_multiple %multiple_of3A_13, 128 : i32
    %dma_start3A_15 = arith.constant 0 : i32
    %dma_start3A_16 = arith.constant 0 : i32
    %dma_start3A_17 = arith.constant 0 : i32
    %dma_start3A_18 = tpu.memref_slice %arg8[%dma_start3A_15, %dma_start3A_16, %dma_start3A_17] : memref<2x128x16xi32, #tpu.memory_space<vmem>> -> memref<1x128x16xi32, #tpu.memory_space<vmem>>
    %dma_start3A_19 = tpu.memref_squeeze %dma_start3A_18 : memref<1x128x16xi32, #tpu.memory_space<vmem>> -> memref<128x16xi32, #tpu.memory_space<vmem>>
    %dma_start3A_20 = tpu.memref_slice %arg7[%multiple_of3A_14] : memref<6400xi32, #tpu.memory_space<vmem>> -> memref<128xi32, #tpu.memory_space<vmem>>
    %dma_start3A_21 = arith.constant 0 : i32
    %dma_start3A_22 = arith.constant 0 : i32
    %dma_start3A_23 = tpu.memref_slice %arg13[%dma_start3A_21, %dma_start3A_22] : memref<25000x16xi32, #tpu.memory_space<vmem_shared>> -> memref<25000x16xi32, #tpu.memory_space<vmem_shared>>
    tpu.enqueue_indirect_dma source(%dma_start3A_23 : memref<25000x16xi32, #tpu.memory_space<vmem_shared>>) target(%dma_start3A_19 : memref<128x16xi32, #tpu.memory_space<vmem>>) offsets(%dma_start3A_20 : memref<128xi32, #tpu.memory_space<vmem>>) semaphore(%arg15 : memref<!tpu.dma_semaphore, #tpu.memory_space<semaphore_mem>>)
    %multiple_of3A_24 = arith.constant 0 : i32
    %multiple_of3A_25 = tpu.assume_multiple %multiple_of3A_24, 128 : i32
    %dma_wait3A_26 = arith.constant 0 : i32
    %dma_wait3A_27 = arith.constant 0 : i32
    %dma_wait3A_28 = arith.constant 0 : i32
    %dma_wait3A_29 = tpu.memref_slice %arg8[%dma_wait3A_26, %dma_wait3A_27, %dma_wait3A_28] : memref<2x128x16xi32, #tpu.memory_space<vmem>> -> memref<1x128x16xi32, #tpu.memory_space<vmem>>
    %dma_wait3A_30 = tpu.memref_squeeze %dma_wait3A_29 : memref<1x128x16xi32, #tpu.memory_space<vmem>> -> memref<128x16xi32, #tpu.memory_space<vmem>>
    %dma_wait3A_31 = tpu.memref_slice %arg7[%multiple_of3A_25] : memref<6400xi32, #tpu.memory_space<vmem>> -> memref<128xi32, #tpu.memory_space<vmem>>
    %dma_wait3A_32 = arith.constant 0 : i32
    %dma_wait3A_33 = arith.constant 0 : i32
    %dma_wait3A_34 = tpu.memref_slice %arg13[%dma_wait3A_32, %dma_wait3A_33] : memref<25000x16xi32, #tpu.memory_space<vmem_shared>> -> memref<25000x16xi32, #tpu.memory_space<vmem_shared>>
    tpu.wait_indirect_dma semaphore(%arg15 : memref<!tpu.dma_semaphore, #tpu.memory_space<semaphore_mem>>) src(%dma_wait3A_34 : memref<25000x16xi32, #tpu.memory_space<vmem_shared>>) dst(%dma_wait3A_30 : memref<128x16xi32, #tpu.memory_space<vmem>>)
    %scan3A_35 = arith.constant 0 : i32
    %scan3A_36 = arith.constant 0 : i32
    %scan3A_37 = arith.constant 0 : i32
    %scan3A_38 = arith.constant 0 : i32
    %scan3A_39 = arith.constant 32 : i32
    %scan3A_40 = arith.addi %scan3A_38, %scan3A_39 : i32
    %scan3A_41 = arith.constant 1 : i32
    scf.for %scan3A_103 = %scan3A_38 to %scan3A_40 step %scan3A_41  : i32 {
      %mul3A_104 = arith.constant 1 : i32
      %mul3A_105 = arith.muli %scan3A_103, %mul3A_104 : i32
      %add3A_106 = arith.constant 0 : i32
      %add3A_107 = arith.addi %add3A_106, %mul3A_105 : i32
      %broadcast_in_dim3A = arith.constant 1.000000e+00 : f32
      %broadcast_in_dim3A_108 = vector.broadcast %broadcast_in_dim3A : f32 to vector<16xf32>
      %broadcast_in_dim3A_109 = arith.constant 0.000000e+00 : f32
      %broadcast_in_dim3A_110 = vector.broadcast %broadcast_in_dim3A_109 : f32 to vector<16xf32>
      %iota3A = tpu.iota {dimensions = array<i32: 0>} : vector<16xi32>
      %and3A = arith.constant 3 : i32
      %and3A_111 = vector.broadcast %and3A : i32 to vector<16xi32>
      %and3A_112 = arith.andi %iota3A, %and3A_111 : vector<16xi32>
      %shift_right_arithmetic3A = arith.constant 2 : i32
      %shift_right_arithmetic3A_113 = vector.broadcast %shift_right_arithmetic3A : i32 to vector<16xi32>
      %shift_right_arithmetic3A_114 = arith.shrsi %iota3A, %shift_right_arithmetic3A_113 : vector<16xi32>
      %mul3A_115 = arith.constant 4 : i32
      %mul3A_116 = arith.muli %mul3A_115, %add3A_107 : i32
      %add3A_117 = vector.broadcast %mul3A_116 : i32 to vector<16xi32>
      %add3A_118 = arith.addi %shift_right_arithmetic3A_114, %add3A_117 : vector<16xi32>
      %add3A_119 = arith.constant 0 : i32
      %add3A_120 = vector.broadcast %add3A_119 : i32 to vector<16xi32>
      %add3A_121 = arith.addi %add3A_120, %add3A_118 : vector<16xi32>
      %gather3A = tpu.vector_load_idx %arg6[%add3A_121] : memref<6400xi32, #tpu.memory_space<vmem>>[vector<16xi32>], vector<16xi32>,
      %and3A_122 = arith.constant 3 : i32
      %and3A_123 = vector.broadcast %and3A_122 : i32 to vector<16xi32>
      %and3A_124 = arith.andi %gather3A, %and3A_123 : vector<16xi32>
      %shift_left3A = arith.constant 2 : i32
      %shift_left3A_125 = vector.broadcast %shift_left3A : i32 to vector<16xi32>
      %shift_left3A_126 = arith.shli %and3A_124, %shift_left3A_125 : vector<16xi32>
      %add3A_127 = arith.addi %shift_left3A_126, %and3A_112 : vector<16xi32>
      %gather3A_128 = arith.constant 0 : i32
      %gather3A_129 = arith.constant 0 : i32
      %gather3A_130 = tpu.memref_slice %arg8[%scan3A_35, %gather3A_128, %gather3A_129] : memref<2x128x16xi32, #tpu.memory_space<vmem>> -> memref<1x128x16xi32, #tpu.memory_space<vmem>>
      %gather3A_131 = tpu.memref_squeeze %gather3A_130 : memref<1x128x16xi32, #tpu.memory_space<vmem>> -> memref<128x16xi32, #tpu.memory_space<vmem>>
      %gather3A_132 = tpu.vector_load_idx %gather3A_131[%add3A_118, %add3A_127] : memref<128x16xi32, #tpu.memory_space<vmem>>[vector<16xi32>, vector<16xi32>], vector<16xi32>,
      %mul3A_133 = arith.constant 16 : i32
      %mul3A_134 = arith.muli %mul3A_133, %add3A_107 : i32
      %swap3A = arith.constant 0 : i32
      %swap3A_135 = tpu.memref_slice %arg9[%scan3A_36, %swap3A] : memref<2x512xi32, #tpu.memory_space<vmem>> -> memref<1x512xi32, #tpu.memory_space<vmem>>
      %swap3A_136 = tpu.memref_squeeze %swap3A_135 : memref<1x512xi32, #tpu.memory_space<vmem>> -> memref<512xi32, #tpu.memory_space<vmem>>
      %swap3A_137 = arith.index_cast %mul3A_134 : i32 to index
      %swap3A_138 = tpu.vector_load %swap3A_136[%swap3A_137] {strides = array<i32>} : memref<512xi32, #tpu.memory_space<vmem>>, vector<16xi32>,
      tpu.vector_store %swap3A_136[%swap3A_137], %gather3A_132 {strides = array<i32>} : memref<512xi32, #tpu.memory_space<vmem>>, vector<16xi32>,
      %ne3A = arith.constant 0 : i32
      %ne3A_139 = vector.broadcast %ne3A : i32 to vector<16xi32>
      %ne3A_140 = arith.cmpi ne, %gather3A_132, %ne3A_139 : vector<16xi32>
      %select_n3A = arith.select %ne3A_140, %broadcast_in_dim3A_108, %broadcast_in_dim3A_110 : vector<16xi1>, vector<16xf32>
      %scatter3A = arith.constant 0 : i32
      %scatter3A_141 = arith.constant 0 : i32
      %scatter3A_142 = tpu.memref_slice %arg10[%scan3A_37, %scatter3A, %scatter3A_141] : memref<2x128x16xf32, #tpu.memory_space<vmem>> -> memref<1x128x16xf32, #tpu.memory_space<vmem>>
      %scatter3A_143 = tpu.memref_squeeze %scatter3A_142 : memref<1x128x16xf32, #tpu.memory_space<vmem>> -> memref<128x16xf32, #tpu.memory_space<vmem>>
      tpu.vector_store_idx %scatter3A_143[%add3A_118, %and3A_112], %select_n3A : memref<128x16xf32, #tpu.memory_space<vmem>>[vector<16xi32>, vector<16xi32>], vector<16xf32>,
    }
    %scan3A_42 = arith.constant 32 : i32
    %dma_start3A_43 = arith.constant 0 : i32
    %dma_start3A_44 = arith.constant 0 : i32
    %dma_start3A_45 = arith.constant 0 : i32
    %dma_start3A_46 = arith.constant 0 : i32
    %dma_start3A_47 = tpu.memref_slice %arg11[%dma_start3A_44, %dma_start3A_45, %dma_start3A_46] : memref<2x512x64xf32, #tpu.memory_space<vmem>> -> memref<1x512x64xf32, #tpu.memory_space<vmem>>
    %dma_start3A_48 = tpu.memref_squeeze %dma_start3A_47 : memref<1x512x64xf32, #tpu.memory_space<vmem>> -> memref<512x64xf32, #tpu.memory_space<vmem>>
    %dma_start3A_49 = arith.constant 0 : i32
    %dma_start3A_50 = tpu.memref_slice %arg9[%dma_start3A_43, %dma_start3A_49] : memref<2x512xi32, #tpu.memory_space<vmem>> -> memref<1x512xi32, #tpu.memory_space<vmem>>
    %dma_start3A_51 = tpu.memref_squeeze %dma_start3A_50 : memref<1x512xi32, #tpu.memory_space<vmem>> -> memref<512xi32, #tpu.memory_space<vmem>>
    %dma_start3A_52 = arith.constant 0 : i32
    %dma_start3A_53 = arith.constant 0 : i32
    %dma_start3A_54 = tpu.memref_slice %arg4[%dma_start3A_52, %dma_start3A_53] : memref<100000x64xf32, #tpu.memory_space<hbm>> -> memref<100000x64xf32, #tpu.memory_space<hbm>>
    tpu.enqueue_indirect_dma source(%dma_start3A_54 : memref<100000x64xf32, #tpu.memory_space<hbm>>) target(%dma_start3A_48 : memref<512x64xf32, #tpu.memory_space<vmem>>) offsets(%dma_start3A_51 : memref<512xi32, #tpu.memory_space<vmem>>) semaphore(%arg17 : memref<!tpu.dma_semaphore, #tpu.memory_space<semaphore_mem>>)
    %multiple_of3A_55 = arith.constant 128 : i32
    %multiple_of3A_56 = tpu.assume_multiple %multiple_of3A_55, 128 : i32
    %dma_start3A_57 = arith.constant 1 : i32
    %dma_start3A_58 = arith.constant 0 : i32
    %dma_start3A_59 = arith.constant 0 : i32
    %dma_start3A_60 = tpu.memref_slice %arg8[%dma_start3A_57, %dma_start3A_58, %dma_start3A_59] : memref<2x128x16xi32, #tpu.memory_space<vmem>> -> memref<1x128x16xi32, #tpu.memory_space<vmem>>
    %dma_start3A_61 = tpu.memref_squeeze %dma_start3A_60 : memref<1x128x16xi32, #tpu.memory_space<vmem>> -> memref<128x16xi32, #tpu.memory_space<vmem>>
    %dma_start3A_62 = tpu.memref_slice %arg7[%multiple_of3A_56] : memref<6400xi32, #tpu.memory_space<vmem>> -> memref<128xi32, #tpu.memory_space<vmem>>
    %dma_start3A_63 = arith.constant 0 : i32
    %dma_start3A_64 = arith.constant 0 : i32
    %dma_start3A_65 = tpu.memref_slice %arg13[%dma_start3A_63, %dma_start3A_64] : memref<25000x16xi32, #tpu.memory_space<vmem_shared>> -> memref<25000x16xi32, #tpu.memory_space<vmem_shared>>
    tpu.enqueue_indirect_dma source(%dma_start3A_65 : memref<25000x16xi32, #tpu.memory_space<vmem_shared>>) target(%dma_start3A_61 : memref<128x16xi32, #tpu.memory_space<vmem>>) offsets(%dma_start3A_62 : memref<128xi32, #tpu.memory_space<vmem>>) semaphore(%arg16 : memref<!tpu.dma_semaphore, #tpu.memory_space<semaphore_mem>>)
    %scan3A_66 = arith.constant 0 : i32
    %scan3A_67 = arith.constant 25 : i32
    %scan3A_68 = arith.addi %scan3A_66, %scan3A_67 : i32
    %scan3A_69 = arith.constant 1 : i32
    scf.for %scan3A_103 = %scan3A_66 to %scan3A_68 step %scan3A_69  : i32 {
      %mul3A_104 = arith.constant 2 : i32
      %mul3A_105 = arith.muli %scan3A_103, %mul3A_104 : i32
      %add3A_106 = arith.constant 0 : i32
      %add3A_107 = arith.addi %add3A_106, %mul3A_105 : i32
      %add3A_108 = arith.constant 1 : i32
      %add3A_109 = arith.addi %add3A_107, %add3A_108 : i32
      %mul3A_110 = arith.constant 128 : i32
      %mul3A_111 = arith.muli %add3A_109, %mul3A_110 : i32
      %multiple_of3A_112 = tpu.assume_multiple %mul3A_111, 128 : i32
      %dma_wait3A_113 = arith.constant 1 : i32
      %dma_wait3A_114 = arith.constant 0 : i32
      %dma_wait3A_115 = arith.constant 0 : i32
      %dma_wait3A_116 = tpu.memref_slice %arg8[%dma_wait3A_113, %dma_wait3A_114, %dma_wait3A_115] : memref<2x128x16xi32, #tpu.memory_space<vmem>> -> memref<1x128x16xi32, #tpu.memory_space<vmem>>
      %dma_wait3A_117 = tpu.memref_squeeze %dma_wait3A_116 : memref<1x128x16xi32, #tpu.memory_space<vmem>> -> memref<128x16xi32, #tpu.memory_space<vmem>>
      %dma_wait3A_118 = tpu.memref_slice %arg7[%multiple_of3A_112] : memref<6400xi32, #tpu.memory_space<vmem>> -> memref<128xi32, #tpu.memory_space<vmem>>
      %dma_wait3A_119 = arith.constant 0 : i32
      %dma_wait3A_120 = arith.constant 0 : i32
      %dma_wait3A_121 = tpu.memref_slice %arg13[%dma_wait3A_119, %dma_wait3A_120] : memref<25000x16xi32, #tpu.memory_space<vmem_shared>> -> memref<25000x16xi32, #tpu.memory_space<vmem_shared>>
      tpu.wait_indirect_dma semaphore(%arg16 : memref<!tpu.dma_semaphore, #tpu.memory_space<semaphore_mem>>) src(%dma_wait3A_121 : memref<25000x16xi32, #tpu.memory_space<vmem_shared>>) dst(%dma_wait3A_117 : memref<128x16xi32, #tpu.memory_space<vmem>>)
      %mul3A_122 = arith.constant 128 : i32
      %mul3A_123 = arith.muli %add3A_109, %mul3A_122 : i32
      %scan3A_124 = arith.constant 1 : i32
      %scan3A_125 = arith.constant 1 : i32
      %scan3A_126 = arith.constant 1 : i32
      %scan3A_127 = arith.constant 0 : i32
      %scan3A_128 = arith.constant 32 : i32
      %scan3A_129 = arith.addi %scan3A_127, %scan3A_128 : i32
      %scan3A_130 = arith.constant 1 : i32
      scf.for %scan3A_244 = %scan3A_127 to %scan3A_129 step %scan3A_130  : i32 {
        %mul3A_245 = arith.constant 1 : i32
        %mul3A_246 = arith.muli %scan3A_244, %mul3A_245 : i32
        %add3A_247 = arith.constant 0 : i32
        %add3A_248 = arith.addi %add3A_247, %mul3A_246 : i32
        %broadcast_in_dim3A = arith.constant 1.000000e+00 : f32
        %broadcast_in_dim3A_249 = vector.broadcast %broadcast_in_dim3A : f32 to vector<16xf32>
        %broadcast_in_dim3A_250 = arith.constant 0.000000e+00 : f32
        %broadcast_in_dim3A_251 = vector.broadcast %broadcast_in_dim3A_250 : f32 to vector<16xf32>
        %iota3A = tpu.iota {dimensions = array<i32: 0>} : vector<16xi32>
        %and3A = arith.constant 3 : i32
        %and3A_252 = vector.broadcast %and3A : i32 to vector<16xi32>
        %and3A_253 = arith.andi %iota3A, %and3A_252 : vector<16xi32>
        %shift_right_arithmetic3A = arith.constant 2 : i32
        %shift_right_arithmetic3A_254 = vector.broadcast %shift_right_arithmetic3A : i32 to vector<16xi32>
        %shift_right_arithmetic3A_255 = arith.shrsi %iota3A, %shift_right_arithmetic3A_254 : vector<16xi32>
        %mul3A_256 = arith.constant 4 : i32
        %mul3A_257 = arith.muli %mul3A_256, %add3A_248 : i32
        %add3A_258 = vector.broadcast %mul3A_257 : i32 to vector<16xi32>
        %add3A_259 = arith.addi %shift_right_arithmetic3A_255, %add3A_258 : vector<16xi32>
        %add3A_260 = vector.broadcast %mul3A_123 : i32 to vector<16xi32>
        %add3A_261 = arith.addi %add3A_260, %add3A_259 : vector<16xi32>
        %gather3A = tpu.vector_load_idx %arg6[%add3A_261] : memref<6400xi32, #tpu.memory_space<vmem>>[vector<16xi32>], vector<16xi32>,
        %and3A_262 = arith.constant 3 : i32
        %and3A_263 = vector.broadcast %and3A_262 : i32 to vector<16xi32>
        %and3A_264 = arith.andi %gather3A, %and3A_263 : vector<16xi32>
        %shift_left3A = arith.constant 2 : i32
        %shift_left3A_265 = vector.broadcast %shift_left3A : i32 to vector<16xi32>
        %shift_left3A_266 = arith.shli %and3A_264, %shift_left3A_265 : vector<16xi32>
        %add3A_267 = arith.addi %shift_left3A_266, %and3A_253 : vector<16xi32>
        %gather3A_268 = arith.constant 0 : i32
        %gather3A_269 = arith.constant 0 : i32
        %gather3A_270 = tpu.memref_slice %arg8[%scan3A_124, %gather3A_268, %gather3A_269] : memref<2x128x16xi32, #tpu.memory_space<vmem>> -> memref<1x128x16xi32, #tpu.memory_space<vmem>>
        %gather3A_271 = tpu.memref_squeeze %gather3A_270 : memref<1x128x16xi32, #tpu.memory_space<vmem>> -> memref<128x16xi32, #tpu.memory_space<vmem>>
        %gather3A_272 = tpu.vector_load_idx %gather3A_271[%add3A_259, %add3A_267] : memref<128x16xi32, #tpu.memory_space<vmem>>[vector<16xi32>, vector<16xi32>], vector<16xi32>,
        %mul3A_273 = arith.constant 16 : i32
        %mul3A_274 = arith.muli %mul3A_273, %add3A_248 : i32
        %swap3A = arith.constant 0 : i32
        %swap3A_275 = tpu.memref_slice %arg9[%scan3A_125, %swap3A] : memref<2x512xi32, #tpu.memory_space<vmem>> -> memref<1x512xi32, #tpu.memory_space<vmem>>
        %swap3A_276 = tpu.memref_squeeze %swap3A_275 : memref<1x512xi32, #tpu.memory_space<vmem>> -> memref<512xi32, #tpu.memory_space<vmem>>
        %swap3A_277 = arith.index_cast %mul3A_274 : i32 to index
        %swap3A_278 = tpu.vector_load %swap3A_276[%swap3A_277] {strides = array<i32>} : memref<512xi32, #tpu.memory_space<vmem>>, vector<16xi32>,
        tpu.vector_store %swap3A_276[%swap3A_277], %gather3A_272 {strides = array<i32>} : memref<512xi32, #tpu.memory_space<vmem>>, vector<16xi32>,
        %ne3A = arith.constant 0 : i32
        %ne3A_279 = vector.broadcast %ne3A : i32 to vector<16xi32>
        %ne3A_280 = arith.cmpi ne, %gather3A_272, %ne3A_279 : vector<16xi32>
        %select_n3A = arith.select %ne3A_280, %broadcast_in_dim3A_249, %broadcast_in_dim3A_251 : vector<16xi1>, vector<16xf32>
        %scatter3A = arith.constant 0 : i32
        %scatter3A_281 = arith.constant 0 : i32
        %scatter3A_282 = tpu.memref_slice %arg10[%scan3A_126, %scatter3A, %scatter3A_281] : memref<2x128x16xf32, #tpu.memory_space<vmem>> -> memref<1x128x16xf32, #tpu.memory_space<vmem>>
        %scatter3A_283 = tpu.memref_squeeze %scatter3A_282 : memref<1x128x16xf32, #tpu.memory_space<vmem>> -> memref<128x16xf32, #tpu.memory_space<vmem>>
        tpu.vector_store_idx %scatter3A_283[%add3A_259, %and3A_253], %select_n3A : memref<128x16xf32, #tpu.memory_space<vmem>>[vector<16xi32>, vector<16xi32>], vector<16xf32>,
      }
      %scan3A_131 = arith.constant 32 : i32
      %dma_start3A_132 = arith.constant 1 : i32
      %dma_start3A_133 = arith.constant 1 : i32
      %dma_start3A_134 = arith.constant 0 : i32
      %dma_start3A_135 = arith.constant 0 : i32
      %dma_start3A_136 = tpu.memref_slice %arg11[%dma_start3A_133, %dma_start3A_134, %dma_start3A_135] : memref<2x512x64xf32, #tpu.memory_space<vmem>> -> memref<1x512x64xf32, #tpu.memory_space<vmem>>
      %dma_start3A_137 = tpu.memref_squeeze %dma_start3A_136 : memref<1x512x64xf32, #tpu.memory_space<vmem>> -> memref<512x64xf32, #tpu.memory_space<vmem>>
      %dma_start3A_138 = arith.constant 0 : i32
      %dma_start3A_139 = tpu.memref_slice %arg9[%dma_start3A_132, %dma_start3A_138] : memref<2x512xi32, #tpu.memory_space<vmem>> -> memref<1x512xi32, #tpu.memory_space<vmem>>
      %dma_start3A_140 = tpu.memref_squeeze %dma_start3A_139 : memref<1x512xi32, #tpu.memory_space<vmem>> -> memref<512xi32, #tpu.memory_space<vmem>>
      %dma_start3A_141 = arith.constant 0 : i32
      %dma_start3A_142 = arith.constant 0 : i32
      %dma_start3A_143 = tpu.memref_slice %arg4[%dma_start3A_141, %dma_start3A_142] : memref<100000x64xf32, #tpu.memory_space<hbm>> -> memref<100000x64xf32, #tpu.memory_space<hbm>>
      tpu.enqueue_indirect_dma source(%dma_start3A_143 : memref<100000x64xf32, #tpu.memory_space<hbm>>) target(%dma_start3A_137 : memref<512x64xf32, #tpu.memory_space<vmem>>) offsets(%dma_start3A_140 : memref<512xi32, #tpu.memory_space<vmem>>) semaphore(%arg18 : memref<!tpu.dma_semaphore, #tpu.memory_space<semaphore_mem>>)
      %dma_wait3A_144 = arith.constant 0 : i32
      %dma_wait3A_145 = arith.constant 0 : i32
      %dma_wait3A_146 = arith.constant 0 : i32
      %dma_wait3A_147 = arith.constant 0 : i32
      %dma_wait3A_148 = tpu.memref_slice %arg11[%dma_wait3A_145, %dma_wait3A_146, %dma_wait3A_147] : memref<2x512x64xf32, #tpu.memory_space<vmem>> -> memref<1x512x64xf32, #tpu.memory_space<vmem>>
      %dma_wait3A_149 = tpu.memref_squeeze %dma_wait3A_148 : memref<1x512x64xf32, #tpu.memory_space<vmem>> -> memref<512x64xf32, #tpu.memory_space<vmem>>
      %dma_wait3A_150 = arith.constant 0 : i32
      %dma_wait3A_151 = tpu.memref_slice %arg9[%dma_wait3A_144, %dma_wait3A_150] : memref<2x512xi32, #tpu.memory_space<vmem>> -> memref<1x512xi32, #tpu.memory_space<vmem>>
      %dma_wait3A_152 = tpu.memref_squeeze %dma_wait3A_151 : memref<1x512xi32, #tpu.memory_space<vmem>> -> memref<512xi32, #tpu.memory_space<vmem>>
      %dma_wait3A_153 = arith.constant 0 : i32
      %dma_wait3A_154 = arith.constant 0 : i32
      %dma_wait3A_155 = tpu.memref_slice %arg4[%dma_wait3A_153, %dma_wait3A_154] : memref<100000x64xf32, #tpu.memory_space<hbm>> -> memref<100000x64xf32, #tpu.memory_space<hbm>>
      tpu.wait_indirect_dma semaphore(%arg17 : memref<!tpu.dma_semaphore, #tpu.memory_space<semaphore_mem>>) src(%dma_wait3A_155 : memref<100000x64xf32, #tpu.memory_space<hbm>>) dst(%dma_wait3A_149 : memref<512x64xf32, #tpu.memory_space<vmem>>)
      %ge3A = arith.constant 2 : i32
      %ge3A_156 = arith.cmpi sge, %add3A_107, %ge3A : i32
      %convert_element_type3A_157 = arith.extui %ge3A_156 : i1 to i32
      %cond3A_158 = arith.constant 0 : i32
      %cond3A_159 = arith.constant 0 : i32
      %cond3A_160 = arith.cmpi ne, %convert_element_type3A_157, %cond3A_159 : i32
      scf.if %cond3A_160 {
        %sub3A = arith.constant 2 : i32
        %sub3A_244 = arith.subi %add3A_107, %sub3A : i32
        %mul3A_245 = arith.constant 128 : i32
        %mul3A_246 = arith.muli %sub3A_244, %mul3A_245 : i32
        %add3A_247 = arith.addi %multiple_of3A, %mul3A_246 : i32
        %multiple_of3A_248 = tpu.assume_multiple %add3A_247, 128 : i32
        %dma_wait3A_249 = arith.constant 0 : i32
        %dma_wait3A_250 = arith.constant 0 : i32
        %dma_wait3A_251 = tpu.memref_slice %arg12[%cond3A_158, %dma_wait3A_249, %dma_wait3A_250] : memref<2x128x64xf32, #tpu.memory_space<vmem>> -> memref<1x128x64xf32, #tpu.memory_space<vmem>>
        %dma_wait3A_252 = tpu.memref_squeeze %dma_wait3A_251 : memref<1x128x64xf32, #tpu.memory_space<vmem>> -> memref<128x64xf32, #tpu.memory_space<vmem>>
        %dma_wait3A_253 = arith.constant 0 : i32
        %dma_wait3A_254 = tpu.memref_slice %arg5[%multiple_of3A_248, %dma_wait3A_253] : memref<204800x64xf32, #tpu.memory_space<hbm>> -> memref<128x64xf32, #tpu.memory_space<hbm>>
        %dma_wait3A_255 = arith.constant 0 : i32
        %dma_wait3A_256 = tpu.memref_slice %arg5[%multiple_of3A_248, %dma_wait3A_255] : memref<204800x64xf32, #tpu.memory_space<hbm>> -> memref<128x64xf32, #tpu.memory_space<hbm>>
        %dma_wait3A_257 = arith.constant 0 : i32
        %dma_wait3A_258 = arith.constant 0 : i32
        %dma_wait3A_259 = tpu.memref_slice %arg12[%cond3A_158, %dma_wait3A_257, %dma_wait3A_258] : memref<2x128x64xf32, #tpu.memory_space<vmem>> -> memref<1x128x64xf32, #tpu.memory_space<vmem>>
        %dma_wait3A_260 = tpu.memref_squeeze %dma_wait3A_259 : memref<1x128x64xf32, #tpu.memory_space<vmem>> -> memref<128x64xf32, #tpu.memory_space<vmem>>
        tpu.wait_dma2 semaphore(%arg19 : memref<!tpu.dma_semaphore, #tpu.memory_space<semaphore_mem>>) src(%dma_wait3A_260 : memref<128x64xf32, #tpu.memory_space<vmem>>) dst(%dma_wait3A_256 : memref<128x64xf32, #tpu.memory_space<hbm>>)
      } else {
      }
      %scan3A_161 = arith.constant 0 : i32
      %scan3A_162 = arith.constant 0 : i32
      %scan3A_163 = arith.constant 0 : i32
      %scan3A_164 = arith.constant 0 : i32
      %scan3A_165 = arith.constant 64 : i32
      %scan3A_166 = arith.addi %scan3A_164, %scan3A_165 : i32
      %scan3A_167 = arith.constant 1 : i32
      scf.for %scan3A_244 = %scan3A_164 to %scan3A_166 step %scan3A_167  : i32 {
        %mul3A_245 = arith.constant 1 : i32
        %mul3A_246 = arith.muli %scan3A_244, %mul3A_245 : i32
        %add3A_247 = arith.constant 0 : i32
        %add3A_248 = arith.addi %add3A_247, %mul3A_246 : i32
        %mul3A_249 = arith.constant 2 : i32
        %mul3A_250 = arith.muli %mul3A_249, %add3A_248 : i32
        %add3A_251 = arith.constant 0 : i32
        %add3A_252 = arith.addi %mul3A_250, %add3A_251 : i32
        %mul3A_253 = arith.constant 4 : i32
        %mul3A_254 = arith.muli %mul3A_253, %add3A_252 : i32
        %get3A = arith.constant 0 : i32
        %get3A_255 = arith.constant 0 : i32
        %get3A_256 = tpu.memref_slice %arg10[%scan3A_161, %get3A, %get3A_255] : memref<2x128x16xf32, #tpu.memory_space<vmem>> -> memref<1x128x16xf32, #tpu.memory_space<vmem>>
        %get3A_257 = tpu.memref_squeeze %get3A_256 : memref<1x128x16xf32, #tpu.memory_space<vmem>> -> memref<128x16xf32, #tpu.memory_space<vmem>>
        %get3A_258 = arith.index_cast %add3A_252 : i32 to index
        %get3A_259 = arith.constant 0 : index
        %get3A_260 = tpu.vector_load %get3A_257[%get3A_258, %get3A_259] {strides = array<i32>} : memref<128x16xf32, #tpu.memory_space<vmem>>, vector<16xf32>,
        %add3A_261 = arith.constant 0 : i32
        %add3A_262 = arith.addi %mul3A_254, %add3A_261 : i32
        %get3A_263 = arith.constant 0 : i32
        %get3A_264 = arith.constant 0 : i32
        %get3A_265 = tpu.memref_slice %arg11[%scan3A_162, %get3A_263, %get3A_264] : memref<2x512x64xf32, #tpu.memory_space<vmem>> -> memref<1x512x64xf32, #tpu.memory_space<vmem>>
        %get3A_266 = tpu.memref_squeeze %get3A_265 : memref<1x512x64xf32, #tpu.memory_space<vmem>> -> memref<512x64xf32, #tpu.memory_space<vmem>>
        %get3A_267 = arith.index_cast %add3A_262 : i32 to index
        %get3A_268 = arith.constant 0 : index
        %get3A_269 = tpu.vector_load %get3A_266[%get3A_267, %get3A_268] {strides = array<i32>} : memref<512x64xf32, #tpu.memory_space<vmem>>, vector<16xf32>,
        %slice3A = vector.extract_strided_slice %get3A_260 {offsets = [0], sizes = [1], strides = [1]} : vector<16xf32> to vector<1xf32>
        %squeeze3A = vector.extract %slice3A[0] : f32 from vector<1xf32>
        %mul3A_270 = vector.broadcast %squeeze3A : f32 to vector<16xf32>
        %mul3A_271 = arith.mulf %get3A_269, %mul3A_270 : vector<16xf32>
        %add3A_272 = arith.constant 1 : i32
        %add3A_273 = arith.addi %mul3A_254, %add3A_272 : i32
        %get3A_274 = arith.constant 0 : i32
        %get3A_275 = arith.constant 0 : i32
        %get3A_276 = tpu.memref_slice %arg11[%scan3A_162, %get3A_274, %get3A_275] : memref<2x512x64xf32, #tpu.memory_space<vmem>> -> memref<1x512x64xf32, #tpu.memory_space<vmem>>
        %get3A_277 = tpu.memref_squeeze %get3A_276 : memref<1x512x64xf32, #tpu.memory_space<vmem>> -> memref<512x64xf32, #tpu.memory_space<vmem>>
        %get3A_278 = arith.index_cast %add3A_273 : i32 to index
        %get3A_279 = arith.constant 0 : index
        %get3A_280 = tpu.vector_load %get3A_277[%get3A_278, %get3A_279] {strides = array<i32>} : memref<512x64xf32, #tpu.memory_space<vmem>>, vector<16xf32>,
        %slice3A_281 = vector.extract_strided_slice %get3A_260 {offsets = [1], sizes = [1], strides = [1]} : vector<16xf32> to vector<1xf32>
        %squeeze3A_282 = vector.extract %slice3A_281[0] : f32 from vector<1xf32>
        %mul3A_283 = vector.broadcast %squeeze3A_282 : f32 to vector<16xf32>
        %mul3A_284 = arith.mulf %get3A_280, %mul3A_283 : vector<16xf32>
        %add3A_285 = arith.constant 2 : i32
        %add3A_286 = arith.addi %mul3A_254, %add3A_285 : i32
        %get3A_287 = arith.constant 0 : i32
        %get3A_288 = arith.constant 0 : i32
        %get3A_289 = tpu.memref_slice %arg11[%scan3A_162, %get3A_287, %get3A_288] : memref<2x512x64xf32, #tpu.memory_space<vmem>> -> memref<1x512x64xf32, #tpu.memory_space<vmem>>
        %get3A_290 = tpu.memref_squeeze %get3A_289 : memref<1x512x64xf32, #tpu.memory_space<vmem>> -> memref<512x64xf32, #tpu.memory_space<vmem>>
        %get3A_291 = arith.index_cast %add3A_286 : i32 to index
        %get3A_292 = arith.constant 0 : index
        %get3A_293 = tpu.vector_load %get3A_290[%get3A_291, %get3A_292] {strides = array<i32>} : memref<512x64xf32, #tpu.memory_space<vmem>>, vector<16xf32>,
        %slice3A_294 = vector.extract_strided_slice %get3A_260 {offsets = [2], sizes = [1], strides = [1]} : vector<16xf32> to vector<1xf32>
        %squeeze3A_295 = vector.extract %slice3A_294[0] : f32 from vector<1xf32>
        %mul3A_296 = vector.broadcast %squeeze3A_295 : f32 to vector<16xf32>
        %mul3A_297 = arith.mulf %get3A_293, %mul3A_296 : vector<16xf32>
        %add3A_298 = arith.constant 3 : i32
        %add3A_299 = arith.addi %mul3A_254, %add3A_298 : i32
        %get3A_300 = arith.constant 0 : i32
        %get3A_301 = arith.constant 0 : i32
        %get3A_302 = tpu.memref_slice %arg11[%scan3A_162, %get3A_300, %get3A_301] : memref<2x512x64xf32, #tpu.memory_space<vmem>> -> memref<1x512x64xf32, #tpu.memory_space<vmem>>
        %get3A_303 = tpu.memref_squeeze %get3A_302 : memref<1x512x64xf32, #tpu.memory_space<vmem>> -> memref<512x64xf32, #tpu.memory_space<vmem>>
        %get3A_304 = arith.index_cast %add3A_299 : i32 to index
        %get3A_305 = arith.constant 0 : index
        %get3A_306 = tpu.vector_load %get3A_303[%get3A_304, %get3A_305] {strides = array<i32>} : memref<512x64xf32, #tpu.memory_space<vmem>>, vector<16xf32>,
        %slice3A_307 = vector.extract_strided_slice %get3A_260 {offsets = [3], sizes = [1], strides = [1]} : vector<16xf32> to vector<1xf32>
        %squeeze3A_308 = vector.extract %slice3A_307[0] : f32 from vector<1xf32>
        %mul3A_309 = vector.broadcast %squeeze3A_308 : f32 to vector<16xf32>
        %mul3A_310 = arith.mulf %get3A_306, %mul3A_309 : vector<16xf32>
        %add3A_311 = arith.addf %mul3A_271, %mul3A_284 : vector<16xf32>
        %add3A_312 = arith.addf %mul3A_297, %mul3A_310 : vector<16xf32>
        %add3A_313 = arith.addf %add3A_311, %add3A_312 : vector<16xf32>
        %swap3A = arith.constant 0 : i32
        %swap3A_314 = arith.constant 0 : i32
        %swap3A_315 = tpu.memref_slice %arg12[%scan3A_163, %swap3A, %swap3A_314] : memref<2x128x64xf32, #tpu.memory_space<vmem>> -> memref<1x128x64xf32, #tpu.memory_space<vmem>>
        %swap3A_316 = tpu.memref_squeeze %swap3A_315 : memref<1x128x64xf32, #tpu.memory_space<vmem>> -> memref<128x64xf32, #tpu.memory_space<vmem>>
        %swap3A_317 = arith.index_cast %add3A_252 : i32 to index
        %swap3A_318 = arith.constant 0 : index
        %swap3A_319 = tpu.vector_load %swap3A_316[%swap3A_317, %swap3A_318] {strides = array<i32>} : memref<128x64xf32, #tpu.memory_space<vmem>>, vector<16xf32>,
        tpu.vector_store %swap3A_316[%swap3A_317, %swap3A_318], %add3A_313 {strides = array<i32>} : memref<128x64xf32, #tpu.memory_space<vmem>>, vector<16xf32>,
        %add3A_320 = arith.constant 0 : i32
        %add3A_321 = arith.addi %mul3A_254, %add3A_320 : i32
        %get3A_322 = arith.constant 0 : i32
        %get3A_323 = arith.constant 0 : i32
        %get3A_324 = tpu.memref_slice %arg11[%scan3A_162, %get3A_322, %get3A_323] : memref<2x512x64xf32, #tpu.memory_space<vmem>> -> memref<1x512x64xf32, #tpu.memory_space<vmem>>
        %get3A_325 = tpu.memref_squeeze %get3A_324 : memref<1x512x64xf32, #tpu.memory_space<vmem>> -> memref<512x64xf32, #tpu.memory_space<vmem>>
        %get3A_326 = arith.index_cast %add3A_321 : i32 to index
        %get3A_327 = arith.constant 16 : index
        %get3A_328 = tpu.vector_load %get3A_325[%get3A_326, %get3A_327] {strides = array<i32>} : memref<512x64xf32, #tpu.memory_space<vmem>>, vector<16xf32>,
        %slice3A_329 = vector.extract_strided_slice %get3A_260 {offsets = [0], sizes = [1], strides = [1]} : vector<16xf32> to vector<1xf32>
        %squeeze3A_330 = vector.extract %slice3A_329[0] : f32 from vector<1xf32>
        %mul3A_331 = vector.broadcast %squeeze3A_330 : f32 to vector<16xf32>
        %mul3A_332 = arith.mulf %get3A_328, %mul3A_331 : vector<16xf32>
        %add3A_333 = arith.constant 1 : i32
        %add3A_334 = arith.addi %mul3A_254, %add3A_333 : i32
        %get3A_335 = arith.constant 0 : i32
        %get3A_336 = arith.constant 0 : i32
        %get3A_337 = tpu.memref_slice %arg11[%scan3A_162, %get3A_335, %get3A_336] : memref<2x512x64xf32, #tpu.memory_space<vmem>> -> memref<1x512x64xf32, #tpu.memory_space<vmem>>
        %get3A_338 = tpu.memref_squeeze %get3A_337 : memref<1x512x64xf32, #tpu.memory_space<vmem>> -> memref<512x64xf32, #tpu.memory_space<vmem>>
        %get3A_339 = arith.index_cast %add3A_334 : i32 to index
        %get3A_340 = arith.constant 16 : index
        %get3A_341 = tpu.vector_load %get3A_338[%get3A_339, %get3A_340] {strides = array<i32>} : memref<512x64xf32, #tpu.memory_space<vmem>>, vector<16xf32>,
        %slice3A_342 = vector.extract_strided_slice %get3A_260 {offsets = [1], sizes = [1], strides = [1]} : vector<16xf32> to vector<1xf32>
        %squeeze3A_343 = vector.extract %slice3A_342[0] : f32 from vector<1xf32>
        %mul3A_344 = vector.broadcast %squeeze3A_343 : f32 to vector<16xf32>
        %mul3A_345 = arith.mulf %get3A_341, %mul3A_344 : vector<16xf32>
        %add3A_346 = arith.constant 2 : i32
        %add3A_347 = arith.addi %mul3A_254, %add3A_346 : i32
        %get3A_348 = arith.constant 0 : i32
        %get3A_349 = arith.constant 0 : i32
        %get3A_350 = tpu.memref_slice %arg11[%scan3A_162, %get3A_348, %get3A_349] : memref<2x512x64xf32, #tpu.memory_space<vmem>> -> memref<1x512x64xf32, #tpu.memory_space<vmem>>
        %get3A_351 = tpu.memref_squeeze %get3A_350 : memref<1x512x64xf32, #tpu.memory_space<vmem>> -> memref<512x64xf32, #tpu.memory_space<vmem>>
        %get3A_352 = arith.index_cast %add3A_347 : i32 to index
        %get3A_353 = arith.constant 16 : index
        %get3A_354 = tpu.vector_load %get3A_351[%get3A_352, %get3A_353] {strides = array<i32>} : memref<512x64xf32, #tpu.memory_space<vmem>>, vector<16xf32>,
        %slice3A_355 = vector.extract_strided_slice %get3A_260 {offsets = [2], sizes = [1], strides = [1]} : vector<16xf32> to vector<1xf32>
        %squeeze3A_356 = vector.extract %slice3A_355[0] : f32 from vector<1xf32>
        %mul3A_357 = vector.broadcast %squeeze3A_356 : f32 to vector<16xf32>
        %mul3A_358 = arith.mulf %get3A_354, %mul3A_357 : vector<16xf32>
        %add3A_359 = arith.constant 3 : i32
        %add3A_360 = arith.addi %mul3A_254, %add3A_359 : i32
        %get3A_361 = arith.constant 0 : i32
        %get3A_362 = arith.constant 0 : i32
        %get3A_363 = tpu.memref_slice %arg11[%scan3A_162, %get3A_361, %get3A_362] : memref<2x512x64xf32, #tpu.memory_space<vmem>> -> memref<1x512x64xf32, #tpu.memory_space<vmem>>
        %get3A_364 = tpu.memref_squeeze %get3A_363 : memref<1x512x64xf32, #tpu.memory_space<vmem>> -> memref<512x64xf32, #tpu.memory_space<vmem>>
        %get3A_365 = arith.index_cast %add3A_360 : i32 to index
        %get3A_366 = arith.constant 16 : index
        %get3A_367 = tpu.vector_load %get3A_364[%get3A_365, %get3A_366] {strides = array<i32>} : memref<512x64xf32, #tpu.memory_space<vmem>>, vector<16xf32>,
        %slice3A_368 = vector.extract_strided_slice %get3A_260 {offsets = [3], sizes = [1], strides = [1]} : vector<16xf32> to vector<1xf32>
        %squeeze3A_369 = vector.extract %slice3A_368[0] : f32 from vector<1xf32>
        %mul3A_370 = vector.broadcast %squeeze3A_369 : f32 to vector<16xf32>
        %mul3A_371 = arith.mulf %get3A_367, %mul3A_370 : vector<16xf32>
        %add3A_372 = arith.addf %mul3A_332, %mul3A_345 : vector<16xf32>
        %add3A_373 = arith.addf %mul3A_358, %mul3A_371 : vector<16xf32>
        %add3A_374 = arith.addf %add3A_372, %add3A_373 : vector<16xf32>
        %swap3A_375 = arith.constant 0 : i32
        %swap3A_376 = arith.constant 0 : i32
        %swap3A_377 = tpu.memref_slice %arg12[%scan3A_163, %swap3A_375, %swap3A_376] : memref<2x128x64xf32, #tpu.memory_space<vmem>> -> memref<1x128x64xf32, #tpu.memory_space<vmem>>
        %swap3A_378 = tpu.memref_squeeze %swap3A_377 : memref<1x128x64xf32, #tpu.memory_space<vmem>> -> memref<128x64xf32, #tpu.memory_space<vmem>>
        %swap3A_379 = arith.index_cast %add3A_252 : i32 to index
        %swap3A_380 = arith.constant 16 : index
        %swap3A_381 = tpu.vector_load %swap3A_378[%swap3A_379, %swap3A_380] {strides = array<i32>} : memref<128x64xf32, #tpu.memory_space<vmem>>, vector<16xf32>,
        tpu.vector_store %swap3A_378[%swap3A_379, %swap3A_380], %add3A_374 {strides = array<i32>} : memref<128x64xf32, #tpu.memory_space<vmem>>, vector<16xf32>,
        %add3A_382 = arith.constant 0 : i32
        %add3A_383 = arith.addi %mul3A_254, %add3A_382 : i32
        %get3A_384 = arith.constant 0 : i32
        %get3A_385 = arith.constant 0 : i32
        %get3A_386 = tpu.memref_slice %arg11[%scan3A_162, %get3A_384, %get3A_385] : memref<2x512x64xf32, #tpu.memory_space<vmem>> -> memref<1x512x64xf32, #tpu.memory_space<vmem>>
        %get3A_387 = tpu.memref_squeeze %get3A_386 : memref<1x512x64xf32, #tpu.memory_space<vmem>> -> memref<512x64xf32, #tpu.memory_space<vmem>>
        %get3A_388 = arith.index_cast %add3A_383 : i32 to index
        %get3A_389 = arith.constant 32 : index
        %get3A_390 = tpu.vector_load %get3A_387[%get3A_388, %get3A_389] {strides = array<i32>} : memref<512x64xf32, #tpu.memory_space<vmem>>, vector<16xf32>,
        %slice3A_391 = vector.extract_strided_slice %get3A_260 {offsets = [0], sizes = [1], strides = [1]} : vector<16xf32> to vector<1xf32>
        %squeeze3A_392 = vector.extract %slice3A_391[0] : f32 from vector<1xf32>
        %mul3A_393 = vector.broadcast %squeeze3A_392 : f32 to vector<16xf32>
        %mul3A_394 = arith.mulf %get3A_390, %mul3A_393 : vector<16xf32>
        %add3A_395 = arith.constant 1 : i32
        %add3A_396 = arith.addi %mul3A_254, %add3A_395 : i32
        %get3A_397 = arith.constant 0 : i32
        %get3A_398 = arith.constant 0 : i32
        %get3A_399 = tpu.memref_slice %arg11[%scan3A_162, %get3A_397, %get3A_398] : memref<2x512x64xf32, #tpu.memory_space<vmem>> -> memref<1x512x64xf32, #tpu.memory_space<vmem>>
        %get3A_400 = tpu.memref_squeeze %get3A_399 : memref<1x512x64xf32, #tpu.memory_space<vmem>> -> memref<512x64xf32, #tpu.memory_space<vmem>>
        %get3A_401 = arith.index_cast %add3A_396 : i32 to index
        %get3A_402 = arith.constant 32 : index
        %get3A_403 = tpu.vector_load %get3A_400[%get3A_401, %get3A_402] {strides = array<i32>} : memref<512x64xf32, #tpu.memory_space<vmem>>, vector<16xf32>,
        %slice3A_404 = vector.extract_strided_slice %get3A_260 {offsets = [1], sizes = [1], strides = [1]} : vector<16xf32> to vector<1xf32>
        %squeeze3A_405 = vector.extract %slice3A_404[0] : f32 from vector<1xf32>
        %mul3A_406 = vector.broadcast %squeeze3A_405 : f32 to vector<16xf32>
        %mul3A_407 = arith.mulf %get3A_403, %mul3A_406 : vector<16xf32>
        %add3A_408 = arith.constant 2 : i32
        %add3A_409 = arith.addi %mul3A_254, %add3A_408 : i32
        %get3A_410 = arith.constant 0 : i32
        %get3A_411 = arith.constant 0 : i32
        %get3A_412 = tpu.memref_slice %arg11[%scan3A_162, %get3A_410, %get3A_411] : memref<2x512x64xf32, #tpu.memory_space<vmem>> -> memref<1x512x64xf32, #tpu.memory_space<vmem>>
        %get3A_413 = tpu.memref_squeeze %get3A_412 : memref<1x512x64xf32, #tpu.memory_space<vmem>> -> memref<512x64xf32, #tpu.memory_space<vmem>>
        %get3A_414 = arith.index_cast %add3A_409 : i32 to index
        %get3A_415 = arith.constant 32 : index
        %get3A_416 = tpu.vector_load %get3A_413[%get3A_414, %get3A_415] {strides = array<i32>} : memref<512x64xf32, #tpu.memory_space<vmem>>, vector<16xf32>,
        %slice3A_417 = vector.extract_strided_slice %get3A_260 {offsets = [2], sizes = [1], strides = [1]} : vector<16xf32> to vector<1xf32>
        %squeeze3A_418 = vector.extract %slice3A_417[0] : f32 from vector<1xf32>
        %mul3A_419 = vector.broadcast %squeeze3A_418 : f32 to vector<16xf32>
        %mul3A_420 = arith.mulf %get3A_416, %mul3A_419 : vector<16xf32>
        %add3A_421 = arith.constant 3 : i32
        %add3A_422 = arith.addi %mul3A_254, %add3A_421 : i32
        %get3A_423 = arith.constant 0 : i32
        %get3A_424 = arith.constant 0 : i32
        %get3A_425 = tpu.memref_slice %arg11[%scan3A_162, %get3A_423, %get3A_424] : memref<2x512x64xf32, #tpu.memory_space<vmem>> -> memref<1x512x64xf32, #tpu.memory_space<vmem>>
        %get3A_426 = tpu.memref_squeeze %get3A_425 : memref<1x512x64xf32, #tpu.memory_space<vmem>> -> memref<512x64xf32, #tpu.memory_space<vmem>>
        %get3A_427 = arith.index_cast %add3A_422 : i32 to index
        %get3A_428 = arith.constant 32 : index
        %get3A_429 = tpu.vector_load %get3A_426[%get3A_427, %get3A_428] {strides = array<i32>} : memref<512x64xf32, #tpu.memory_space<vmem>>, vector<16xf32>,
        %slice3A_430 = vector.extract_strided_slice %get3A_260 {offsets = [3], sizes = [1], strides = [1]} : vector<16xf32> to vector<1xf32>
        %squeeze3A_431 = vector.extract %slice3A_430[0] : f32 from vector<1xf32>
        %mul3A_432 = vector.broadcast %squeeze3A_431 : f32 to vector<16xf32>
        %mul3A_433 = arith.mulf %get3A_429, %mul3A_432 : vector<16xf32>
        %add3A_434 = arith.addf %mul3A_394, %mul3A_407 : vector<16xf32>
        %add3A_435 = arith.addf %mul3A_420, %mul3A_433 : vector<16xf32>
        %add3A_436 = arith.addf %add3A_434, %add3A_435 : vector<16xf32>
        %swap3A_437 = arith.constant 0 : i32
        %swap3A_438 = arith.constant 0 : i32
        %swap3A_439 = tpu.memref_slice %arg12[%scan3A_163, %swap3A_437, %swap3A_438] : memref<2x128x64xf32, #tpu.memory_space<vmem>> -> memref<1x128x64xf32, #tpu.memory_space<vmem>>
        %swap3A_440 = tpu.memref_squeeze %swap3A_439 : memref<1x128x64xf32, #tpu.memory_space<vmem>> -> memref<128x64xf32, #tpu.memory_space<vmem>>
        %swap3A_441 = arith.index_cast %add3A_252 : i32 to index
        %swap3A_442 = arith.constant 32 : index
        %swap3A_443 = tpu.vector_load %swap3A_440[%swap3A_441, %swap3A_442] {strides = array<i32>} : memref<128x64xf32, #tpu.memory_space<vmem>>, vector<16xf32>,
        tpu.vector_store %swap3A_440[%swap3A_441, %swap3A_442], %add3A_436 {strides = array<i32>} : memref<128x64xf32, #tpu.memory_space<vmem>>, vector<16xf32>,
        %add3A_444 = arith.constant 0 : i32
        %add3A_445 = arith.addi %mul3A_254, %add3A_444 : i32
        %get3A_446 = arith.constant 0 : i32
        %get3A_447 = arith.constant 0 : i32
        %get3A_448 = tpu.memref_slice %arg11[%scan3A_162, %get3A_446, %get3A_447] : memref<2x512x64xf32, #tpu.memory_space<vmem>> -> memref<1x512x64xf32, #tpu.memory_space<vmem>>
        %get3A_449 = tpu.memref_squeeze %get3A_448 : memref<1x512x64xf32, #tpu.memory_space<vmem>> -> memref<512x64xf32, #tpu.memory_space<vmem>>
        %get3A_450 = arith.index_cast %add3A_445 : i32 to index
        %get3A_451 = arith.constant 48 : index
        %get3A_452 = tpu.vector_load %get3A_449[%get3A_450, %get3A_451] {strides = array<i32>} : memref<512x64xf32, #tpu.memory_space<vmem>>, vector<16xf32>,
        %slice3A_453 = vector.extract_strided_slice %get3A_260 {offsets = [0], sizes = [1], strides = [1]} : vector<16xf32> to vector<1xf32>
        %squeeze3A_454 = vector.extract %slice3A_453[0] : f32 from vector<1xf32>
        %mul3A_455 = vector.broadcast %squeeze3A_454 : f32 to vector<16xf32>
        %mul3A_456 = arith.mulf %get3A_452, %mul3A_455 : vector<16xf32>
        %add3A_457 = arith.constant 1 : i32
        %add3A_458 = arith.addi %mul3A_254, %add3A_457 : i32
        %get3A_459 = arith.constant 0 : i32
        %get3A_460 = arith.constant 0 : i32
        %get3A_461 = tpu.memref_slice %arg11[%scan3A_162, %get3A_459, %get3A_460] : memref<2x512x64xf32, #tpu.memory_space<vmem>> -> memref<1x512x64xf32, #tpu.memory_space<vmem>>
        %get3A_462 = tpu.memref_squeeze %get3A_461 : memref<1x512x64xf32, #tpu.memory_space<vmem>> -> memref<512x64xf32, #tpu.memory_space<vmem>>
        %get3A_463 = arith.index_cast %add3A_458 : i32 to index
        %get3A_464 = arith.constant 48 : index
        %get3A_465 = tpu.vector_load %get3A_462[%get3A_463, %get3A_464] {strides = array<i32>} : memref<512x64xf32, #tpu.memory_space<vmem>>, vector<16xf32>,
        %slice3A_466 = vector.extract_strided_slice %get3A_260 {offsets = [1], sizes = [1], strides = [1]} : vector<16xf32> to vector<1xf32>
        %squeeze3A_467 = vector.extract %slice3A_466[0] : f32 from vector<1xf32>
        %mul3A_468 = vector.broadcast %squeeze3A_467 : f32 to vector<16xf32>
        %mul3A_469 = arith.mulf %get3A_465, %mul3A_468 : vector<16xf32>
        %add3A_470 = arith.constant 2 : i32
        %add3A_471 = arith.addi %mul3A_254, %add3A_470 : i32
        %get3A_472 = arith.constant 0 : i32
        %get3A_473 = arith.constant 0 : i32
        %get3A_474 = tpu.memref_slice %arg11[%scan3A_162, %get3A_472, %get3A_473] : memref<2x512x64xf32, #tpu.memory_space<vmem>> -> memref<1x512x64xf32, #tpu.memory_space<vmem>>
        %get3A_475 = tpu.memref_squeeze %get3A_474 : memref<1x512x64xf32, #tpu.memory_space<vmem>> -> memref<512x64xf32, #tpu.memory_space<vmem>>
        %get3A_476 = arith.index_cast %add3A_471 : i32 to index
        %get3A_477 = arith.constant 48 : index
        %get3A_478 = tpu.vector_load %get3A_475[%get3A_476, %get3A_477] {strides = array<i32>} : memref<512x64xf32, #tpu.memory_space<vmem>>, vector<16xf32>,
        %slice3A_479 = vector.extract_strided_slice %get3A_260 {offsets = [2], sizes = [1], strides = [1]} : vector<16xf32> to vector<1xf32>
        %squeeze3A_480 = vector.extract %slice3A_479[0] : f32 from vector<1xf32>
        %mul3A_481 = vector.broadcast %squeeze3A_480 : f32 to vector<16xf32>
        %mul3A_482 = arith.mulf %get3A_478, %mul3A_481 : vector<16xf32>
        %add3A_483 = arith.constant 3 : i32
        %add3A_484 = arith.addi %mul3A_254, %add3A_483 : i32
        %get3A_485 = arith.constant 0 : i32
        %get3A_486 = arith.constant 0 : i32
        %get3A_487 = tpu.memref_slice %arg11[%scan3A_162, %get3A_485, %get3A_486] : memref<2x512x64xf32, #tpu.memory_space<vmem>> -> memref<1x512x64xf32, #tpu.memory_space<vmem>>
        %get3A_488 = tpu.memref_squeeze %get3A_487 : memref<1x512x64xf32, #tpu.memory_space<vmem>> -> memref<512x64xf32, #tpu.memory_space<vmem>>
        %get3A_489 = arith.index_cast %add3A_484 : i32 to index
        %get3A_490 = arith.constant 48 : index
        %get3A_491 = tpu.vector_load %get3A_488[%get3A_489, %get3A_490] {strides = array<i32>} : memref<512x64xf32, #tpu.memory_space<vmem>>, vector<16xf32>,
        %slice3A_492 = vector.extract_strided_slice %get3A_260 {offsets = [3], sizes = [1], strides = [1]} : vector<16xf32> to vector<1xf32>
        %squeeze3A_493 = vector.extract %slice3A_492[0] : f32 from vector<1xf32>
        %mul3A_494 = vector.broadcast %squeeze3A_493 : f32 to vector<16xf32>
        %mul3A_495 = arith.mulf %get3A_491, %mul3A_494 : vector<16xf32>
        %add3A_496 = arith.addf %mul3A_456, %mul3A_469 : vector<16xf32>
        %add3A_497 = arith.addf %mul3A_482, %mul3A_495 : vector<16xf32>
        %add3A_498 = arith.addf %add3A_496, %add3A_497 : vector<16xf32>
        %swap3A_499 = arith.constant 0 : i32
        %swap3A_500 = arith.constant 0 : i32
        %swap3A_501 = tpu.memref_slice %arg12[%scan3A_163, %swap3A_499, %swap3A_500] : memref<2x128x64xf32, #tpu.memory_space<vmem>> -> memref<1x128x64xf32, #tpu.memory_space<vmem>>
        %swap3A_502 = tpu.memref_squeeze %swap3A_501 : memref<1x128x64xf32, #tpu.memory_space<vmem>> -> memref<128x64xf32, #tpu.memory_space<vmem>>
        %swap3A_503 = arith.index_cast %add3A_252 : i32 to index
        %swap3A_504 = arith.constant 48 : index
        %swap3A_505 = tpu.vector_load %swap3A_502[%swap3A_503, %swap3A_504] {strides = array<i32>} : memref<128x64xf32, #tpu.memory_space<vmem>>, vector<16xf32>,
        tpu.vector_store %swap3A_502[%swap3A_503, %swap3A_504], %add3A_498 {strides = array<i32>} : memref<128x64xf32, #tpu.memory_space<vmem>>, vector<16xf32>,
        %mul3A_506 = arith.constant 2 : i32
        %mul3A_507 = arith.muli %mul3A_506, %add3A_248 : i32
        %add3A_508 = arith.constant 1 : i32
        %add3A_509 = arith.addi %mul3A_507, %add3A_508 : i32
        %mul3A_510 = arith.constant 4 : i32
        %mul3A_511 = arith.muli %mul3A_510, %add3A_509 : i32
        %get3A_512 = arith.constant 0 : i32
        %get3A_513 = arith.constant 0 : i32
        %get3A_514 = tpu.memref_slice %arg10[%scan3A_161, %get3A_512, %get3A_513] : memref<2x128x16xf32, #tpu.memory_space<vmem>> -> memref<1x128x16xf32, #tpu.memory_space<vmem>>
        %get3A_515 = tpu.memref_squeeze %get3A_514 : memref<1x128x16xf32, #tpu.memory_space<vmem>> -> memref<128x16xf32, #tpu.memory_space<vmem>>
        %get3A_516 = arith.index_cast %add3A_509 : i32 to index
        %get3A_517 = arith.constant 0 : index
        %get3A_518 = tpu.vector_load %get3A_515[%get3A_516, %get3A_517] {strides = array<i32>} : memref<128x16xf32, #tpu.memory_space<vmem>>, vector<16xf32>,
        %add3A_519 = arith.constant 0 : i32
        %add3A_520 = arith.addi %mul3A_511, %add3A_519 : i32
        %get3A_521 = arith.constant 0 : i32
        %get3A_522 = arith.constant 0 : i32
        %get3A_523 = tpu.memref_slice %arg11[%scan3A_162, %get3A_521, %get3A_522] : memref<2x512x64xf32, #tpu.memory_space<vmem>> -> memref<1x512x64xf32, #tpu.memory_space<vmem>>
        %get3A_524 = tpu.memref_squeeze %get3A_523 : memref<1x512x64xf32, #tpu.memory_space<vmem>> -> memref<512x64xf32, #tpu.memory_space<vmem>>
        %get3A_525 = arith.index_cast %add3A_520 : i32 to index
        %get3A_526 = arith.constant 0 : index
        %get3A_527 = tpu.vector_load %get3A_524[%get3A_525, %get3A_526] {strides = array<i32>} : memref<512x64xf32, #tpu.memory_space<vmem>>, vector<16xf32>,
        %slice3A_528 = vector.extract_strided_slice %get3A_518 {offsets = [0], sizes = [1], strides = [1]} : vector<16xf32> to vector<1xf32>
        %squeeze3A_529 = vector.extract %slice3A_528[0] : f32 from vector<1xf32>
        %mul3A_530 = vector.broadcast %squeeze3A_529 : f32 to vector<16xf32>
        %mul3A_531 = arith.mulf %get3A_527, %mul3A_530 : vector<16xf32>
        %add3A_532 = arith.constant 1 : i32
        %add3A_533 = arith.addi %mul3A_511, %add3A_532 : i32
        %get3A_534 = arith.constant 0 : i32
        %get3A_535 = arith.constant 0 : i32
        %get3A_536 = tpu.memref_slice %arg11[%scan3A_162, %get3A_534, %get3A_535] : memref<2x512x64xf32, #tpu.memory_space<vmem>> -> memref<1x512x64xf32, #tpu.memory_space<vmem>>
        %get3A_537 = tpu.memref_squeeze %get3A_536 : memref<1x512x64xf32, #tpu.memory_space<vmem>> -> memref<512x64xf32, #tpu.memory_space<vmem>>
        %get3A_538 = arith.index_cast %add3A_533 : i32 to index
        %get3A_539 = arith.constant 0 : index
        %get3A_540 = tpu.vector_load %get3A_537[%get3A_538, %get3A_539] {strides = array<i32>} : memref<512x64xf32, #tpu.memory_space<vmem>>, vector<16xf32>,
        %slice3A_541 = vector.extract_strided_slice %get3A_518 {offsets = [1], sizes = [1], strides = [1]} : vector<16xf32> to vector<1xf32>
        %squeeze3A_542 = vector.extract %slice3A_541[0] : f32 from vector<1xf32>
        %mul3A_543 = vector.broadcast %squeeze3A_542 : f32 to vector<16xf32>
        %mul3A_544 = arith.mulf %get3A_540, %mul3A_543 : vector<16xf32>
        %add3A_545 = arith.constant 2 : i32
        %add3A_546 = arith.addi %mul3A_511, %add3A_545 : i32
        %get3A_547 = arith.constant 0 : i32
        %get3A_548 = arith.constant 0 : i32
        %get3A_549 = tpu.memref_slice %arg11[%scan3A_162, %get3A_547, %get3A_548] : memref<2x512x64xf32, #tpu.memory_space<vmem>> -> memref<1x512x64xf32, #tpu.memory_space<vmem>>
        %get3A_550 = tpu.memref_squeeze %get3A_549 : memref<1x512x64xf32, #tpu.memory_space<vmem>> -> memref<512x64xf32, #tpu.memory_space<vmem>>
        %get3A_551 = arith.index_cast %add3A_546 : i32 to index
        %get3A_552 = arith.constant 0 : index
        %get3A_553 = tpu.vector_load %get3A_550[%get3A_551, %get3A_552] {strides = array<i32>} : memref<512x64xf32, #tpu.memory_space<vmem>>, vector<16xf32>,
        %slice3A_554 = vector.extract_strided_slice %get3A_518 {offsets = [2], sizes = [1], strides = [1]} : vector<16xf32> to vector<1xf32>
        %squeeze3A_555 = vector.extract %slice3A_554[0] : f32 from vector<1xf32>
        %mul3A_556 = vector.broadcast %squeeze3A_555 : f32 to vector<16xf32>
        %mul3A_557 = arith.mulf %get3A_553, %mul3A_556 : vector<16xf32>
        %add3A_558 = arith.constant 3 : i32
        %add3A_559 = arith.addi %mul3A_511, %add3A_558 : i32
        %get3A_560 = arith.constant 0 : i32
        %get3A_561 = arith.constant 0 : i32
        %get3A_562 = tpu.memref_slice %arg11[%scan3A_162, %get3A_560, %get3A_561] : memref<2x512x64xf32, #tpu.memory_space<vmem>> -> memref<1x512x64xf32, #tpu.memory_space<vmem>>
        %get3A_563 = tpu.memref_squeeze %get3A_562 : memref<1x512x64xf32, #tpu.memory_space<vmem>> -> memref<512x64xf32, #tpu.memory_space<vmem>>
        %get3A_564 = arith.index_cast %add3A_559 : i32 to index
        %get3A_565 = arith.constant 0 : index
        %get3A_566 = tpu.vector_load %get3A_563[%get3A_564, %get3A_565] {strides = array<i32>} : memref<512x64xf32, #tpu.memory_space<vmem>>, vector<16xf32>,
        %slice3A_567 = vector.extract_strided_slice %get3A_518 {offsets = [3], sizes = [1], strides = [1]} : vector<16xf32> to vector<1xf32>
        %squeeze3A_568 = vector.extract %slice3A_567[0] : f32 from vector<1xf32>
        %mul3A_569 = vector.broadcast %squeeze3A_568 : f32 to vector<16xf32>
        %mul3A_570 = arith.mulf %get3A_566, %mul3A_569 : vector<16xf32>
        %add3A_571 = arith.addf %mul3A_531, %mul3A_544 : vector<16xf32>
        %add3A_572 = arith.addf %mul3A_557, %mul3A_570 : vector<16xf32>
        %add3A_573 = arith.addf %add3A_571, %add3A_572 : vector<16xf32>
        %swap3A_574 = arith.constant 0 : i32
        %swap3A_575 = arith.constant 0 : i32
        %swap3A_576 = tpu.memref_slice %arg12[%scan3A_163, %swap3A_574, %swap3A_575] : memref<2x128x64xf32, #tpu.memory_space<vmem>> -> memref<1x128x64xf32, #tpu.memory_space<vmem>>
        %swap3A_577 = tpu.memref_squeeze %swap3A_576 : memref<1x128x64xf32, #tpu.memory_space<vmem>> -> memref<128x64xf32, #tpu.memory_space<vmem>>
        %swap3A_578 = arith.index_cast %add3A_509 : i32 to index
        %swap3A_579 = arith.constant 0 : index
        %swap3A_580 = tpu.vector_load %swap3A_577[%swap3A_578, %swap3A_579] {strides = array<i32>} : memref<128x64xf32, #tpu.memory_space<vmem>>, vector<16xf32>,
        tpu.vector_store %swap3A_577[%swap3A_578, %swap3A_579], %add3A_573 {strides = array<i32>} : memref<128x64xf32, #tpu.memory_space<vmem>>, vector<16xf32>,
        %add3A_581 = arith.constant 0 : i32
        %add3A_582 = arith.addi %mul3A_511, %add3A_581 : i32
        %get3A_583 = arith.constant 0 : i32
        %get3A_584 = arith.constant 0 : i32
        %get3A_585 = tpu.memref_slice %arg11[%scan3A_162, %get3A_583, %get3A_584] : memref<2x512x64xf32, #tpu.memory_space<vmem>> -> memref<1x512x64xf32, #tpu.memory_space<vmem>>
        %get3A_586 = tpu.memref_squeeze %get3A_585 : memref<1x512x64xf32, #tpu.memory_space<vmem>> -> memref<512x64xf32, #tpu.memory_space<vmem>>
        %get3A_587 = arith.index_cast %add3A_582 : i32 to index
        %get3A_588 = arith.constant 16 : index
        %get3A_589 = tpu.vector_load %get3A_586[%get3A_587, %get3A_588] {strides = array<i32>} : memref<512x64xf32, #tpu.memory_space<vmem>>, vector<16xf32>,
        %slice3A_590 = vector.extract_strided_slice %get3A_518 {offsets = [0], sizes = [1], strides = [1]} : vector<16xf32> to vector<1xf32>
        %squeeze3A_591 = vector.extract %slice3A_590[0] : f32 from vector<1xf32>
        %mul3A_592 = vector.broadcast %squeeze3A_591 : f32 to vector<16xf32>
        %mul3A_593 = arith.mulf %get3A_589, %mul3A_592 : vector<16xf32>
        %add3A_594 = arith.constant 1 : i32
        %add3A_595 = arith.addi %mul3A_511, %add3A_594 : i32
        %get3A_596 = arith.constant 0 : i32
        %get3A_597 = arith.constant 0 : i32
        %get3A_598 = tpu.memref_slice %arg11[%scan3A_162, %get3A_596, %get3A_597] : memref<2x512x64xf32, #tpu.memory_space<vmem>> -> memref<1x512x64xf32, #tpu.memory_space<vmem>>
        %get3A_599 = tpu.memref_squeeze %get3A_598 : memref<1x512x64xf32, #tpu.memory_space<vmem>> -> memref<512x64xf32, #tpu.memory_space<vmem>>
        %get3A_600 = arith.index_cast %add3A_595 : i32 to index
        %get3A_601 = arith.constant 16 : index
        %get3A_602 = tpu.vector_load %get3A_599[%get3A_600, %get3A_601] {strides = array<i32>} : memref<512x64xf32, #tpu.memory_space<vmem>>, vector<16xf32>,
        %slice3A_603 = vector.extract_strided_slice %get3A_518 {offsets = [1], sizes = [1], strides = [1]} : vector<16xf32> to vector<1xf32>
        %squeeze3A_604 = vector.extract %slice3A_603[0] : f32 from vector<1xf32>
        %mul3A_605 = vector.broadcast %squeeze3A_604 : f32 to vector<16xf32>
        %mul3A_606 = arith.mulf %get3A_602, %mul3A_605 : vector<16xf32>
        %add3A_607 = arith.constant 2 : i32
        %add3A_608 = arith.addi %mul3A_511, %add3A_607 : i32
        %get3A_609 = arith.constant 0 : i32
        %get3A_610 = arith.constant 0 : i32
        %get3A_611 = tpu.memref_slice %arg11[%scan3A_162, %get3A_609, %get3A_610] : memref<2x512x64xf32, #tpu.memory_space<vmem>> -> memref<1x512x64xf32, #tpu.memory_space<vmem>>
        %get3A_612 = tpu.memref_squeeze %get3A_611 : memref<1x512x64xf32, #tpu.memory_space<vmem>> -> memref<512x64xf32, #tpu.memory_space<vmem>>
        %get3A_613 = arith.index_cast %add3A_608 : i32 to index
        %get3A_614 = arith.constant 16 : index
        %get3A_615 = tpu.vector_load %get3A_612[%get3A_613, %get3A_614] {strides = array<i32>} : memref<512x64xf32, #tpu.memory_space<vmem>>, vector<16xf32>,
        %slice3A_616 = vector.extract_strided_slice %get3A_518 {offsets = [2], sizes = [1], strides = [1]} : vector<16xf32> to vector<1xf32>
        %squeeze3A_617 = vector.extract %slice3A_616[0] : f32 from vector<1xf32>
        %mul3A_618 = vector.broadcast %squeeze3A_617 : f32 to vector<16xf32>
        %mul3A_619 = arith.mulf %get3A_615, %mul3A_618 : vector<16xf32>
        %add3A_620 = arith.constant 3 : i32
        %add3A_621 = arith.addi %mul3A_511, %add3A_620 : i32
        %get3A_622 = arith.constant 0 : i32
        %get3A_623 = arith.constant 0 : i32
        %get3A_624 = tpu.memref_slice %arg11[%scan3A_162, %get3A_622, %get3A_623] : memref<2x512x64xf32, #tpu.memory_space<vmem>> -> memref<1x512x64xf32, #tpu.memory_space<vmem>>
        %get3A_625 = tpu.memref_squeeze %get3A_624 : memref<1x512x64xf32, #tpu.memory_space<vmem>> -> memref<512x64xf32, #tpu.memory_space<vmem>>
        %get3A_626 = arith.index_cast %add3A_621 : i32 to index
        %get3A_627 = arith.constant 16 : index
        %get3A_628 = tpu.vector_load %get3A_625[%get3A_626, %get3A_627] {strides = array<i32>} : memref<512x64xf32, #tpu.memory_space<vmem>>, vector<16xf32>,
        %slice3A_629 = vector.extract_strided_slice %get3A_518 {offsets = [3], sizes = [1], strides = [1]} : vector<16xf32> to vector<1xf32>
        %squeeze3A_630 = vector.extract %slice3A_629[0] : f32 from vector<1xf32>
        %mul3A_631 = vector.broadcast %squeeze3A_630 : f32 to vector<16xf32>
        %mul3A_632 = arith.mulf %get3A_628, %mul3A_631 : vector<16xf32>
        %add3A_633 = arith.addf %mul3A_593, %mul3A_606 : vector<16xf32>
        %add3A_634 = arith.addf %mul3A_619, %mul3A_632 : vector<16xf32>
        %add3A_635 = arith.addf %add3A_633, %add3A_634 : vector<16xf32>
        %swap3A_636 = arith.constant 0 : i32
        %swap3A_637 = arith.constant 0 : i32
        %swap3A_638 = tpu.memref_slice %arg12[%scan3A_163, %swap3A_636, %swap3A_637] : memref<2x128x64xf32, #tpu.memory_space<vmem>> -> memref<1x128x64xf32, #tpu.memory_space<vmem>>
        %swap3A_639 = tpu.memref_squeeze %swap3A_638 : memref<1x128x64xf32, #tpu.memory_space<vmem>> -> memref<128x64xf32, #tpu.memory_space<vmem>>
        %swap3A_640 = arith.index_cast %add3A_509 : i32 to index
        %swap3A_641 = arith.constant 16 : index
        %swap3A_642 = tpu.vector_load %swap3A_639[%swap3A_640, %swap3A_641] {strides = array<i32>} : memref<128x64xf32, #tpu.memory_space<vmem>>, vector<16xf32>,
        tpu.vector_store %swap3A_639[%swap3A_640, %swap3A_641], %add3A_635 {strides = array<i32>} : memref<128x64xf32, #tpu.memory_space<vmem>>, vector<16xf32>,
        %add3A_643 = arith.constant 0 : i32
        %add3A_644 = arith.addi %mul3A_511, %add3A_643 : i32
        %get3A_645 = arith.constant 0 : i32
        %get3A_646 = arith.constant 0 : i32
        %get3A_647 = tpu.memref_slice %arg11[%scan3A_162, %get3A_645, %get3A_646] : memref<2x512x64xf32, #tpu.memory_space<vmem>> -> memref<1x512x64xf32, #tpu.memory_space<vmem>>
        %get3A_648 = tpu.memref_squeeze %get3A_647 : memref<1x512x64xf32, #tpu.memory_space<vmem>> -> memref<512x64xf32, #tpu.memory_space<vmem>>
        %get3A_649 = arith.index_cast %add3A_644 : i32 to index
        %get3A_650 = arith.constant 32 : index
        %get3A_651 = tpu.vector_load %get3A_648[%get3A_649, %get3A_650] {strides = array<i32>} : memref<512x64xf32, #tpu.memory_space<vmem>>, vector<16xf32>,
        %slice3A_652 = vector.extract_strided_slice %get3A_518 {offsets = [0], sizes = [1], strides = [1]} : vector<16xf32> to vector<1xf32>
        %squeeze3A_653 = vector.extract %slice3A_652[0] : f32 from vector<1xf32>
        %mul3A_654 = vector.broadcast %squeeze3A_653 : f32 to vector<16xf32>
        %mul3A_655 = arith.mulf %get3A_651, %mul3A_654 : vector<16xf32>
        %add3A_656 = arith.constant 1 : i32
        %add3A_657 = arith.addi %mul3A_511, %add3A_656 : i32
        %get3A_658 = arith.constant 0 : i32
        %get3A_659 = arith.constant 0 : i32
        %get3A_660 = tpu.memref_slice %arg11[%scan3A_162, %get3A_658, %get3A_659] : memref<2x512x64xf32, #tpu.memory_space<vmem>> -> memref<1x512x64xf32, #tpu.memory_space<vmem>>
        %get3A_661 = tpu.memref_squeeze %get3A_660 : memref<1x512x64xf32, #tpu.memory_space<vmem>> -> memref<512x64xf32, #tpu.memory_space<vmem>>
        %get3A_662 = arith.index_cast %add3A_657 : i32 to index
        %get3A_663 = arith.constant 32 : index
        %get3A_664 = tpu.vector_load %get3A_661[%get3A_662, %get3A_663] {strides = array<i32>} : memref<512x64xf32, #tpu.memory_space<vmem>>, vector<16xf32>,
        %slice3A_665 = vector.extract_strided_slice %get3A_518 {offsets = [1], sizes = [1], strides = [1]} : vector<16xf32> to vector<1xf32>
        %squeeze3A_666 = vector.extract %slice3A_665[0] : f32 from vector<1xf32>
        %mul3A_667 = vector.broadcast %squeeze3A_666 : f32 to vector<16xf32>
        %mul3A_668 = arith.mulf %get3A_664, %mul3A_667 : vector<16xf32>
        %add3A_669 = arith.constant 2 : i32
        %add3A_670 = arith.addi %mul3A_511, %add3A_669 : i32
        %get3A_671 = arith.constant 0 : i32
        %get3A_672 = arith.constant 0 : i32
        %get3A_673 = tpu.memref_slice %arg11[%scan3A_162, %get3A_671, %get3A_672] : memref<2x512x64xf32, #tpu.memory_space<vmem>> -> memref<1x512x64xf32, #tpu.memory_space<vmem>>
        %get3A_674 = tpu.memref_squeeze %get3A_673 : memref<1x512x64xf32, #tpu.memory_space<vmem>> -> memref<512x64xf32, #tpu.memory_space<vmem>>
        %get3A_675 = arith.index_cast %add3A_670 : i32 to index
        %get3A_676 = arith.constant 32 : index
        %get3A_677 = tpu.vector_load %get3A_674[%get3A_675, %get3A_676] {strides = array<i32>} : memref<512x64xf32, #tpu.memory_space<vmem>>, vector<16xf32>,
        %slice3A_678 = vector.extract_strided_slice %get3A_518 {offsets = [2], sizes = [1], strides = [1]} : vector<16xf32> to vector<1xf32>
        %squeeze3A_679 = vector.extract %slice3A_678[0] : f32 from vector<1xf32>
        %mul3A_680 = vector.broadcast %squeeze3A_679 : f32 to vector<16xf32>
        %mul3A_681 = arith.mulf %get3A_677, %mul3A_680 : vector<16xf32>
        %add3A_682 = arith.constant 3 : i32
        %add3A_683 = arith.addi %mul3A_511, %add3A_682 : i32
        %get3A_684 = arith.constant 0 : i32
        %get3A_685 = arith.constant 0 : i32
        %get3A_686 = tpu.memref_slice %arg11[%scan3A_162, %get3A_684, %get3A_685] : memref<2x512x64xf32, #tpu.memory_space<vmem>> -> memref<1x512x64xf32, #tpu.memory_space<vmem>>
        %get3A_687 = tpu.memref_squeeze %get3A_686 : memref<1x512x64xf32, #tpu.memory_space<vmem>> -> memref<512x64xf32, #tpu.memory_space<vmem>>
        %get3A_688 = arith.index_cast %add3A_683 : i32 to index
        %get3A_689 = arith.constant 32 : index
        %get3A_690 = tpu.vector_load %get3A_687[%get3A_688, %get3A_689] {strides = array<i32>} : memref<512x64xf32, #tpu.memory_space<vmem>>, vector<16xf32>,
        %slice3A_691 = vector.extract_strided_slice %get3A_518 {offsets = [3], sizes = [1], strides = [1]} : vector<16xf32> to vector<1xf32>
        %squeeze3A_692 = vector.extract %slice3A_691[0] : f32 from vector<1xf32>
        %mul3A_693 = vector.broadcast %squeeze3A_692 : f32 to vector<16xf32>
        %mul3A_694 = arith.mulf %get3A_690, %mul3A_693 : vector<16xf32>
        %add3A_695 = arith.addf %mul3A_655, %mul3A_668 : vector<16xf32>
        %add3A_696 = arith.addf %mul3A_681, %mul3A_694 : vector<16xf32>
        %add3A_697 = arith.addf %add3A_695, %add3A_696 : vector<16xf32>
        %swap3A_698 = arith.constant 0 : i32
        %swap3A_699 = arith.constant 0 : i32
        %swap3A_700 = tpu.memref_slice %arg12[%scan3A_163, %swap3A_698, %swap3A_699] : memref<2x128x64xf32, #tpu.memory_space<vmem>> -> memref<1x128x64xf32, #tpu.memory_space<vmem>>
        %swap3A_701 = tpu.memref_squeeze %swap3A_700 : memref<1x128x64xf32, #tpu.memory_space<vmem>> -> memref<128x64xf32, #tpu.memory_space<vmem>>
        %swap3A_702 = arith.index_cast %add3A_509 : i32 to index
        %swap3A_703 = arith.constant 32 : index
        %swap3A_704 = tpu.vector_load %swap3A_701[%swap3A_702, %swap3A_703] {strides = array<i32>} : memref<128x64xf32, #tpu.memory_space<vmem>>, vector<16xf32>,
        tpu.vector_store %swap3A_701[%swap3A_702, %swap3A_703], %add3A_697 {strides = array<i32>} : memref<128x64xf32, #tpu.memory_space<vmem>>, vector<16xf32>,
        %add3A_705 = arith.constant 0 : i32
        %add3A_706 = arith.addi %mul3A_511, %add3A_705 : i32
        %get3A_707 = arith.constant 0 : i32
        %get3A_708 = arith.constant 0 : i32
        %get3A_709 = tpu.memref_slice %arg11[%scan3A_162, %get3A_707, %get3A_708] : memref<2x512x64xf32, #tpu.memory_space<vmem>> -> memref<1x512x64xf32, #tpu.memory_space<vmem>>
        %get3A_710 = tpu.memref_squeeze %get3A_709 : memref<1x512x64xf32, #tpu.memory_space<vmem>> -> memref<512x64xf32, #tpu.memory_space<vmem>>
        %get3A_711 = arith.index_cast %add3A_706 : i32 to index
        %get3A_712 = arith.constant 48 : index
        %get3A_713 = tpu.vector_load %get3A_710[%get3A_711, %get3A_712] {strides = array<i32>} : memref<512x64xf32, #tpu.memory_space<vmem>>, vector<16xf32>,
        %slice3A_714 = vector.extract_strided_slice %get3A_518 {offsets = [0], sizes = [1], strides = [1]} : vector<16xf32> to vector<1xf32>
        %squeeze3A_715 = vector.extract %slice3A_714[0] : f32 from vector<1xf32>
        %mul3A_716 = vector.broadcast %squeeze3A_715 : f32 to vector<16xf32>
        %mul3A_717 = arith.mulf %get3A_713, %mul3A_716 : vector<16xf32>
        %add3A_718 = arith.constant 1 : i32
        %add3A_719 = arith.addi %mul3A_511, %add3A_718 : i32
        %get3A_720 = arith.constant 0 : i32
        %get3A_721 = arith.constant 0 : i32
        %get3A_722 = tpu.memref_slice %arg11[%scan3A_162, %get3A_720, %get3A_721] : memref<2x512x64xf32, #tpu.memory_space<vmem>> -> memref<1x512x64xf32, #tpu.memory_space<vmem>>
        %get3A_723 = tpu.memref_squeeze %get3A_722 : memref<1x512x64xf32, #tpu.memory_space<vmem>> -> memref<512x64xf32, #tpu.memory_space<vmem>>
        %get3A_724 = arith.index_cast %add3A_719 : i32 to index
        %get3A_725 = arith.constant 48 : index
        %get3A_726 = tpu.vector_load %get3A_723[%get3A_724, %get3A_725] {strides = array<i32>} : memref<512x64xf32, #tpu.memory_space<vmem>>, vector<16xf32>,
        %slice3A_727 = vector.extract_strided_slice %get3A_518 {offsets = [1], sizes = [1], strides = [1]} : vector<16xf32> to vector<1xf32>
        %squeeze3A_728 = vector.extract %slice3A_727[0] : f32 from vector<1xf32>
        %mul3A_729 = vector.broadcast %squeeze3A_728 : f32 to vector<16xf32>
        %mul3A_730 = arith.mulf %get3A_726, %mul3A_729 : vector<16xf32>
        %add3A_731 = arith.constant 2 : i32
        %add3A_732 = arith.addi %mul3A_511, %add3A_731 : i32
        %get3A_733 = arith.constant 0 : i32
        %get3A_734 = arith.constant 0 : i32
        %get3A_735 = tpu.memref_slice %arg11[%scan3A_162, %get3A_733, %get3A_734] : memref<2x512x64xf32, #tpu.memory_space<vmem>> -> memref<1x512x64xf32, #tpu.memory_space<vmem>>
        %get3A_736 = tpu.memref_squeeze %get3A_735 : memref<1x512x64xf32, #tpu.memory_space<vmem>> -> memref<512x64xf32, #tpu.memory_space<vmem>>
        %get3A_737 = arith.index_cast %add3A_732 : i32 to index
        %get3A_738 = arith.constant 48 : index
        %get3A_739 = tpu.vector_load %get3A_736[%get3A_737, %get3A_738] {strides = array<i32>} : memref<512x64xf32, #tpu.memory_space<vmem>>, vector<16xf32>,
        %slice3A_740 = vector.extract_strided_slice %get3A_518 {offsets = [2], sizes = [1], strides = [1]} : vector<16xf32> to vector<1xf32>
        %squeeze3A_741 = vector.extract %slice3A_740[0] : f32 from vector<1xf32>
        %mul3A_742 = vector.broadcast %squeeze3A_741 : f32 to vector<16xf32>
        %mul3A_743 = arith.mulf %get3A_739, %mul3A_742 : vector<16xf32>
        %add3A_744 = arith.constant 3 : i32
        %add3A_745 = arith.addi %mul3A_511, %add3A_744 : i32
        %get3A_746 = arith.constant 0 : i32
        %get3A_747 = arith.constant 0 : i32
        %get3A_748 = tpu.memref_slice %arg11[%scan3A_162, %get3A_746, %get3A_747] : memref<2x512x64xf32, #tpu.memory_space<vmem>> -> memref<1x512x64xf32, #tpu.memory_space<vmem>>
        %get3A_749 = tpu.memref_squeeze %get3A_748 : memref<1x512x64xf32, #tpu.memory_space<vmem>> -> memref<512x64xf32, #tpu.memory_space<vmem>>
        %get3A_750 = arith.index_cast %add3A_745 : i32 to index
        %get3A_751 = arith.constant 48 : index
        %get3A_752 = tpu.vector_load %get3A_749[%get3A_750, %get3A_751] {strides = array<i32>} : memref<512x64xf32, #tpu.memory_space<vmem>>, vector<16xf32>,
        %slice3A_753 = vector.extract_strided_slice %get3A_518 {offsets = [3], sizes = [1], strides = [1]} : vector<16xf32> to vector<1xf32>
        %squeeze3A_754 = vector.extract %slice3A_753[0] : f32 from vector<1xf32>
        %mul3A_755 = vector.broadcast %squeeze3A_754 : f32 to vector<16xf32>
        %mul3A_756 = arith.mulf %get3A_752, %mul3A_755 : vector<16xf32>
        %add3A_757 = arith.addf %mul3A_717, %mul3A_730 : vector<16xf32>
        %add3A_758 = arith.addf %mul3A_743, %mul3A_756 : vector<16xf32>
        %add3A_759 = arith.addf %add3A_757, %add3A_758 : vector<16xf32>
        %swap3A_760 = arith.constant 0 : i32
        %swap3A_761 = arith.constant 0 : i32
        %swap3A_762 = tpu.memref_slice %arg12[%scan3A_163, %swap3A_760, %swap3A_761] : memref<2x128x64xf32, #tpu.memory_space<vmem>> -> memref<1x128x64xf32, #tpu.memory_space<vmem>>
        %swap3A_763 = tpu.memref_squeeze %swap3A_762 : memref<1x128x64xf32, #tpu.memory_space<vmem>> -> memref<128x64xf32, #tpu.memory_space<vmem>>
        %swap3A_764 = arith.index_cast %add3A_509 : i32 to index
        %swap3A_765 = arith.constant 48 : index
        %swap3A_766 = tpu.vector_load %swap3A_763[%swap3A_764, %swap3A_765] {strides = array<i32>} : memref<128x64xf32, #tpu.memory_space<vmem>>, vector<16xf32>,
        tpu.vector_store %swap3A_763[%swap3A_764, %swap3A_765], %add3A_759 {strides = array<i32>} : memref<128x64xf32, #tpu.memory_space<vmem>>, vector<16xf32>,
      }
      %scan3A_168 = arith.constant 64 : i32
      %mul3A_169 = arith.constant 128 : i32
      %mul3A_170 = arith.muli %add3A_107, %mul3A_169 : i32
      %add3A_171 = arith.addi %multiple_of3A, %mul3A_170 : i32
      %multiple_of3A_172 = tpu.assume_multiple %add3A_171, 128 : i32
      %dma_start3A_173 = arith.constant 0 : i32
      %dma_start3A_174 = arith.constant 0 : i32
      %dma_start3A_175 = arith.constant 0 : i32
      %dma_start3A_176 = tpu.memref_slice %arg12[%dma_start3A_173, %dma_start3A_174, %dma_start3A_175] : memref<2x128x64xf32, #tpu.memory_space<vmem>> -> memref<1x128x64xf32, #tpu.memory_space<vmem>>
      %dma_start3A_177 = tpu.memref_squeeze %dma_start3A_176 : memref<1x128x64xf32, #tpu.memory_space<vmem>> -> memref<128x64xf32, #tpu.memory_space<vmem>>
      %dma_start3A_178 = arith.constant 0 : i32
      %dma_start3A_179 = tpu.memref_slice %arg5[%multiple_of3A_172, %dma_start3A_178] : memref<204800x64xf32, #tpu.memory_space<hbm>> -> memref<128x64xf32, #tpu.memory_space<hbm>>
      %dma_start3A_180 = arith.constant 0 : i32
      %dma_start3A_181 = tpu.memref_slice %arg5[%multiple_of3A_172, %dma_start3A_180] : memref<204800x64xf32, #tpu.memory_space<hbm>> -> memref<128x64xf32, #tpu.memory_space<hbm>>
      %dma_start3A_182 = arith.constant 0 : i32
      %dma_start3A_183 = arith.constant 0 : i32
      %dma_start3A_184 = tpu.memref_slice %arg12[%dma_start3A_173, %dma_start3A_182, %dma_start3A_183] : memref<2x128x64xf32, #tpu.memory_space<vmem>> -> memref<1x128x64xf32, #tpu.memory_space<vmem>>
      %dma_start3A_185 = tpu.memref_squeeze %dma_start3A_184 : memref<1x128x64xf32, #tpu.memory_space<vmem>> -> memref<128x64xf32, #tpu.memory_space<vmem>>
      tpu.enqueue_dma source(%dma_start3A_185 : memref<128x64xf32, #tpu.memory_space<vmem>>) target(%dma_start3A_181 : memref<128x64xf32, #tpu.memory_space<hbm>>) target_semaphore(%arg19 : memref<!tpu.dma_semaphore, #tpu.memory_space<semaphore_mem>>)
      %add3A_186 = arith.constant 2 : i32
      %add3A_187 = arith.addi %add3A_107, %add3A_186 : i32
      %lt3A = arith.constant 50 : i32
      %lt3A_188 = arith.cmpi slt, %add3A_187, %lt3A : i32
      %convert_element_type3A_189 = arith.extui %lt3A_188 : i1 to i32
      %cond3A_190 = arith.constant 0 : i32
      %cond3A_191 = arith.cmpi ne, %convert_element_type3A_189, %cond3A_190 : i32
      scf.if %cond3A_191 {
        %add3A_244 = arith.constant 2 : i32
        %add3A_245 = arith.addi %add3A_107, %add3A_244 : i32
        %mul3A_246 = arith.constant 128 : i32
        %mul3A_247 = arith.muli %add3A_245, %mul3A_246 : i32
        %multiple_of3A_248 = tpu.assume_multiple %mul3A_247, 128 : i32
        %dma_start3A_249 = arith.constant 0 : i32
        %dma_start3A_250 = arith.constant 0 : i32
        %dma_start3A_251 = arith.constant 0 : i32
        %dma_start3A_252 = tpu.memref_slice %arg8[%dma_start3A_249, %dma_start3A_250, %dma_start3A_251] : memref<2x128x16xi32, #tpu.memory_space<vmem>> -> memref<1x128x16xi32, #tpu.memory_space<vmem>>
        %dma_start3A_253 = tpu.memref_squeeze %dma_start3A_252 : memref<1x128x16xi32, #tpu.memory_space<vmem>> -> memref<128x16xi32, #tpu.memory_space<vmem>>
        %dma_start3A_254 = tpu.memref_slice %arg7[%multiple_of3A_248] : memref<6400xi32, #tpu.memory_space<vmem>> -> memref<128xi32, #tpu.memory_space<vmem>>
        %dma_start3A_255 = arith.constant 0 : i32
        %dma_start3A_256 = arith.constant 0 : i32
        %dma_start3A_257 = tpu.memref_slice %arg13[%dma_start3A_255, %dma_start3A_256] : memref<25000x16xi32, #tpu.memory_space<vmem_shared>> -> memref<25000x16xi32, #tpu.memory_space<vmem_shared>>
        tpu.enqueue_indirect_dma source(%dma_start3A_257 : memref<25000x16xi32, #tpu.memory_space<vmem_shared>>) target(%dma_start3A_253 : memref<128x16xi32, #tpu.memory_space<vmem>>) offsets(%dma_start3A_254 : memref<128xi32, #tpu.memory_space<vmem>>) semaphore(%arg15 : memref<!tpu.dma_semaphore, #tpu.memory_space<semaphore_mem>>)
        %add3A_258 = arith.constant 2 : i32
        %add3A_259 = arith.addi %add3A_107, %add3A_258 : i32
        %mul3A_260 = arith.constant 128 : i32
        %mul3A_261 = arith.muli %add3A_259, %mul3A_260 : i32
        %multiple_of3A_262 = tpu.assume_multiple %mul3A_261, 128 : i32
        %dma_wait3A_263 = arith.constant 0 : i32
        %dma_wait3A_264 = arith.constant 0 : i32
        %dma_wait3A_265 = arith.constant 0 : i32
        %dma_wait3A_266 = tpu.memref_slice %arg8[%dma_wait3A_263, %dma_wait3A_264, %dma_wait3A_265] : memref<2x128x16xi32, #tpu.memory_space<vmem>> -> memref<1x128x16xi32, #tpu.memory_space<vmem>>
        %dma_wait3A_267 = tpu.memref_squeeze %dma_wait3A_266 : memref<1x128x16xi32, #tpu.memory_space<vmem>> -> memref<128x16xi32, #tpu.memory_space<vmem>>
        %dma_wait3A_268 = tpu.memref_slice %arg7[%multiple_of3A_262] : memref<6400xi32, #tpu.memory_space<vmem>> -> memref<128xi32, #tpu.memory_space<vmem>>
        %dma_wait3A_269 = arith.constant 0 : i32
        %dma_wait3A_270 = arith.constant 0 : i32
        %dma_wait3A_271 = tpu.memref_slice %arg13[%dma_wait3A_269, %dma_wait3A_270] : memref<25000x16xi32, #tpu.memory_space<vmem_shared>> -> memref<25000x16xi32, #tpu.memory_space<vmem_shared>>
        tpu.wait_indirect_dma semaphore(%arg15 : memref<!tpu.dma_semaphore, #tpu.memory_space<semaphore_mem>>) src(%dma_wait3A_271 : memref<25000x16xi32, #tpu.memory_space<vmem_shared>>) dst(%dma_wait3A_267 : memref<128x16xi32, #tpu.memory_space<vmem>>)
        %mul3A_272 = arith.constant 128 : i32
        %mul3A_273 = arith.muli %add3A_259, %mul3A_272 : i32
        %scan3A_274 = arith.constant 0 : i32
        %scan3A_275 = arith.constant 0 : i32
        %scan3A_276 = arith.constant 0 : i32
        %scan3A_277 = arith.constant 0 : i32
        %scan3A_278 = arith.constant 32 : i32
        %scan3A_279 = arith.addi %scan3A_277, %scan3A_278 : i32
        %scan3A_280 = arith.constant 1 : i32
        scf.for %scan3A_294 = %scan3A_277 to %scan3A_279 step %scan3A_280  : i32 {
          %mul3A_295 = arith.constant 1 : i32
          %mul3A_296 = arith.muli %scan3A_294, %mul3A_295 : i32
          %add3A_297 = arith.constant 0 : i32
          %add3A_298 = arith.addi %add3A_297, %mul3A_296 : i32
          %broadcast_in_dim3A = arith.constant 1.000000e+00 : f32
          %broadcast_in_dim3A_299 = vector.broadcast %broadcast_in_dim3A : f32 to vector<16xf32>
          %broadcast_in_dim3A_300 = arith.constant 0.000000e+00 : f32
          %broadcast_in_dim3A_301 = vector.broadcast %broadcast_in_dim3A_300 : f32 to vector<16xf32>
          %iota3A = tpu.iota {dimensions = array<i32: 0>} : vector<16xi32>
          %and3A = arith.constant 3 : i32
          %and3A_302 = vector.broadcast %and3A : i32 to vector<16xi32>
          %and3A_303 = arith.andi %iota3A, %and3A_302 : vector<16xi32>
          %shift_right_arithmetic3A = arith.constant 2 : i32
          %shift_right_arithmetic3A_304 = vector.broadcast %shift_right_arithmetic3A : i32 to vector<16xi32>
          %shift_right_arithmetic3A_305 = arith.shrsi %iota3A, %shift_right_arithmetic3A_304 : vector<16xi32>
          %mul3A_306 = arith.constant 4 : i32
          %mul3A_307 = arith.muli %mul3A_306, %add3A_298 : i32
          %add3A_308 = vector.broadcast %mul3A_307 : i32 to vector<16xi32>
          %add3A_309 = arith.addi %shift_right_arithmetic3A_305, %add3A_308 : vector<16xi32>
          %add3A_310 = vector.broadcast %mul3A_273 : i32 to vector<16xi32>
          %add3A_311 = arith.addi %add3A_310, %add3A_309 : vector<16xi32>
          %gather3A = tpu.vector_load_idx %arg6[%add3A_311] : memref<6400xi32, #tpu.memory_space<vmem>>[vector<16xi32>], vector<16xi32>,
          %and3A_312 = arith.constant 3 : i32
          %and3A_313 = vector.broadcast %and3A_312 : i32 to vector<16xi32>
          %and3A_314 = arith.andi %gather3A, %and3A_313 : vector<16xi32>
          %shift_left3A = arith.constant 2 : i32
          %shift_left3A_315 = vector.broadcast %shift_left3A : i32 to vector<16xi32>
          %shift_left3A_316 = arith.shli %and3A_314, %shift_left3A_315 : vector<16xi32>
          %add3A_317 = arith.addi %shift_left3A_316, %and3A_303 : vector<16xi32>
          %gather3A_318 = arith.constant 0 : i32
          %gather3A_319 = arith.constant 0 : i32
          %gather3A_320 = tpu.memref_slice %arg8[%scan3A_274, %gather3A_318, %gather3A_319] : memref<2x128x16xi32, #tpu.memory_space<vmem>> -> memref<1x128x16xi32, #tpu.memory_space<vmem>>
          %gather3A_321 = tpu.memref_squeeze %gather3A_320 : memref<1x128x16xi32, #tpu.memory_space<vmem>> -> memref<128x16xi32, #tpu.memory_space<vmem>>
          %gather3A_322 = tpu.vector_load_idx %gather3A_321[%add3A_309, %add3A_317] : memref<128x16xi32, #tpu.memory_space<vmem>>[vector<16xi32>, vector<16xi32>], vector<16xi32>,
          %mul3A_323 = arith.constant 16 : i32
          %mul3A_324 = arith.muli %mul3A_323, %add3A_298 : i32
          %swap3A = arith.constant 0 : i32
          %swap3A_325 = tpu.memref_slice %arg9[%scan3A_275, %swap3A] : memref<2x512xi32, #tpu.memory_space<vmem>> -> memref<1x512xi32, #tpu.memory_space<vmem>>
          %swap3A_326 = tpu.memref_squeeze %swap3A_325 : memref<1x512xi32, #tpu.memory_space<vmem>> -> memref<512xi32, #tpu.memory_space<vmem>>
          %swap3A_327 = arith.index_cast %mul3A_324 : i32 to index
          %swap3A_328 = tpu.vector_load %swap3A_326[%swap3A_327] {strides = array<i32>} : memref<512xi32, #tpu.memory_space<vmem>>, vector<16xi32>,
          tpu.vector_store %swap3A_326[%swap3A_327], %gather3A_322 {strides = array<i32>} : memref<512xi32, #tpu.memory_space<vmem>>, vector<16xi32>,
          %ne3A = arith.constant 0 : i32
          %ne3A_329 = vector.broadcast %ne3A : i32 to vector<16xi32>
          %ne3A_330 = arith.cmpi ne, %gather3A_322, %ne3A_329 : vector<16xi32>
          %select_n3A = arith.select %ne3A_330, %broadcast_in_dim3A_299, %broadcast_in_dim3A_301 : vector<16xi1>, vector<16xf32>
          %scatter3A = arith.constant 0 : i32
          %scatter3A_331 = arith.constant 0 : i32
          %scatter3A_332 = tpu.memref_slice %arg10[%scan3A_276, %scatter3A, %scatter3A_331] : memref<2x128x16xf32, #tpu.memory_space<vmem>> -> memref<1x128x16xf32, #tpu.memory_space<vmem>>
          %scatter3A_333 = tpu.memref_squeeze %scatter3A_332 : memref<1x128x16xf32, #tpu.memory_space<vmem>> -> memref<128x16xf32, #tpu.memory_space<vmem>>
          tpu.vector_store_idx %scatter3A_333[%add3A_309, %and3A_303], %select_n3A : memref<128x16xf32, #tpu.memory_space<vmem>>[vector<16xi32>, vector<16xi32>], vector<16xf32>,
        }
        %scan3A_281 = arith.constant 32 : i32
        %dma_start3A_282 = arith.constant 0 : i32
        %dma_start3A_283 = arith.constant 0 : i32
        %dma_start3A_284 = arith.constant 0 : i32
        %dma_start3A_285 = arith.constant 0 : i32
        %dma_start3A_286 = tpu.memref_slice %arg11[%dma_start3A_283, %dma_start3A_284, %dma_start3A_285] : memref<2x512x64xf32, #tpu.memory_space<vmem>> -> memref<1x512x64xf32, #tpu.memory_space<vmem>>
        %dma_start3A_287 = tpu.memref_squeeze %dma_start3A_286 : memref<1x512x64xf32, #tpu.memory_space<vmem>> -> memref<512x64xf32, #tpu.memory_space<vmem>>
        %dma_start3A_288 = arith.constant 0 : i32
        %dma_start3A_289 = tpu.memref_slice %arg9[%dma_start3A_282, %dma_start3A_288] : memref<2x512xi32, #tpu.memory_space<vmem>> -> memref<1x512xi32, #tpu.memory_space<vmem>>
        %dma_start3A_290 = tpu.memref_squeeze %dma_start3A_289 : memref<1x512xi32, #tpu.memory_space<vmem>> -> memref<512xi32, #tpu.memory_space<vmem>>
        %dma_start3A_291 = arith.constant 0 : i32
        %dma_start3A_292 = arith.constant 0 : i32
        %dma_start3A_293 = tpu.memref_slice %arg4[%dma_start3A_291, %dma_start3A_292] : memref<100000x64xf32, #tpu.memory_space<hbm>> -> memref<100000x64xf32, #tpu.memory_space<hbm>>
        tpu.enqueue_indirect_dma source(%dma_start3A_293 : memref<100000x64xf32, #tpu.memory_space<hbm>>) target(%dma_start3A_287 : memref<512x64xf32, #tpu.memory_space<vmem>>) offsets(%dma_start3A_290 : memref<512xi32, #tpu.memory_space<vmem>>) semaphore(%arg17 : memref<!tpu.dma_semaphore, #tpu.memory_space<semaphore_mem>>)
      } else {
      }
      %add3A_192 = arith.constant 1 : i32
      %add3A_193 = arith.addi %add3A_107, %add3A_192 : i32
      %dma_wait3A_194 = arith.constant 1 : i32
      %dma_wait3A_195 = arith.constant 1 : i32
      %dma_wait3A_196 = arith.constant 0 : i32
      %dma_wait3A_197 = arith.constant 0 : i32
      %dma_wait3A_198 = tpu.memref_slice %arg11[%dma_wait3A_195, %dma_wait3A_196, %dma_wait3A_197] : memref<2x512x64xf32, #tpu.memory_space<vmem>> -> memref<1x512x64xf32, #tpu.memory_space<vmem>>
      %dma_wait3A_199 = tpu.memref_squeeze %dma_wait3A_198 : memref<1x512x64xf32, #tpu.memory_space<vmem>> -> memref<512x64xf32, #tpu.memory_space<vmem>>
      %dma_wait3A_200 = arith.constant 0 : i32
      %dma_wait3A_201 = tpu.memref_slice %arg9[%dma_wait3A_194, %dma_wait3A_200] : memref<2x512xi32, #tpu.memory_space<vmem>> -> memref<1x512xi32, #tpu.memory_space<vmem>>
      %dma_wait3A_202 = tpu.memref_squeeze %dma_wait3A_201 : memref<1x512xi32, #tpu.memory_space<vmem>> -> memref<512xi32, #tpu.memory_space<vmem>>
      %dma_wait3A_203 = arith.constant 0 : i32
      %dma_wait3A_204 = arith.constant 0 : i32
      %dma_wait3A_205 = tpu.memref_slice %arg4[%dma_wait3A_203, %dma_wait3A_204] : memref<100000x64xf32, #tpu.memory_space<hbm>> -> memref<100000x64xf32, #tpu.memory_space<hbm>>
      tpu.wait_indirect_dma semaphore(%arg18 : memref<!tpu.dma_semaphore, #tpu.memory_space<semaphore_mem>>) src(%dma_wait3A_205 : memref<100000x64xf32, #tpu.memory_space<hbm>>) dst(%dma_wait3A_199 : memref<512x64xf32, #tpu.memory_space<vmem>>)
      %ge3A_206 = arith.constant 2 : i32
      %ge3A_207 = arith.cmpi sge, %add3A_193, %ge3A_206 : i32
      %convert_element_type3A_208 = arith.extui %ge3A_207 : i1 to i32
      %cond3A_209 = arith.constant 1 : i32
      %cond3A_210 = arith.constant 0 : i32
      %cond3A_211 = arith.cmpi ne, %convert_element_type3A_208, %cond3A_210 : i32
      scf.if %cond3A_211 {
        %sub3A = arith.constant 2 : i32
        %sub3A_244 = arith.subi %add3A_193, %sub3A : i32
        %mul3A_245 = arith.constant 128 : i32
        %mul3A_246 = arith.muli %sub3A_244, %mul3A_245 : i32
        %add3A_247 = arith.addi %multiple_of3A, %mul3A_246 : i32
        %multiple_of3A_248 = tpu.assume_multiple %add3A_247, 128 : i32
        %dma_wait3A_249 = arith.constant 0 : i32
        %dma_wait3A_250 = arith.constant 0 : i32
        %dma_wait3A_251 = tpu.memref_slice %arg12[%cond3A_209, %dma_wait3A_249, %dma_wait3A_250] : memref<2x128x64xf32, #tpu.memory_space<vmem>> -> memref<1x128x64xf32, #tpu.memory_space<vmem>>
        %dma_wait3A_252 = tpu.memref_squeeze %dma_wait3A_251 : memref<1x128x64xf32, #tpu.memory_space<vmem>> -> memref<128x64xf32, #tpu.memory_space<vmem>>
        %dma_wait3A_253 = arith.constant 0 : i32
        %dma_wait3A_254 = tpu.memref_slice %arg5[%multiple_of3A_248, %dma_wait3A_253] : memref<204800x64xf32, #tpu.memory_space<hbm>> -> memref<128x64xf32, #tpu.memory_space<hbm>>
        %dma_wait3A_255 = arith.constant 0 : i32
        %dma_wait3A_256 = tpu.memref_slice %arg5[%multiple_of3A_248, %dma_wait3A_255] : memref<204800x64xf32, #tpu.memory_space<hbm>> -> memref<128x64xf32, #tpu.memory_space<hbm>>
        %dma_wait3A_257 = arith.constant 0 : i32
        %dma_wait3A_258 = arith.constant 0 : i32
        %dma_wait3A_259 = tpu.memref_slice %arg12[%cond3A_209, %dma_wait3A_257, %dma_wait3A_258] : memref<2x128x64xf32, #tpu.memory_space<vmem>> -> memref<1x128x64xf32, #tpu.memory_space<vmem>>
        %dma_wait3A_260 = tpu.memref_squeeze %dma_wait3A_259 : memref<1x128x64xf32, #tpu.memory_space<vmem>> -> memref<128x64xf32, #tpu.memory_space<vmem>>
        tpu.wait_dma2 semaphore(%arg20 : memref<!tpu.dma_semaphore, #tpu.memory_space<semaphore_mem>>) src(%dma_wait3A_260 : memref<128x64xf32, #tpu.memory_space<vmem>>) dst(%dma_wait3A_256 : memref<128x64xf32, #tpu.memory_space<hbm>>)
      } else {
      }
      %scan3A_212 = arith.constant 1 : i32
      %scan3A_213 = arith.constant 1 : i32
      %scan3A_214 = arith.constant 1 : i32
      %scan3A_215 = arith.constant 0 : i32
      %scan3A_216 = arith.constant 64 : i32
      %scan3A_217 = arith.addi %scan3A_215, %scan3A_216 : i32
      %scan3A_218 = arith.constant 1 : i32
      scf.for %scan3A_244 = %scan3A_215 to %scan3A_217 step %scan3A_218  : i32 {
        %mul3A_245 = arith.constant 1 : i32
        %mul3A_246 = arith.muli %scan3A_244, %mul3A_245 : i32
        %add3A_247 = arith.constant 0 : i32
        %add3A_248 = arith.addi %add3A_247, %mul3A_246 : i32
        %mul3A_249 = arith.constant 2 : i32
        %mul3A_250 = arith.muli %mul3A_249, %add3A_248 : i32
        %add3A_251 = arith.constant 0 : i32
        %add3A_252 = arith.addi %mul3A_250, %add3A_251 : i32
        %mul3A_253 = arith.constant 4 : i32
        %mul3A_254 = arith.muli %mul3A_253, %add3A_252 : i32
        %get3A = arith.constant 0 : i32
        %get3A_255 = arith.constant 0 : i32
        %get3A_256 = tpu.memref_slice %arg10[%scan3A_212, %get3A, %get3A_255] : memref<2x128x16xf32, #tpu.memory_space<vmem>> -> memref<1x128x16xf32, #tpu.memory_space<vmem>>
        %get3A_257 = tpu.memref_squeeze %get3A_256 : memref<1x128x16xf32, #tpu.memory_space<vmem>> -> memref<128x16xf32, #tpu.memory_space<vmem>>
        %get3A_258 = arith.index_cast %add3A_252 : i32 to index
        %get3A_259 = arith.constant 0 : index
        %get3A_260 = tpu.vector_load %get3A_257[%get3A_258, %get3A_259] {strides = array<i32>} : memref<128x16xf32, #tpu.memory_space<vmem>>, vector<16xf32>,
        %add3A_261 = arith.constant 0 : i32
        %add3A_262 = arith.addi %mul3A_254, %add3A_261 : i32
        %get3A_263 = arith.constant 0 : i32
        %get3A_264 = arith.constant 0 : i32
        %get3A_265 = tpu.memref_slice %arg11[%scan3A_213, %get3A_263, %get3A_264] : memref<2x512x64xf32, #tpu.memory_space<vmem>> -> memref<1x512x64xf32, #tpu.memory_space<vmem>>
        %get3A_266 = tpu.memref_squeeze %get3A_265 : memref<1x512x64xf32, #tpu.memory_space<vmem>> -> memref<512x64xf32, #tpu.memory_space<vmem>>
        %get3A_267 = arith.index_cast %add3A_262 : i32 to index
        %get3A_268 = arith.constant 0 : index
        %get3A_269 = tpu.vector_load %get3A_266[%get3A_267, %get3A_268] {strides = array<i32>} : memref<512x64xf32, #tpu.memory_space<vmem>>, vector<16xf32>,
        %slice3A = vector.extract_strided_slice %get3A_260 {offsets = [0], sizes = [1], strides = [1]} : vector<16xf32> to vector<1xf32>
        %squeeze3A = vector.extract %slice3A[0] : f32 from vector<1xf32>
        %mul3A_270 = vector.broadcast %squeeze3A : f32 to vector<16xf32>
        %mul3A_271 = arith.mulf %get3A_269, %mul3A_270 : vector<16xf32>
        %add3A_272 = arith.constant 1 : i32
        %add3A_273 = arith.addi %mul3A_254, %add3A_272 : i32
        %get3A_274 = arith.constant 0 : i32
        %get3A_275 = arith.constant 0 : i32
        %get3A_276 = tpu.memref_slice %arg11[%scan3A_213, %get3A_274, %get3A_275] : memref<2x512x64xf32, #tpu.memory_space<vmem>> -> memref<1x512x64xf32, #tpu.memory_space<vmem>>
        %get3A_277 = tpu.memref_squeeze %get3A_276 : memref<1x512x64xf32, #tpu.memory_space<vmem>> -> memref<512x64xf32, #tpu.memory_space<vmem>>
        %get3A_278 = arith.index_cast %add3A_273 : i32 to index
        %get3A_279 = arith.constant 0 : index
        %get3A_280 = tpu.vector_load %get3A_277[%get3A_278, %get3A_279] {strides = array<i32>} : memref<512x64xf32, #tpu.memory_space<vmem>>, vector<16xf32>,
        %slice3A_281 = vector.extract_strided_slice %get3A_260 {offsets = [1], sizes = [1], strides = [1]} : vector<16xf32> to vector<1xf32>
        %squeeze3A_282 = vector.extract %slice3A_281[0] : f32 from vector<1xf32>
        %mul3A_283 = vector.broadcast %squeeze3A_282 : f32 to vector<16xf32>
        %mul3A_284 = arith.mulf %get3A_280, %mul3A_283 : vector<16xf32>
        %add3A_285 = arith.constant 2 : i32
        %add3A_286 = arith.addi %mul3A_254, %add3A_285 : i32
        %get3A_287 = arith.constant 0 : i32
        %get3A_288 = arith.constant 0 : i32
        %get3A_289 = tpu.memref_slice %arg11[%scan3A_213, %get3A_287, %get3A_288] : memref<2x512x64xf32, #tpu.memory_space<vmem>> -> memref<1x512x64xf32, #tpu.memory_space<vmem>>
        %get3A_290 = tpu.memref_squeeze %get3A_289 : memref<1x512x64xf32, #tpu.memory_space<vmem>> -> memref<512x64xf32, #tpu.memory_space<vmem>>
        %get3A_291 = arith.index_cast %add3A_286 : i32 to index
        %get3A_292 = arith.constant 0 : index
        %get3A_293 = tpu.vector_load %get3A_290[%get3A_291, %get3A_292] {strides = array<i32>} : memref<512x64xf32, #tpu.memory_space<vmem>>, vector<16xf32>,
        %slice3A_294 = vector.extract_strided_slice %get3A_260 {offsets = [2], sizes = [1], strides = [1]} : vector<16xf32> to vector<1xf32>
        %squeeze3A_295 = vector.extract %slice3A_294[0] : f32 from vector<1xf32>
        %mul3A_296 = vector.broadcast %squeeze3A_295 : f32 to vector<16xf32>
        %mul3A_297 = arith.mulf %get3A_293, %mul3A_296 : vector<16xf32>
        %add3A_298 = arith.constant 3 : i32
        %add3A_299 = arith.addi %mul3A_254, %add3A_298 : i32
        %get3A_300 = arith.constant 0 : i32
        %get3A_301 = arith.constant 0 : i32
        %get3A_302 = tpu.memref_slice %arg11[%scan3A_213, %get3A_300, %get3A_301] : memref<2x512x64xf32, #tpu.memory_space<vmem>> -> memref<1x512x64xf32, #tpu.memory_space<vmem>>
        %get3A_303 = tpu.memref_squeeze %get3A_302 : memref<1x512x64xf32, #tpu.memory_space<vmem>> -> memref<512x64xf32, #tpu.memory_space<vmem>>
        %get3A_304 = arith.index_cast %add3A_299 : i32 to index
        %get3A_305 = arith.constant 0 : index
        %get3A_306 = tpu.vector_load %get3A_303[%get3A_304, %get3A_305] {strides = array<i32>} : memref<512x64xf32, #tpu.memory_space<vmem>>, vector<16xf32>,
        %slice3A_307 = vector.extract_strided_slice %get3A_260 {offsets = [3], sizes = [1], strides = [1]} : vector<16xf32> to vector<1xf32>
        %squeeze3A_308 = vector.extract %slice3A_307[0] : f32 from vector<1xf32>
        %mul3A_309 = vector.broadcast %squeeze3A_308 : f32 to vector<16xf32>
        %mul3A_310 = arith.mulf %get3A_306, %mul3A_309 : vector<16xf32>
        %add3A_311 = arith.addf %mul3A_271, %mul3A_284 : vector<16xf32>
        %add3A_312 = arith.addf %mul3A_297, %mul3A_310 : vector<16xf32>
        %add3A_313 = arith.addf %add3A_311, %add3A_312 : vector<16xf32>
        %swap3A = arith.constant 0 : i32
        %swap3A_314 = arith.constant 0 : i32
        %swap3A_315 = tpu.memref_slice %arg12[%scan3A_214, %swap3A, %swap3A_314] : memref<2x128x64xf32, #tpu.memory_space<vmem>> -> memref<1x128x64xf32, #tpu.memory_space<vmem>>
        %swap3A_316 = tpu.memref_squeeze %swap3A_315 : memref<1x128x64xf32, #tpu.memory_space<vmem>> -> memref<128x64xf32, #tpu.memory_space<vmem>>
        %swap3A_317 = arith.index_cast %add3A_252 : i32 to index
        %swap3A_318 = arith.constant 0 : index
        %swap3A_319 = tpu.vector_load %swap3A_316[%swap3A_317, %swap3A_318] {strides = array<i32>} : memref<128x64xf32, #tpu.memory_space<vmem>>, vector<16xf32>,
        tpu.vector_store %swap3A_316[%swap3A_317, %swap3A_318], %add3A_313 {strides = array<i32>} : memref<128x64xf32, #tpu.memory_space<vmem>>, vector<16xf32>,
        %add3A_320 = arith.constant 0 : i32
        %add3A_321 = arith.addi %mul3A_254, %add3A_320 : i32
        %get3A_322 = arith.constant 0 : i32
        %get3A_323 = arith.constant 0 : i32
        %get3A_324 = tpu.memref_slice %arg11[%scan3A_213, %get3A_322, %get3A_323] : memref<2x512x64xf32, #tpu.memory_space<vmem>> -> memref<1x512x64xf32, #tpu.memory_space<vmem>>
        %get3A_325 = tpu.memref_squeeze %get3A_324 : memref<1x512x64xf32, #tpu.memory_space<vmem>> -> memref<512x64xf32, #tpu.memory_space<vmem>>
        %get3A_326 = arith.index_cast %add3A_321 : i32 to index
        %get3A_327 = arith.constant 16 : index
        %get3A_328 = tpu.vector_load %get3A_325[%get3A_326, %get3A_327] {strides = array<i32>} : memref<512x64xf32, #tpu.memory_space<vmem>>, vector<16xf32>,
        %slice3A_329 = vector.extract_strided_slice %get3A_260 {offsets = [0], sizes = [1], strides = [1]} : vector<16xf32> to vector<1xf32>
        %squeeze3A_330 = vector.extract %slice3A_329[0] : f32 from vector<1xf32>
        %mul3A_331 = vector.broadcast %squeeze3A_330 : f32 to vector<16xf32>
        %mul3A_332 = arith.mulf %get3A_328, %mul3A_331 : vector<16xf32>
        %add3A_333 = arith.constant 1 : i32
        %add3A_334 = arith.addi %mul3A_254, %add3A_333 : i32
        %get3A_335 = arith.constant 0 : i32
        %get3A_336 = arith.constant 0 : i32
        %get3A_337 = tpu.memref_slice %arg11[%scan3A_213, %get3A_335, %get3A_336] : memref<2x512x64xf32, #tpu.memory_space<vmem>> -> memref<1x512x64xf32, #tpu.memory_space<vmem>>
        %get3A_338 = tpu.memref_squeeze %get3A_337 : memref<1x512x64xf32, #tpu.memory_space<vmem>> -> memref<512x64xf32, #tpu.memory_space<vmem>>
        %get3A_339 = arith.index_cast %add3A_334 : i32 to index
        %get3A_340 = arith.constant 16 : index
        %get3A_341 = tpu.vector_load %get3A_338[%get3A_339, %get3A_340] {strides = array<i32>} : memref<512x64xf32, #tpu.memory_space<vmem>>, vector<16xf32>,
        %slice3A_342 = vector.extract_strided_slice %get3A_260 {offsets = [1], sizes = [1], strides = [1]} : vector<16xf32> to vector<1xf32>
        %squeeze3A_343 = vector.extract %slice3A_342[0] : f32 from vector<1xf32>
        %mul3A_344 = vector.broadcast %squeeze3A_343 : f32 to vector<16xf32>
        %mul3A_345 = arith.mulf %get3A_341, %mul3A_344 : vector<16xf32>
        %add3A_346 = arith.constant 2 : i32
        %add3A_347 = arith.addi %mul3A_254, %add3A_346 : i32
        %get3A_348 = arith.constant 0 : i32
        %get3A_349 = arith.constant 0 : i32
        %get3A_350 = tpu.memref_slice %arg11[%scan3A_213, %get3A_348, %get3A_349] : memref<2x512x64xf32, #tpu.memory_space<vmem>> -> memref<1x512x64xf32, #tpu.memory_space<vmem>>
        %get3A_351 = tpu.memref_squeeze %get3A_350 : memref<1x512x64xf32, #tpu.memory_space<vmem>> -> memref<512x64xf32, #tpu.memory_space<vmem>>
        %get3A_352 = arith.index_cast %add3A_347 : i32 to index
        %get3A_353 = arith.constant 16 : index
        %get3A_354 = tpu.vector_load %get3A_351[%get3A_352, %get3A_353] {strides = array<i32>} : memref<512x64xf32, #tpu.memory_space<vmem>>, vector<16xf32>,
        %slice3A_355 = vector.extract_strided_slice %get3A_260 {offsets = [2], sizes = [1], strides = [1]} : vector<16xf32> to vector<1xf32>
        %squeeze3A_356 = vector.extract %slice3A_355[0] : f32 from vector<1xf32>
        %mul3A_357 = vector.broadcast %squeeze3A_356 : f32 to vector<16xf32>
        %mul3A_358 = arith.mulf %get3A_354, %mul3A_357 : vector<16xf32>
        %add3A_359 = arith.constant 3 : i32
        %add3A_360 = arith.addi %mul3A_254, %add3A_359 : i32
        %get3A_361 = arith.constant 0 : i32
        %get3A_362 = arith.constant 0 : i32
        %get3A_363 = tpu.memref_slice %arg11[%scan3A_213, %get3A_361, %get3A_362] : memref<2x512x64xf32, #tpu.memory_space<vmem>> -> memref<1x512x64xf32, #tpu.memory_space<vmem>>
        %get3A_364 = tpu.memref_squeeze %get3A_363 : memref<1x512x64xf32, #tpu.memory_space<vmem>> -> memref<512x64xf32, #tpu.memory_space<vmem>>
        %get3A_365 = arith.index_cast %add3A_360 : i32 to index
        %get3A_366 = arith.constant 16 : index
        %get3A_367 = tpu.vector_load %get3A_364[%get3A_365, %get3A_366] {strides = array<i32>} : memref<512x64xf32, #tpu.memory_space<vmem>>, vector<16xf32>,
        %slice3A_368 = vector.extract_strided_slice %get3A_260 {offsets = [3], sizes = [1], strides = [1]} : vector<16xf32> to vector<1xf32>
        %squeeze3A_369 = vector.extract %slice3A_368[0] : f32 from vector<1xf32>
        %mul3A_370 = vector.broadcast %squeeze3A_369 : f32 to vector<16xf32>
        %mul3A_371 = arith.mulf %get3A_367, %mul3A_370 : vector<16xf32>
        %add3A_372 = arith.addf %mul3A_332, %mul3A_345 : vector<16xf32>
        %add3A_373 = arith.addf %mul3A_358, %mul3A_371 : vector<16xf32>
        %add3A_374 = arith.addf %add3A_372, %add3A_373 : vector<16xf32>
        %swap3A_375 = arith.constant 0 : i32
        %swap3A_376 = arith.constant 0 : i32
        %swap3A_377 = tpu.memref_slice %arg12[%scan3A_214, %swap3A_375, %swap3A_376] : memref<2x128x64xf32, #tpu.memory_space<vmem>> -> memref<1x128x64xf32, #tpu.memory_space<vmem>>
        %swap3A_378 = tpu.memref_squeeze %swap3A_377 : memref<1x128x64xf32, #tpu.memory_space<vmem>> -> memref<128x64xf32, #tpu.memory_space<vmem>>
        %swap3A_379 = arith.index_cast %add3A_252 : i32 to index
        %swap3A_380 = arith.constant 16 : index
        %swap3A_381 = tpu.vector_load %swap3A_378[%swap3A_379, %swap3A_380] {strides = array<i32>} : memref<128x64xf32, #tpu.memory_space<vmem>>, vector<16xf32>,
        tpu.vector_store %swap3A_378[%swap3A_379, %swap3A_380], %add3A_374 {strides = array<i32>} : memref<128x64xf32, #tpu.memory_space<vmem>>, vector<16xf32>,
        %add3A_382 = arith.constant 0 : i32
        %add3A_383 = arith.addi %mul3A_254, %add3A_382 : i32
        %get3A_384 = arith.constant 0 : i32
        %get3A_385 = arith.constant 0 : i32
        %get3A_386 = tpu.memref_slice %arg11[%scan3A_213, %get3A_384, %get3A_385] : memref<2x512x64xf32, #tpu.memory_space<vmem>> -> memref<1x512x64xf32, #tpu.memory_space<vmem>>
        %get3A_387 = tpu.memref_squeeze %get3A_386 : memref<1x512x64xf32, #tpu.memory_space<vmem>> -> memref<512x64xf32, #tpu.memory_space<vmem>>
        %get3A_388 = arith.index_cast %add3A_383 : i32 to index
        %get3A_389 = arith.constant 32 : index
        %get3A_390 = tpu.vector_load %get3A_387[%get3A_388, %get3A_389] {strides = array<i32>} : memref<512x64xf32, #tpu.memory_space<vmem>>, vector<16xf32>,
        %slice3A_391 = vector.extract_strided_slice %get3A_260 {offsets = [0], sizes = [1], strides = [1]} : vector<16xf32> to vector<1xf32>
        %squeeze3A_392 = vector.extract %slice3A_391[0] : f32 from vector<1xf32>
        %mul3A_393 = vector.broadcast %squeeze3A_392 : f32 to vector<16xf32>
        %mul3A_394 = arith.mulf %get3A_390, %mul3A_393 : vector<16xf32>
        %add3A_395 = arith.constant 1 : i32
        %add3A_396 = arith.addi %mul3A_254, %add3A_395 : i32
        %get3A_397 = arith.constant 0 : i32
        %get3A_398 = arith.constant 0 : i32
        %get3A_399 = tpu.memref_slice %arg11[%scan3A_213, %get3A_397, %get3A_398] : memref<2x512x64xf32, #tpu.memory_space<vmem>> -> memref<1x512x64xf32, #tpu.memory_space<vmem>>
        %get3A_400 = tpu.memref_squeeze %get3A_399 : memref<1x512x64xf32, #tpu.memory_space<vmem>> -> memref<512x64xf32, #tpu.memory_space<vmem>>
        %get3A_401 = arith.index_cast %add3A_396 : i32 to index
        %get3A_402 = arith.constant 32 : index
        %get3A_403 = tpu.vector_load %get3A_400[%get3A_401, %get3A_402] {strides = array<i32>} : memref<512x64xf32, #tpu.memory_space<vmem>>, vector<16xf32>,
        %slice3A_404 = vector.extract_strided_slice %get3A_260 {offsets = [1], sizes = [1], strides = [1]} : vector<16xf32> to vector<1xf32>
        %squeeze3A_405 = vector.extract %slice3A_404[0] : f32 from vector<1xf32>
        %mul3A_406 = vector.broadcast %squeeze3A_405 : f32 to vector<16xf32>
        %mul3A_407 = arith.mulf %get3A_403, %mul3A_406 : vector<16xf32>
        %add3A_408 = arith.constant 2 : i32
        %add3A_409 = arith.addi %mul3A_254, %add3A_408 : i32
        %get3A_410 = arith.constant 0 : i32
        %get3A_411 = arith.constant 0 : i32
        %get3A_412 = tpu.memref_slice %arg11[%scan3A_213, %get3A_410, %get3A_411] : memref<2x512x64xf32, #tpu.memory_space<vmem>> -> memref<1x512x64xf32, #tpu.memory_space<vmem>>
        %get3A_413 = tpu.memref_squeeze %get3A_412 : memref<1x512x64xf32, #tpu.memory_space<vmem>> -> memref<512x64xf32, #tpu.memory_space<vmem>>
        %get3A_414 = arith.index_cast %add3A_409 : i32 to index
        %get3A_415 = arith.constant 32 : index
        %get3A_416 = tpu.vector_load %get3A_413[%get3A_414, %get3A_415] {strides = array<i32>} : memref<512x64xf32, #tpu.memory_space<vmem>>, vector<16xf32>,
        %slice3A_417 = vector.extract_strided_slice %get3A_260 {offsets = [2], sizes = [1], strides = [1]} : vector<16xf32> to vector<1xf32>
        %squeeze3A_418 = vector.extract %slice3A_417[0] : f32 from vector<1xf32>
        %mul3A_419 = vector.broadcast %squeeze3A_418 : f32 to vector<16xf32>
        %mul3A_420 = arith.mulf %get3A_416, %mul3A_419 : vector<16xf32>
        %add3A_421 = arith.constant 3 : i32
        %add3A_422 = arith.addi %mul3A_254, %add3A_421 : i32
        %get3A_423 = arith.constant 0 : i32
        %get3A_424 = arith.constant 0 : i32
        %get3A_425 = tpu.memref_slice %arg11[%scan3A_213, %get3A_423, %get3A_424] : memref<2x512x64xf32, #tpu.memory_space<vmem>> -> memref<1x512x64xf32, #tpu.memory_space<vmem>>
        %get3A_426 = tpu.memref_squeeze %get3A_425 : memref<1x512x64xf32, #tpu.memory_space<vmem>> -> memref<512x64xf32, #tpu.memory_space<vmem>>
        %get3A_427 = arith.index_cast %add3A_422 : i32 to index
        %get3A_428 = arith.constant 32 : index
        %get3A_429 = tpu.vector_load %get3A_426[%get3A_427, %get3A_428] {strides = array<i32>} : memref<512x64xf32, #tpu.memory_space<vmem>>, vector<16xf32>,
        %slice3A_430 = vector.extract_strided_slice %get3A_260 {offsets = [3], sizes = [1], strides = [1]} : vector<16xf32> to vector<1xf32>
        %squeeze3A_431 = vector.extract %slice3A_430[0] : f32 from vector<1xf32>
        %mul3A_432 = vector.broadcast %squeeze3A_431 : f32 to vector<16xf32>
        %mul3A_433 = arith.mulf %get3A_429, %mul3A_432 : vector<16xf32>
        %add3A_434 = arith.addf %mul3A_394, %mul3A_407 : vector<16xf32>
        %add3A_435 = arith.addf %mul3A_420, %mul3A_433 : vector<16xf32>
        %add3A_436 = arith.addf %add3A_434, %add3A_435 : vector<16xf32>
        %swap3A_437 = arith.constant 0 : i32
        %swap3A_438 = arith.constant 0 : i32
        %swap3A_439 = tpu.memref_slice %arg12[%scan3A_214, %swap3A_437, %swap3A_438] : memref<2x128x64xf32, #tpu.memory_space<vmem>> -> memref<1x128x64xf32, #tpu.memory_space<vmem>>
        %swap3A_440 = tpu.memref_squeeze %swap3A_439 : memref<1x128x64xf32, #tpu.memory_space<vmem>> -> memref<128x64xf32, #tpu.memory_space<vmem>>
        %swap3A_441 = arith.index_cast %add3A_252 : i32 to index
        %swap3A_442 = arith.constant 32 : index
        %swap3A_443 = tpu.vector_load %swap3A_440[%swap3A_441, %swap3A_442] {strides = array<i32>} : memref<128x64xf32, #tpu.memory_space<vmem>>, vector<16xf32>,
        tpu.vector_store %swap3A_440[%swap3A_441, %swap3A_442], %add3A_436 {strides = array<i32>} : memref<128x64xf32, #tpu.memory_space<vmem>>, vector<16xf32>,
        %add3A_444 = arith.constant 0 : i32
        %add3A_445 = arith.addi %mul3A_254, %add3A_444 : i32
        %get3A_446 = arith.constant 0 : i32
        %get3A_447 = arith.constant 0 : i32
        %get3A_448 = tpu.memref_slice %arg11[%scan3A_213, %get3A_446, %get3A_447] : memref<2x512x64xf32, #tpu.memory_space<vmem>> -> memref<1x512x64xf32, #tpu.memory_space<vmem>>
        %get3A_449 = tpu.memref_squeeze %get3A_448 : memref<1x512x64xf32, #tpu.memory_space<vmem>> -> memref<512x64xf32, #tpu.memory_space<vmem>>
        %get3A_450 = arith.index_cast %add3A_445 : i32 to index
        %get3A_451 = arith.constant 48 : index
        %get3A_452 = tpu.vector_load %get3A_449[%get3A_450, %get3A_451] {strides = array<i32>} : memref<512x64xf32, #tpu.memory_space<vmem>>, vector<16xf32>,
        %slice3A_453 = vector.extract_strided_slice %get3A_260 {offsets = [0], sizes = [1], strides = [1]} : vector<16xf32> to vector<1xf32>
        %squeeze3A_454 = vector.extract %slice3A_453[0] : f32 from vector<1xf32>
        %mul3A_455 = vector.broadcast %squeeze3A_454 : f32 to vector<16xf32>
        %mul3A_456 = arith.mulf %get3A_452, %mul3A_455 : vector<16xf32>
        %add3A_457 = arith.constant 1 : i32
        %add3A_458 = arith.addi %mul3A_254, %add3A_457 : i32
        %get3A_459 = arith.constant 0 : i32
        %get3A_460 = arith.constant 0 : i32
        %get3A_461 = tpu.memref_slice %arg11[%scan3A_213, %get3A_459, %get3A_460] : memref<2x512x64xf32, #tpu.memory_space<vmem>> -> memref<1x512x64xf32, #tpu.memory_space<vmem>>
        %get3A_462 = tpu.memref_squeeze %get3A_461 : memref<1x512x64xf32, #tpu.memory_space<vmem>> -> memref<512x64xf32, #tpu.memory_space<vmem>>
        %get3A_463 = arith.index_cast %add3A_458 : i32 to index
        %get3A_464 = arith.constant 48 : index
        %get3A_465 = tpu.vector_load %get3A_462[%get3A_463, %get3A_464] {strides = array<i32>} : memref<512x64xf32, #tpu.memory_space<vmem>>, vector<16xf32>,
        %slice3A_466 = vector.extract_strided_slice %get3A_260 {offsets = [1], sizes = [1], strides = [1]} : vector<16xf32> to vector<1xf32>
        %squeeze3A_467 = vector.extract %slice3A_466[0] : f32 from vector<1xf32>
        %mul3A_468 = vector.broadcast %squeeze3A_467 : f32 to vector<16xf32>
        %mul3A_469 = arith.mulf %get3A_465, %mul3A_468 : vector<16xf32>
        %add3A_470 = arith.constant 2 : i32
        %add3A_471 = arith.addi %mul3A_254, %add3A_470 : i32
        %get3A_472 = arith.constant 0 : i32
        %get3A_473 = arith.constant 0 : i32
        %get3A_474 = tpu.memref_slice %arg11[%scan3A_213, %get3A_472, %get3A_473] : memref<2x512x64xf32, #tpu.memory_space<vmem>> -> memref<1x512x64xf32, #tpu.memory_space<vmem>>
        %get3A_475 = tpu.memref_squeeze %get3A_474 : memref<1x512x64xf32, #tpu.memory_space<vmem>> -> memref<512x64xf32, #tpu.memory_space<vmem>>
        %get3A_476 = arith.index_cast %add3A_471 : i32 to index
        %get3A_477 = arith.constant 48 : index
        %get3A_478 = tpu.vector_load %get3A_475[%get3A_476, %get3A_477] {strides = array<i32>} : memref<512x64xf32, #tpu.memory_space<vmem>>, vector<16xf32>,
        %slice3A_479 = vector.extract_strided_slice %get3A_260 {offsets = [2], sizes = [1], strides = [1]} : vector<16xf32> to vector<1xf32>
        %squeeze3A_480 = vector.extract %slice3A_479[0] : f32 from vector<1xf32>
        %mul3A_481 = vector.broadcast %squeeze3A_480 : f32 to vector<16xf32>
        %mul3A_482 = arith.mulf %get3A_478, %mul3A_481 : vector<16xf32>
        %add3A_483 = arith.constant 3 : i32
        %add3A_484 = arith.addi %mul3A_254, %add3A_483 : i32
        %get3A_485 = arith.constant 0 : i32
        %get3A_486 = arith.constant 0 : i32
        %get3A_487 = tpu.memref_slice %arg11[%scan3A_213, %get3A_485, %get3A_486] : memref<2x512x64xf32, #tpu.memory_space<vmem>> -> memref<1x512x64xf32, #tpu.memory_space<vmem>>
        %get3A_488 = tpu.memref_squeeze %get3A_487 : memref<1x512x64xf32, #tpu.memory_space<vmem>> -> memref<512x64xf32, #tpu.memory_space<vmem>>
        %get3A_489 = arith.index_cast %add3A_484 : i32 to index
        %get3A_490 = arith.constant 48 : index
        %get3A_491 = tpu.vector_load %get3A_488[%get3A_489, %get3A_490] {strides = array<i32>} : memref<512x64xf32, #tpu.memory_space<vmem>>, vector<16xf32>,
        %slice3A_492 = vector.extract_strided_slice %get3A_260 {offsets = [3], sizes = [1], strides = [1]} : vector<16xf32> to vector<1xf32>
        %squeeze3A_493 = vector.extract %slice3A_492[0] : f32 from vector<1xf32>
        %mul3A_494 = vector.broadcast %squeeze3A_493 : f32 to vector<16xf32>
        %mul3A_495 = arith.mulf %get3A_491, %mul3A_494 : vector<16xf32>
        %add3A_496 = arith.addf %mul3A_456, %mul3A_469 : vector<16xf32>
        %add3A_497 = arith.addf %mul3A_482, %mul3A_495 : vector<16xf32>
        %add3A_498 = arith.addf %add3A_496, %add3A_497 : vector<16xf32>
        %swap3A_499 = arith.constant 0 : i32
        %swap3A_500 = arith.constant 0 : i32
        %swap3A_501 = tpu.memref_slice %arg12[%scan3A_214, %swap3A_499, %swap3A_500] : memref<2x128x64xf32, #tpu.memory_space<vmem>> -> memref<1x128x64xf32, #tpu.memory_space<vmem>>
        %swap3A_502 = tpu.memref_squeeze %swap3A_501 : memref<1x128x64xf32, #tpu.memory_space<vmem>> -> memref<128x64xf32, #tpu.memory_space<vmem>>
        %swap3A_503 = arith.index_cast %add3A_252 : i32 to index
        %swap3A_504 = arith.constant 48 : index
        %swap3A_505 = tpu.vector_load %swap3A_502[%swap3A_503, %swap3A_504] {strides = array<i32>} : memref<128x64xf32, #tpu.memory_space<vmem>>, vector<16xf32>,
        tpu.vector_store %swap3A_502[%swap3A_503, %swap3A_504], %add3A_498 {strides = array<i32>} : memref<128x64xf32, #tpu.memory_space<vmem>>, vector<16xf32>,
        %mul3A_506 = arith.constant 2 : i32
        %mul3A_507 = arith.muli %mul3A_506, %add3A_248 : i32
        %add3A_508 = arith.constant 1 : i32
        %add3A_509 = arith.addi %mul3A_507, %add3A_508 : i32
        %mul3A_510 = arith.constant 4 : i32
        %mul3A_511 = arith.muli %mul3A_510, %add3A_509 : i32
        %get3A_512 = arith.constant 0 : i32
        %get3A_513 = arith.constant 0 : i32
        %get3A_514 = tpu.memref_slice %arg10[%scan3A_212, %get3A_512, %get3A_513] : memref<2x128x16xf32, #tpu.memory_space<vmem>> -> memref<1x128x16xf32, #tpu.memory_space<vmem>>
        %get3A_515 = tpu.memref_squeeze %get3A_514 : memref<1x128x16xf32, #tpu.memory_space<vmem>> -> memref<128x16xf32, #tpu.memory_space<vmem>>
        %get3A_516 = arith.index_cast %add3A_509 : i32 to index
        %get3A_517 = arith.constant 0 : index
        %get3A_518 = tpu.vector_load %get3A_515[%get3A_516, %get3A_517] {strides = array<i32>} : memref<128x16xf32, #tpu.memory_space<vmem>>, vector<16xf32>,
        %add3A_519 = arith.constant 0 : i32
        %add3A_520 = arith.addi %mul3A_511, %add3A_519 : i32
        %get3A_521 = arith.constant 0 : i32
        %get3A_522 = arith.constant 0 : i32
        %get3A_523 = tpu.memref_slice %arg11[%scan3A_213, %get3A_521, %get3A_522] : memref<2x512x64xf32, #tpu.memory_space<vmem>> -> memref<1x512x64xf32, #tpu.memory_space<vmem>>
        %get3A_524 = tpu.memref_squeeze %get3A_523 : memref<1x512x64xf32, #tpu.memory_space<vmem>> -> memref<512x64xf32, #tpu.memory_space<vmem>>
        %get3A_525 = arith.index_cast %add3A_520 : i32 to index
        %get3A_526 = arith.constant 0 : index
        %get3A_527 = tpu.vector_load %get3A_524[%get3A_525, %get3A_526] {strides = array<i32>} : memref<512x64xf32, #tpu.memory_space<vmem>>, vector<16xf32>,
        %slice3A_528 = vector.extract_strided_slice %get3A_518 {offsets = [0], sizes = [1], strides = [1]} : vector<16xf32> to vector<1xf32>
        %squeeze3A_529 = vector.extract %slice3A_528[0] : f32 from vector<1xf32>
        %mul3A_530 = vector.broadcast %squeeze3A_529 : f32 to vector<16xf32>
        %mul3A_531 = arith.mulf %get3A_527, %mul3A_530 : vector<16xf32>
        %add3A_532 = arith.constant 1 : i32
        %add3A_533 = arith.addi %mul3A_511, %add3A_532 : i32
        %get3A_534 = arith.constant 0 : i32
        %get3A_535 = arith.constant 0 : i32
        %get3A_536 = tpu.memref_slice %arg11[%scan3A_213, %get3A_534, %get3A_535] : memref<2x512x64xf32, #tpu.memory_space<vmem>> -> memref<1x512x64xf32, #tpu.memory_space<vmem>>
        %get3A_537 = tpu.memref_squeeze %get3A_536 : memref<1x512x64xf32, #tpu.memory_space<vmem>> -> memref<512x64xf32, #tpu.memory_space<vmem>>
        %get3A_538 = arith.index_cast %add3A_533 : i32 to index
        %get3A_539 = arith.constant 0 : index
        %get3A_540 = tpu.vector_load %get3A_537[%get3A_538, %get3A_539] {strides = array<i32>} : memref<512x64xf32, #tpu.memory_space<vmem>>, vector<16xf32>,
        %slice3A_541 = vector.extract_strided_slice %get3A_518 {offsets = [1], sizes = [1], strides = [1]} : vector<16xf32> to vector<1xf32>
        %squeeze3A_542 = vector.extract %slice3A_541[0] : f32 from vector<1xf32>
        %mul3A_543 = vector.broadcast %squeeze3A_542 : f32 to vector<16xf32>
        %mul3A_544 = arith.mulf %get3A_540, %mul3A_543 : vector<16xf32>
        %add3A_545 = arith.constant 2 : i32
        %add3A_546 = arith.addi %mul3A_511, %add3A_545 : i32
        %get3A_547 = arith.constant 0 : i32
        %get3A_548 = arith.constant 0 : i32
        %get3A_549 = tpu.memref_slice %arg11[%scan3A_213, %get3A_547, %get3A_548] : memref<2x512x64xf32, #tpu.memory_space<vmem>> -> memref<1x512x64xf32, #tpu.memory_space<vmem>>
        %get3A_550 = tpu.memref_squeeze %get3A_549 : memref<1x512x64xf32, #tpu.memory_space<vmem>> -> memref<512x64xf32, #tpu.memory_space<vmem>>
        %get3A_551 = arith.index_cast %add3A_546 : i32 to index
        %get3A_552 = arith.constant 0 : index
        %get3A_553 = tpu.vector_load %get3A_550[%get3A_551, %get3A_552] {strides = array<i32>} : memref<512x64xf32, #tpu.memory_space<vmem>>, vector<16xf32>,
        %slice3A_554 = vector.extract_strided_slice %get3A_518 {offsets = [2], sizes = [1], strides = [1]} : vector<16xf32> to vector<1xf32>
        %squeeze3A_555 = vector.extract %slice3A_554[0] : f32 from vector<1xf32>
        %mul3A_556 = vector.broadcast %squeeze3A_555 : f32 to vector<16xf32>
        %mul3A_557 = arith.mulf %get3A_553, %mul3A_556 : vector<16xf32>
        %add3A_558 = arith.constant 3 : i32
        %add3A_559 = arith.addi %mul3A_511, %add3A_558 : i32
        %get3A_560 = arith.constant 0 : i32
        %get3A_561 = arith.constant 0 : i32
        %get3A_562 = tpu.memref_slice %arg11[%scan3A_213, %get3A_560, %get3A_561] : memref<2x512x64xf32, #tpu.memory_space<vmem>> -> memref<1x512x64xf32, #tpu.memory_space<vmem>>
        %get3A_563 = tpu.memref_squeeze %get3A_562 : memref<1x512x64xf32, #tpu.memory_space<vmem>> -> memref<512x64xf32, #tpu.memory_space<vmem>>
        %get3A_564 = arith.index_cast %add3A_559 : i32 to index
        %get3A_565 = arith.constant 0 : index
        %get3A_566 = tpu.vector_load %get3A_563[%get3A_564, %get3A_565] {strides = array<i32>} : memref<512x64xf32, #tpu.memory_space<vmem>>, vector<16xf32>,
        %slice3A_567 = vector.extract_strided_slice %get3A_518 {offsets = [3], sizes = [1], strides = [1]} : vector<16xf32> to vector<1xf32>
        %squeeze3A_568 = vector.extract %slice3A_567[0] : f32 from vector<1xf32>
        %mul3A_569 = vector.broadcast %squeeze3A_568 : f32 to vector<16xf32>
        %mul3A_570 = arith.mulf %get3A_566, %mul3A_569 : vector<16xf32>
        %add3A_571 = arith.addf %mul3A_531, %mul3A_544 : vector<16xf32>
        %add3A_572 = arith.addf %mul3A_557, %mul3A_570 : vector<16xf32>
        %add3A_573 = arith.addf %add3A_571, %add3A_572 : vector<16xf32>
        %swap3A_574 = arith.constant 0 : i32
        %swap3A_575 = arith.constant 0 : i32
        %swap3A_576 = tpu.memref_slice %arg12[%scan3A_214, %swap3A_574, %swap3A_575] : memref<2x128x64xf32, #tpu.memory_space<vmem>> -> memref<1x128x64xf32, #tpu.memory_space<vmem>>
        %swap3A_577 = tpu.memref_squeeze %swap3A_576 : memref<1x128x64xf32, #tpu.memory_space<vmem>> -> memref<128x64xf32, #tpu.memory_space<vmem>>
        %swap3A_578 = arith.index_cast %add3A_509 : i32 to index
        %swap3A_579 = arith.constant 0 : index
        %swap3A_580 = tpu.vector_load %swap3A_577[%swap3A_578, %swap3A_579] {strides = array<i32>} : memref<128x64xf32, #tpu.memory_space<vmem>>, vector<16xf32>,
        tpu.vector_store %swap3A_577[%swap3A_578, %swap3A_579], %add3A_573 {strides = array<i32>} : memref<128x64xf32, #tpu.memory_space<vmem>>, vector<16xf32>,
        %add3A_581 = arith.constant 0 : i32
        %add3A_582 = arith.addi %mul3A_511, %add3A_581 : i32
        %get3A_583 = arith.constant 0 : i32
        %get3A_584 = arith.constant 0 : i32
        %get3A_585 = tpu.memref_slice %arg11[%scan3A_213, %get3A_583, %get3A_584] : memref<2x512x64xf32, #tpu.memory_space<vmem>> -> memref<1x512x64xf32, #tpu.memory_space<vmem>>
        %get3A_586 = tpu.memref_squeeze %get3A_585 : memref<1x512x64xf32, #tpu.memory_space<vmem>> -> memref<512x64xf32, #tpu.memory_space<vmem>>
        %get3A_587 = arith.index_cast %add3A_582 : i32 to index
        %get3A_588 = arith.constant 16 : index
        %get3A_589 = tpu.vector_load %get3A_586[%get3A_587, %get3A_588] {strides = array<i32>} : memref<512x64xf32, #tpu.memory_space<vmem>>, vector<16xf32>,
        %slice3A_590 = vector.extract_strided_slice %get3A_518 {offsets = [0], sizes = [1], strides = [1]} : vector<16xf32> to vector<1xf32>
        %squeeze3A_591 = vector.extract %slice3A_590[0] : f32 from vector<1xf32>
        %mul3A_592 = vector.broadcast %squeeze3A_591 : f32 to vector<16xf32>
        %mul3A_593 = arith.mulf %get3A_589, %mul3A_592 : vector<16xf32>
        %add3A_594 = arith.constant 1 : i32
        %add3A_595 = arith.addi %mul3A_511, %add3A_594 : i32
        %get3A_596 = arith.constant 0 : i32
        %get3A_597 = arith.constant 0 : i32
        %get3A_598 = tpu.memref_slice %arg11[%scan3A_213, %get3A_596, %get3A_597] : memref<2x512x64xf32, #tpu.memory_space<vmem>> -> memref<1x512x64xf32, #tpu.memory_space<vmem>>
        %get3A_599 = tpu.memref_squeeze %get3A_598 : memref<1x512x64xf32, #tpu.memory_space<vmem>> -> memref<512x64xf32, #tpu.memory_space<vmem>>
        %get3A_600 = arith.index_cast %add3A_595 : i32 to index
        %get3A_601 = arith.constant 16 : index
        %get3A_602 = tpu.vector_load %get3A_599[%get3A_600, %get3A_601] {strides = array<i32>} : memref<512x64xf32, #tpu.memory_space<vmem>>, vector<16xf32>,
        %slice3A_603 = vector.extract_strided_slice %get3A_518 {offsets = [1], sizes = [1], strides = [1]} : vector<16xf32> to vector<1xf32>
        %squeeze3A_604 = vector.extract %slice3A_603[0] : f32 from vector<1xf32>
        %mul3A_605 = vector.broadcast %squeeze3A_604 : f32 to vector<16xf32>
        %mul3A_606 = arith.mulf %get3A_602, %mul3A_605 : vector<16xf32>
        %add3A_607 = arith.constant 2 : i32
        %add3A_608 = arith.addi %mul3A_511, %add3A_607 : i32
        %get3A_609 = arith.constant 0 : i32
        %get3A_610 = arith.constant 0 : i32
        %get3A_611 = tpu.memref_slice %arg11[%scan3A_213, %get3A_609, %get3A_610] : memref<2x512x64xf32, #tpu.memory_space<vmem>> -> memref<1x512x64xf32, #tpu.memory_space<vmem>>
        %get3A_612 = tpu.memref_squeeze %get3A_611 : memref<1x512x64xf32, #tpu.memory_space<vmem>> -> memref<512x64xf32, #tpu.memory_space<vmem>>
        %get3A_613 = arith.index_cast %add3A_608 : i32 to index
        %get3A_614 = arith.constant 16 : index
        %get3A_615 = tpu.vector_load %get3A_612[%get3A_613, %get3A_614] {strides = array<i32>} : memref<512x64xf32, #tpu.memory_space<vmem>>, vector<16xf32>,
        %slice3A_616 = vector.extract_strided_slice %get3A_518 {offsets = [2], sizes = [1], strides = [1]} : vector<16xf32> to vector<1xf32>
        %squeeze3A_617 = vector.extract %slice3A_616[0] : f32 from vector<1xf32>
        %mul3A_618 = vector.broadcast %squeeze3A_617 : f32 to vector<16xf32>
        %mul3A_619 = arith.mulf %get3A_615, %mul3A_618 : vector<16xf32>
        %add3A_620 = arith.constant 3 : i32
        %add3A_621 = arith.addi %mul3A_511, %add3A_620 : i32
        %get3A_622 = arith.constant 0 : i32
        %get3A_623 = arith.constant 0 : i32
        %get3A_624 = tpu.memref_slice %arg11[%scan3A_213, %get3A_622, %get3A_623] : memref<2x512x64xf32, #tpu.memory_space<vmem>> -> memref<1x512x64xf32, #tpu.memory_space<vmem>>
        %get3A_625 = tpu.memref_squeeze %get3A_624 : memref<1x512x64xf32, #tpu.memory_space<vmem>> -> memref<512x64xf32, #tpu.memory_space<vmem>>
        %get3A_626 = arith.index_cast %add3A_621 : i32 to index
        %get3A_627 = arith.constant 16 : index
        %get3A_628 = tpu.vector_load %get3A_625[%get3A_626, %get3A_627] {strides = array<i32>} : memref<512x64xf32, #tpu.memory_space<vmem>>, vector<16xf32>,
        %slice3A_629 = vector.extract_strided_slice %get3A_518 {offsets = [3], sizes = [1], strides = [1]} : vector<16xf32> to vector<1xf32>
        %squeeze3A_630 = vector.extract %slice3A_629[0] : f32 from vector<1xf32>
        %mul3A_631 = vector.broadcast %squeeze3A_630 : f32 to vector<16xf32>
        %mul3A_632 = arith.mulf %get3A_628, %mul3A_631 : vector<16xf32>
        %add3A_633 = arith.addf %mul3A_593, %mul3A_606 : vector<16xf32>
        %add3A_634 = arith.addf %mul3A_619, %mul3A_632 : vector<16xf32>
        %add3A_635 = arith.addf %add3A_633, %add3A_634 : vector<16xf32>
        %swap3A_636 = arith.constant 0 : i32
        %swap3A_637 = arith.constant 0 : i32
        %swap3A_638 = tpu.memref_slice %arg12[%scan3A_214, %swap3A_636, %swap3A_637] : memref<2x128x64xf32, #tpu.memory_space<vmem>> -> memref<1x128x64xf32, #tpu.memory_space<vmem>>
        %swap3A_639 = tpu.memref_squeeze %swap3A_638 : memref<1x128x64xf32, #tpu.memory_space<vmem>> -> memref<128x64xf32, #tpu.memory_space<vmem>>
        %swap3A_640 = arith.index_cast %add3A_509 : i32 to index
        %swap3A_641 = arith.constant 16 : index
        %swap3A_642 = tpu.vector_load %swap3A_639[%swap3A_640, %swap3A_641] {strides = array<i32>} : memref<128x64xf32, #tpu.memory_space<vmem>>, vector<16xf32>,
        tpu.vector_store %swap3A_639[%swap3A_640, %swap3A_641], %add3A_635 {strides = array<i32>} : memref<128x64xf32, #tpu.memory_space<vmem>>, vector<16xf32>,
        %add3A_643 = arith.constant 0 : i32
        %add3A_644 = arith.addi %mul3A_511, %add3A_643 : i32
        %get3A_645 = arith.constant 0 : i32
        %get3A_646 = arith.constant 0 : i32
        %get3A_647 = tpu.memref_slice %arg11[%scan3A_213, %get3A_645, %get3A_646] : memref<2x512x64xf32, #tpu.memory_space<vmem>> -> memref<1x512x64xf32, #tpu.memory_space<vmem>>
        %get3A_648 = tpu.memref_squeeze %get3A_647 : memref<1x512x64xf32, #tpu.memory_space<vmem>> -> memref<512x64xf32, #tpu.memory_space<vmem>>
        %get3A_649 = arith.index_cast %add3A_644 : i32 to index
        %get3A_650 = arith.constant 32 : index
        %get3A_651 = tpu.vector_load %get3A_648[%get3A_649, %get3A_650] {strides = array<i32>} : memref<512x64xf32, #tpu.memory_space<vmem>>, vector<16xf32>,
        %slice3A_652 = vector.extract_strided_slice %get3A_518 {offsets = [0], sizes = [1], strides = [1]} : vector<16xf32> to vector<1xf32>
        %squeeze3A_653 = vector.extract %slice3A_652[0] : f32 from vector<1xf32>
        %mul3A_654 = vector.broadcast %squeeze3A_653 : f32 to vector<16xf32>
        %mul3A_655 = arith.mulf %get3A_651, %mul3A_654 : vector<16xf32>
        %add3A_656 = arith.constant 1 : i32
        %add3A_657 = arith.addi %mul3A_511, %add3A_656 : i32
        %get3A_658 = arith.constant 0 : i32
        %get3A_659 = arith.constant 0 : i32
        %get3A_660 = tpu.memref_slice %arg11[%scan3A_213, %get3A_658, %get3A_659] : memref<2x512x64xf32, #tpu.memory_space<vmem>> -> memref<1x512x64xf32, #tpu.memory_space<vmem>>
        %get3A_661 = tpu.memref_squeeze %get3A_660 : memref<1x512x64xf32, #tpu.memory_space<vmem>> -> memref<512x64xf32, #tpu.memory_space<vmem>>
        %get3A_662 = arith.index_cast %add3A_657 : i32 to index
        %get3A_663 = arith.constant 32 : index
        %get3A_664 = tpu.vector_load %get3A_661[%get3A_662, %get3A_663] {strides = array<i32>} : memref<512x64xf32, #tpu.memory_space<vmem>>, vector<16xf32>,
        %slice3A_665 = vector.extract_strided_slice %get3A_518 {offsets = [1], sizes = [1], strides = [1]} : vector<16xf32> to vector<1xf32>
        %squeeze3A_666 = vector.extract %slice3A_665[0] : f32 from vector<1xf32>
        %mul3A_667 = vector.broadcast %squeeze3A_666 : f32 to vector<16xf32>
        %mul3A_668 = arith.mulf %get3A_664, %mul3A_667 : vector<16xf32>
        %add3A_669 = arith.constant 2 : i32
        %add3A_670 = arith.addi %mul3A_511, %add3A_669 : i32
        %get3A_671 = arith.constant 0 : i32
        %get3A_672 = arith.constant 0 : i32
        %get3A_673 = tpu.memref_slice %arg11[%scan3A_213, %get3A_671, %get3A_672] : memref<2x512x64xf32, #tpu.memory_space<vmem>> -> memref<1x512x64xf32, #tpu.memory_space<vmem>>
        %get3A_674 = tpu.memref_squeeze %get3A_673 : memref<1x512x64xf32, #tpu.memory_space<vmem>> -> memref<512x64xf32, #tpu.memory_space<vmem>>
        %get3A_675 = arith.index_cast %add3A_670 : i32 to index
        %get3A_676 = arith.constant 32 : index
        %get3A_677 = tpu.vector_load %get3A_674[%get3A_675, %get3A_676] {strides = array<i32>} : memref<512x64xf32, #tpu.memory_space<vmem>>, vector<16xf32>,
        %slice3A_678 = vector.extract_strided_slice %get3A_518 {offsets = [2], sizes = [1], strides = [1]} : vector<16xf32> to vector<1xf32>
        %squeeze3A_679 = vector.extract %slice3A_678[0] : f32 from vector<1xf32>
        %mul3A_680 = vector.broadcast %squeeze3A_679 : f32 to vector<16xf32>
        %mul3A_681 = arith.mulf %get3A_677, %mul3A_680 : vector<16xf32>
        %add3A_682 = arith.constant 3 : i32
        %add3A_683 = arith.addi %mul3A_511, %add3A_682 : i32
        %get3A_684 = arith.constant 0 : i32
        %get3A_685 = arith.constant 0 : i32
        %get3A_686 = tpu.memref_slice %arg11[%scan3A_213, %get3A_684, %get3A_685] : memref<2x512x64xf32, #tpu.memory_space<vmem>> -> memref<1x512x64xf32, #tpu.memory_space<vmem>>
        %get3A_687 = tpu.memref_squeeze %get3A_686 : memref<1x512x64xf32, #tpu.memory_space<vmem>> -> memref<512x64xf32, #tpu.memory_space<vmem>>
        %get3A_688 = arith.index_cast %add3A_683 : i32 to index
        %get3A_689 = arith.constant 32 : index
        %get3A_690 = tpu.vector_load %get3A_687[%get3A_688, %get3A_689] {strides = array<i32>} : memref<512x64xf32, #tpu.memory_space<vmem>>, vector<16xf32>,
        %slice3A_691 = vector.extract_strided_slice %get3A_518 {offsets = [3], sizes = [1], strides = [1]} : vector<16xf32> to vector<1xf32>
        %squeeze3A_692 = vector.extract %slice3A_691[0] : f32 from vector<1xf32>
        %mul3A_693 = vector.broadcast %squeeze3A_692 : f32 to vector<16xf32>
        %mul3A_694 = arith.mulf %get3A_690, %mul3A_693 : vector<16xf32>
        %add3A_695 = arith.addf %mul3A_655, %mul3A_668 : vector<16xf32>
        %add3A_696 = arith.addf %mul3A_681, %mul3A_694 : vector<16xf32>
        %add3A_697 = arith.addf %add3A_695, %add3A_696 : vector<16xf32>
        %swap3A_698 = arith.constant 0 : i32
        %swap3A_699 = arith.constant 0 : i32
        %swap3A_700 = tpu.memref_slice %arg12[%scan3A_214, %swap3A_698, %swap3A_699] : memref<2x128x64xf32, #tpu.memory_space<vmem>> -> memref<1x128x64xf32, #tpu.memory_space<vmem>>
        %swap3A_701 = tpu.memref_squeeze %swap3A_700 : memref<1x128x64xf32, #tpu.memory_space<vmem>> -> memref<128x64xf32, #tpu.memory_space<vmem>>
        %swap3A_702 = arith.index_cast %add3A_509 : i32 to index
        %swap3A_703 = arith.constant 32 : index
        %swap3A_704 = tpu.vector_load %swap3A_701[%swap3A_702, %swap3A_703] {strides = array<i32>} : memref<128x64xf32, #tpu.memory_space<vmem>>, vector<16xf32>,
        tpu.vector_store %swap3A_701[%swap3A_702, %swap3A_703], %add3A_697 {strides = array<i32>} : memref<128x64xf32, #tpu.memory_space<vmem>>, vector<16xf32>,
        %add3A_705 = arith.constant 0 : i32
        %add3A_706 = arith.addi %mul3A_511, %add3A_705 : i32
        %get3A_707 = arith.constant 0 : i32
        %get3A_708 = arith.constant 0 : i32
        %get3A_709 = tpu.memref_slice %arg11[%scan3A_213, %get3A_707, %get3A_708] : memref<2x512x64xf32, #tpu.memory_space<vmem>> -> memref<1x512x64xf32, #tpu.memory_space<vmem>>
        %get3A_710 = tpu.memref_squeeze %get3A_709 : memref<1x512x64xf32, #tpu.memory_space<vmem>> -> memref<512x64xf32, #tpu.memory_space<vmem>>
        %get3A_711 = arith.index_cast %add3A_706 : i32 to index
        %get3A_712 = arith.constant 48 : index
        %get3A_713 = tpu.vector_load %get3A_710[%get3A_711, %get3A_712] {strides = array<i32>} : memref<512x64xf32, #tpu.memory_space<vmem>>, vector<16xf32>,
        %slice3A_714 = vector.extract_strided_slice %get3A_518 {offsets = [0], sizes = [1], strides = [1]} : vector<16xf32> to vector<1xf32>
        %squeeze3A_715 = vector.extract %slice3A_714[0] : f32 from vector<1xf32>
        %mul3A_716 = vector.broadcast %squeeze3A_715 : f32 to vector<16xf32>
        %mul3A_717 = arith.mulf %get3A_713, %mul3A_716 : vector<16xf32>
        %add3A_718 = arith.constant 1 : i32
        %add3A_719 = arith.addi %mul3A_511, %add3A_718 : i32
        %get3A_720 = arith.constant 0 : i32
        %get3A_721 = arith.constant 0 : i32
        %get3A_722 = tpu.memref_slice %arg11[%scan3A_213, %get3A_720, %get3A_721] : memref<2x512x64xf32, #tpu.memory_space<vmem>> -> memref<1x512x64xf32, #tpu.memory_space<vmem>>
        %get3A_723 = tpu.memref_squeeze %get3A_722 : memref<1x512x64xf32, #tpu.memory_space<vmem>> -> memref<512x64xf32, #tpu.memory_space<vmem>>
        %get3A_724 = arith.index_cast %add3A_719 : i32 to index
        %get3A_725 = arith.constant 48 : index
        %get3A_726 = tpu.vector_load %get3A_723[%get3A_724, %get3A_725] {strides = array<i32>} : memref<512x64xf32, #tpu.memory_space<vmem>>, vector<16xf32>,
        %slice3A_727 = vector.extract_strided_slice %get3A_518 {offsets = [1], sizes = [1], strides = [1]} : vector<16xf32> to vector<1xf32>
        %squeeze3A_728 = vector.extract %slice3A_727[0] : f32 from vector<1xf32>
        %mul3A_729 = vector.broadcast %squeeze3A_728 : f32 to vector<16xf32>
        %mul3A_730 = arith.mulf %get3A_726, %mul3A_729 : vector<16xf32>
        %add3A_731 = arith.constant 2 : i32
        %add3A_732 = arith.addi %mul3A_511, %add3A_731 : i32
        %get3A_733 = arith.constant 0 : i32
        %get3A_734 = arith.constant 0 : i32
        %get3A_735 = tpu.memref_slice %arg11[%scan3A_213, %get3A_733, %get3A_734] : memref<2x512x64xf32, #tpu.memory_space<vmem>> -> memref<1x512x64xf32, #tpu.memory_space<vmem>>
        %get3A_736 = tpu.memref_squeeze %get3A_735 : memref<1x512x64xf32, #tpu.memory_space<vmem>> -> memref<512x64xf32, #tpu.memory_space<vmem>>
        %get3A_737 = arith.index_cast %add3A_732 : i32 to index
        %get3A_738 = arith.constant 48 : index
        %get3A_739 = tpu.vector_load %get3A_736[%get3A_737, %get3A_738] {strides = array<i32>} : memref<512x64xf32, #tpu.memory_space<vmem>>, vector<16xf32>,
        %slice3A_740 = vector.extract_strided_slice %get3A_518 {offsets = [2], sizes = [1], strides = [1]} : vector<16xf32> to vector<1xf32>
        %squeeze3A_741 = vector.extract %slice3A_740[0] : f32 from vector<1xf32>
        %mul3A_742 = vector.broadcast %squeeze3A_741 : f32 to vector<16xf32>
        %mul3A_743 = arith.mulf %get3A_739, %mul3A_742 : vector<16xf32>
        %add3A_744 = arith.constant 3 : i32
        %add3A_745 = arith.addi %mul3A_511, %add3A_744 : i32
        %get3A_746 = arith.constant 0 : i32
        %get3A_747 = arith.constant 0 : i32
        %get3A_748 = tpu.memref_slice %arg11[%scan3A_213, %get3A_746, %get3A_747] : memref<2x512x64xf32, #tpu.memory_space<vmem>> -> memref<1x512x64xf32, #tpu.memory_space<vmem>>
        %get3A_749 = tpu.memref_squeeze %get3A_748 : memref<1x512x64xf32, #tpu.memory_space<vmem>> -> memref<512x64xf32, #tpu.memory_space<vmem>>
        %get3A_750 = arith.index_cast %add3A_745 : i32 to index
        %get3A_751 = arith.constant 48 : index
        %get3A_752 = tpu.vector_load %get3A_749[%get3A_750, %get3A_751] {strides = array<i32>} : memref<512x64xf32, #tpu.memory_space<vmem>>, vector<16xf32>,
        %slice3A_753 = vector.extract_strided_slice %get3A_518 {offsets = [3], sizes = [1], strides = [1]} : vector<16xf32> to vector<1xf32>
        %squeeze3A_754 = vector.extract %slice3A_753[0] : f32 from vector<1xf32>
        %mul3A_755 = vector.broadcast %squeeze3A_754 : f32 to vector<16xf32>
        %mul3A_756 = arith.mulf %get3A_752, %mul3A_755 : vector<16xf32>
        %add3A_757 = arith.addf %mul3A_717, %mul3A_730 : vector<16xf32>
        %add3A_758 = arith.addf %mul3A_743, %mul3A_756 : vector<16xf32>
        %add3A_759 = arith.addf %add3A_757, %add3A_758 : vector<16xf32>
        %swap3A_760 = arith.constant 0 : i32
        %swap3A_761 = arith.constant 0 : i32
        %swap3A_762 = tpu.memref_slice %arg12[%scan3A_214, %swap3A_760, %swap3A_761] : memref<2x128x64xf32, #tpu.memory_space<vmem>> -> memref<1x128x64xf32, #tpu.memory_space<vmem>>
        %swap3A_763 = tpu.memref_squeeze %swap3A_762 : memref<1x128x64xf32, #tpu.memory_space<vmem>> -> memref<128x64xf32, #tpu.memory_space<vmem>>
        %swap3A_764 = arith.index_cast %add3A_509 : i32 to index
        %swap3A_765 = arith.constant 48 : index
        %swap3A_766 = tpu.vector_load %swap3A_763[%swap3A_764, %swap3A_765] {strides = array<i32>} : memref<128x64xf32, #tpu.memory_space<vmem>>, vector<16xf32>,
        tpu.vector_store %swap3A_763[%swap3A_764, %swap3A_765], %add3A_759 {strides = array<i32>} : memref<128x64xf32, #tpu.memory_space<vmem>>, vector<16xf32>,
      }
      %scan3A_219 = arith.constant 64 : i32
      %mul3A_220 = arith.constant 128 : i32
      %mul3A_221 = arith.muli %add3A_193, %mul3A_220 : i32
      %add3A_222 = arith.addi %multiple_of3A, %mul3A_221 : i32
      %multiple_of3A_223 = tpu.assume_multiple %add3A_222, 128 : i32
      %dma_start3A_224 = arith.constant 1 : i32
      %dma_start3A_225 = arith.constant 0 : i32
      %dma_start3A_226 = arith.constant 0 : i32
      %dma_start3A_227 = tpu.memref_slice %arg12[%dma_start3A_224, %dma_start3A_225, %dma_start3A_226] : memref<2x128x64xf32, #tpu.memory_space<vmem>> -> memref<1x128x64xf32, #tpu.memory_space<vmem>>
      %dma_start3A_228 = tpu.memref_squeeze %dma_start3A_227 : memref<1x128x64xf32, #tpu.memory_space<vmem>> -> memref<128x64xf32, #tpu.memory_space<vmem>>
      %dma_start3A_229 = arith.constant 0 : i32
      %dma_start3A_230 = tpu.memref_slice %arg5[%multiple_of3A_223, %dma_start3A_229] : memref<204800x64xf32, #tpu.memory_space<hbm>> -> memref<128x64xf32, #tpu.memory_space<hbm>>
      %dma_start3A_231 = arith.constant 0 : i32
      %dma_start3A_232 = tpu.memref_slice %arg5[%multiple_of3A_223, %dma_start3A_231] : memref<204800x64xf32, #tpu.memory_space<hbm>> -> memref<128x64xf32, #tpu.memory_space<hbm>>
      %dma_start3A_233 = arith.constant 0 : i32
      %dma_start3A_234 = arith.constant 0 : i32
      %dma_start3A_235 = tpu.memref_slice %arg12[%dma_start3A_224, %dma_start3A_233, %dma_start3A_234] : memref<2x128x64xf32, #tpu.memory_space<vmem>> -> memref<1x128x64xf32, #tpu.memory_space<vmem>>
      %dma_start3A_236 = tpu.memref_squeeze %dma_start3A_235 : memref<1x128x64xf32, #tpu.memory_space<vmem>> -> memref<128x64xf32, #tpu.memory_space<vmem>>
      tpu.enqueue_dma source(%dma_start3A_236 : memref<128x64xf32, #tpu.memory_space<vmem>>) target(%dma_start3A_232 : memref<128x64xf32, #tpu.memory_space<hbm>>) target_semaphore(%arg20 : memref<!tpu.dma_semaphore, #tpu.memory_space<semaphore_mem>>)
      %add3A_237 = arith.constant 3 : i32
      %add3A_238 = arith.addi %add3A_107, %add3A_237 : i32
      %lt3A_239 = arith.constant 50 : i32
      %lt3A_240 = arith.cmpi slt, %add3A_238, %lt3A_239 : i32
      %convert_element_type3A_241 = arith.extui %lt3A_240 : i1 to i32
      %cond3A_242 = arith.constant 0 : i32
      %cond3A_243 = arith.cmpi ne, %convert_element_type3A_241, %cond3A_242 : i32
      scf.if %cond3A_243 {
        %add3A_244 = arith.constant 3 : i32
        %add3A_245 = arith.addi %add3A_107, %add3A_244 : i32
        %mul3A_246 = arith.constant 128 : i32
        %mul3A_247 = arith.muli %add3A_245, %mul3A_246 : i32
        %multiple_of3A_248 = tpu.assume_multiple %mul3A_247, 128 : i32
        %dma_start3A_249 = arith.constant 1 : i32
        %dma_start3A_250 = arith.constant 0 : i32
        %dma_start3A_251 = arith.constant 0 : i32
        %dma_start3A_252 = tpu.memref_slice %arg8[%dma_start3A_249, %dma_start3A_250, %dma_start3A_251] : memref<2x128x16xi32, #tpu.memory_space<vmem>> -> memref<1x128x16xi32, #tpu.memory_space<vmem>>
        %dma_start3A_253 = tpu.memref_squeeze %dma_start3A_252 : memref<1x128x16xi32, #tpu.memory_space<vmem>> -> memref<128x16xi32, #tpu.memory_space<vmem>>
        %dma_start3A_254 = tpu.memref_slice %arg7[%multiple_of3A_248] : memref<6400xi32, #tpu.memory_space<vmem>> -> memref<128xi32, #tpu.memory_space<vmem>>
        %dma_start3A_255 = arith.constant 0 : i32
        %dma_start3A_256 = arith.constant 0 : i32
        %dma_start3A_257 = tpu.memref_slice %arg13[%dma_start3A_255, %dma_start3A_256] : memref<25000x16xi32, #tpu.memory_space<vmem_shared>> -> memref<25000x16xi32, #tpu.memory_space<vmem_shared>>
        tpu.enqueue_indirect_dma source(%dma_start3A_257 : memref<25000x16xi32, #tpu.memory_space<vmem_shared>>) target(%dma_start3A_253 : memref<128x16xi32, #tpu.memory_space<vmem>>) offsets(%dma_start3A_254 : memref<128xi32, #tpu.memory_space<vmem>>) semaphore(%arg16 : memref<!tpu.dma_semaphore, #tpu.memory_space<semaphore_mem>>)
      } else {
      }
    }
    %scan3A_70 = arith.constant 25 : i32
    %add3A_71 = arith.constant 6144 : i32
    %add3A_72 = arith.addi %multiple_of3A, %add3A_71 : i32
    %multiple_of3A_73 = tpu.assume_multiple %add3A_72, 128 : i32
    %dma_wait3A_74 = arith.constant 0 : i32
    %dma_wait3A_75 = arith.constant 0 : i32
    %dma_wait3A_76 = arith.constant 0 : i32
    %dma_wait3A_77 = tpu.memref_slice %arg12[%dma_wait3A_74, %dma_wait3A_75, %dma_wait3A_76] : memref<2x128x64xf32, #tpu.memory_space<vmem>> -> memref<1x128x64xf32, #tpu.memory_space<vmem>>
    %dma_wait3A_78 = tpu.memref_squeeze %dma_wait3A_77 : memref<1x128x64xf32, #tpu.memory_space<vmem>> -> memref<128x64xf32, #tpu.memory_space<vmem>>
    %dma_wait3A_79 = arith.constant 0 : i32
    %dma_wait3A_80 = tpu.memref_slice %arg5[%multiple_of3A_73, %dma_wait3A_79] : memref<204800x64xf32, #tpu.memory_space<hbm>> -> memref<128x64xf32, #tpu.memory_space<hbm>>
    %dma_wait3A_81 = arith.constant 0 : i32
    %dma_wait3A_82 = tpu.memref_slice %arg5[%multiple_of3A_73, %dma_wait3A_81] : memref<204800x64xf32, #tpu.memory_space<hbm>> -> memref<128x64xf32, #tpu.memory_space<hbm>>
    %dma_wait3A_83 = arith.constant 0 : i32
    %dma_wait3A_84 = arith.constant 0 : i32
    %dma_wait3A_85 = tpu.memref_slice %arg12[%dma_wait3A_74, %dma_wait3A_83, %dma_wait3A_84] : memref<2x128x64xf32, #tpu.memory_space<vmem>> -> memref<1x128x64xf32, #tpu.memory_space<vmem>>
    %dma_wait3A_86 = tpu.memref_squeeze %dma_wait3A_85 : memref<1x128x64xf32, #tpu.memory_space<vmem>> -> memref<128x64xf32, #tpu.memory_space<vmem>>
    tpu.wait_dma2 semaphore(%arg19 : memref<!tpu.dma_semaphore, #tpu.memory_space<semaphore_mem>>) src(%dma_wait3A_86 : memref<128x64xf32, #tpu.memory_space<vmem>>) dst(%dma_wait3A_82 : memref<128x64xf32, #tpu.memory_space<hbm>>)
    %add3A_87 = arith.constant 6272 : i32
    %add3A_88 = arith.addi %multiple_of3A, %add3A_87 : i32
    %multiple_of3A_89 = tpu.assume_multiple %add3A_88, 128 : i32
    %dma_wait3A_90 = arith.constant 1 : i32
    %dma_wait3A_91 = arith.constant 0 : i32
    %dma_wait3A_92 = arith.constant 0 : i32
    %dma_wait3A_93 = tpu.memref_slice %arg12[%dma_wait3A_90, %dma_wait3A_91, %dma_wait3A_92] : memref<2x128x64xf32, #tpu.memory_space<vmem>> -> memref<1x128x64xf32, #tpu.memory_space<vmem>>
    %dma_wait3A_94 = tpu.memref_squeeze %dma_wait3A_93 : memref<1x128x64xf32, #tpu.memory_space<vmem>> -> memref<128x64xf32, #tpu.memory_space<vmem>>
    %dma_wait3A_95 = arith.constant 0 : i32
    %dma_wait3A_96 = tpu.memref_slice %arg5[%multiple_of3A_89, %dma_wait3A_95] : memref<204800x64xf32, #tpu.memory_space<hbm>> -> memref<128x64xf32, #tpu.memory_space<hbm>>
    %dma_wait3A_97 = arith.constant 0 : i32
    %dma_wait3A_98 = tpu.memref_slice %arg5[%multiple_of3A_89, %dma_wait3A_97] : memref<204800x64xf32, #tpu.memory_space<hbm>> -> memref<128x64xf32, #tpu.memory_space<hbm>>
    %dma_wait3A_99 = arith.constant 0 : i32
    %dma_wait3A_100 = arith.constant 0 : i32
    %dma_wait3A_101 = tpu.memref_slice %arg12[%dma_wait3A_90, %dma_wait3A_99, %dma_wait3A_100] : memref<2x128x64xf32, #tpu.memory_space<vmem>> -> memref<1x128x64xf32, #tpu.memory_space<vmem>>
    %dma_wait3A_102 = tpu.memref_squeeze %dma_wait3A_101 : memref<1x128x64xf32, #tpu.memory_space<vmem>> -> memref<128x64xf32, #tpu.memory_space<vmem>>
    tpu.wait_dma2 semaphore(%arg20 : memref<!tpu.dma_semaphore, #tpu.memory_space<semaphore_mem>>) src(%dma_wait3A_102 : memref<128x64xf32, #tpu.memory_space<vmem>>) dst(%dma_wait3A_98 : memref<128x64xf32, #tpu.memory_space<hbm>>)
    return
  }
}

</mosaic_0001>

<sc_bundles>
// kernel: kernel.3.cloned.1.call-start
scs
__scs_entry_jumppad:
0x0: {  	(pc) =	sbr.rel $0x88, $3  }
0x1: {  	(tag) =	ssettag $0x0;
	lr =	simm.s32 $0x1  }
0x2: {  	[smem:$0x3F9E] =	sst lr;
	_ =	strace $0xD0000000  }
0x3: {  	_ = 	snop  }
0x4: {  	_ = 	snop  }
0x5: {  	_ = 	snop  }
0x6: {  	_ = 	snop  }
0x7: {  	_ = 	snop  }
__scs_overlays_trampoline_lowered:
0x8: {  	[smem:$0x3FAD] =	sst s0  }
0x9: {  	[smem:$0x3FAE] =	sst s1  }
0xa: {  	[smem:$0x3FAF] =	sst s2  }
0xb: {  	[smem:$0x3FB0] =	sst s3  }
0xc: {  	[smem:$0x3FB1] =	sst s4  }
0xd: {  	[smem:$0x3FB2] =	sst s5  }
0xe: {  	[smem:$0x3FB3] =	sst s6  }
0xf: {  	[smem:$0x3FB4] =	sst s7  }
0x10: {  	[smem:$0x3FB5] =	sst s8  }
0x11: {  	[smem:$0x3FB6] =	sst s9;
	s0 =	simm.s32 @!p0 $0x0  }
0x12: {  	s1 =	sld [smem:$0x3F9C];
	s0 =	simm.s32 @p0 $0x1  }
0x13: {  	[smem:$0x3FB7] =	sst s0;
	s0 =	simm.s32 @!p1 $0x0  }
0x14: {  	s2 =	sld [smem:$0x3F9B];
	s0 =	simm.s32 @p1 $0x1  }
0x15: {  	[smem:$0x3FB8] =	sst s0;
	s0 =	simm.s32 @!p2 $0x0  }
0x16: {  	s3 =	sld [smem:$0x3FDB];
	s0 =	simm.s32 @p2 $0x1  }
0x17: {  	s4 =	simm.s32 $0x1BF5;
	[smem:$0x3FBA] =	sst s0  }
0x18: {  	s0 =	sld [smem:$0x3F9D];
	_ =	swait.ge [sflag:s4], $0x0  }
0x19: {  	s7 =	sld [smem:$0x3F9E]  }
0x1a: {  	s8 =	sadd.s32 $0xFFFFE003, lr  }
0x1b: {  	s9 =	sadd.s32 $0xFFFFFEF7, lr;
	s5 =	simm.s32 $0xFFFFFFFF;
	p2 =	slt.u32 s8, $0xFFFFF086  }
0x1c: {  	p1 =	slt.u32 s9, $0xF7A;
	s5 =	simm.s32 @!p2 $0x0  }
0x1d: {  	s5 =	simm.s32 @p1 $0x1;
	p0 =	seq.s32 s7, s2  }
0x1e: {  	s7 =	smul.u32 @!p0 $0xF7A, s2;
	p2 =	seq.s32 @!p0 s5, $0x0  }
0x1f: {  	s9 =	smul.u32 $0xF7A, s1;
	s8 =	simm.s32 @!p0 $0x1BF5;
	p2 =	por !p2, p0  }
0x20: {  	[sflag:s8] =	ssyncset.s32 @!p0 $0xFFFFF086;
	s6 =	sadd.s32 @!p0 s3, s7;
	s7 =	simm.s32 @!p0 $0x108  }
0x21: {  	s3 =	sadd.s32 s3, s9;
	s6 =	sadd.s32 @!p0 $0x88, s6;
	s7 =	simm.s32 @p2 $0x1082  }
0x22: {  	[simem:s7], [sflag:s8] =	dma.local @!p0 [hbm:s6], $0xF7A  }
0x23: {  	s9 =	sor.u32 $0xD0000000, s2;
	s6 =	simm.s32 $0x108;
	_ =	swait.ge @!p0 [sflag:s8], $0x0  }
0x24: {  	s3 =	sadd.s32 $0x88, s3;
	s6 =	simm.s32 @!p1 $0x1082;
	[sflag:s4] =	ssyncset.s32 $0xFFFFF086  }
0x25: {  	[simem:s6], [sflag:s4] =	dma.local [hbm:s3], $0xF7A  }
0x26: {  	[smem:$0x3F9E] =	sst s1;
	(tag) =	ssettag s2;
	_ =	strace s9  }
0x27: {  	s1 =	sld [smem:$0x3FAE]  }
0x28: {  	s2 =	sld [smem:$0x3FAF]  }
0x29: {  	s4 =	sld [smem:$0x3FB1]  }
0x2a: {  	p0 =	seq.s32 s5, $0x0;
	s5 =	sld [smem:$0x3FB2]  }
0x2b: {  	s6 =	sld [smem:$0x3FB3]  }
0x2c: {  	s7 =	sld [smem:$0x3FB4]  }
0x2d: {  	s3 =	simm.s32 $0x108;
	s8 =	sld [smem:$0x3FB5]  }
0x2e: {  	s3 =	simm.s32 @!p0 $0x1082;
	s9 =	sld [smem:$0x3FB6]  }
0x2f: {  	lr =	sadd.s32 s0, s3;
	s0 =	sld [smem:$0x3FAD]  }
0x30: {  	s3 =	sld [smem:$0x3FB0]  }
0x31: {  	[smem:$0x3FB9] =	sst s10  }
0x32: {  	s10 =	sld [smem:$0x3FB7];
	_ =	sdelay $0x3  }
0x33: {  	p0 =	seq.s32 s10, $0x1;
	s10 =	sld [smem:$0x3FB9];
	_ =	sdelay $0x3  }
0x34: {  	[smem:$0x3FB9] =	sst s10  }
0x35: {  	s10 =	sld [smem:$0x3FB8];
	_ =	sdelay $0x3  }
0x36: {  	p1 =	seq.s32 s10, $0x1;
	s10 =	sld [smem:$0x3FB9];
	_ =	sdelay $0x3  }
0x37: {  	[smem:$0x3FB9] =	sst s10  }
0x38: {  	s10 =	sld [smem:$0x3FBA]  }
0x39: {  	_ = 	snop;
	(pc) =	sbr.ind lr, $3  }
0x3a: {  	_ = 	snop  }
0x3b: {  	_ = 	snop  }
0x3c: {  	p2 =	seq.s32 s10, $0x1;
	s10 =	sld [smem:$0x3FB9]  }
0x3d: {  	_ =	shalt  }
0x3e: {  	_ =	shalt  }
0x3f: {  	_ =	shalt  }
0x40: {  	_ =	shalt  }
0x41: {  	_ =	shalt  }
0x42: {  	_ =	shalt  }
0x43: {  	_ =	shalt  }
0x44: {  	_ =	shalt  }
0x45: {  	_ =	shalt  }
0x46: {  	_ =	shalt  }
0x47: {  	_ =	shalt  }
0x48: {  	_ =	shalt  }
0x49: {  	_ =	shalt  }
0x4a: {  	_ =	shalt  }
0x4b: {  	_ =	shalt  }
0x4c: {  	_ =	shalt  }
0x4d: {  	_ =	shalt  }
0x4e: {  	_ =	shalt  }
0x4f: {  	_ =	shalt  }
0x50: {  	_ =	shalt  }
0x51: {  	_ =	shalt  }
0x52: {  	_ =	shalt  }
0x53: {  	_ =	shalt  }
0x54: {  	_ =	shalt  }
0x55: {  	_ =	shalt  }
0x56: {  	_ =	shalt  }
0x57: {  	_ =	shalt  }
0x58: {  	_ =	shalt  }
0x59: {  	_ =	shalt  }
0x5a: {  	_ =	shalt  }
0x5b: {  	_ =	shalt  }
0x5c: {  	_ =	shalt  }
0x5d: {  	_ =	shalt  }
0x5e: {  	_ =	shalt  }
0x5f: {  	_ =	shalt  }
0x60: {  	_ =	shalt  }
0x61: {  	_ =	shalt  }
0x62: {  	_ =	shalt  }
0x63: {  	_ =	shalt  }
0x64: {  	_ =	shalt  }
0x65: {  	_ =	shalt  }
0x66: {  	_ =	shalt  }
0x67: {  	_ =	shalt  }
0x68: {  	_ =	shalt  }
0x69: {  	_ =	shalt  }
0x6a: {  	_ =	shalt  }
0x6b: {  	_ =	shalt  }
0x6c: {  	_ =	shalt  }
0x6d: {  	_ =	shalt  }
0x6e: {  	_ =	shalt  }
0x6f: {  	_ =	shalt  }
0x70: {  	_ =	shalt  }
0x71: {  	_ =	shalt  }
0x72: {  	_ =	shalt  }
0x73: {  	_ =	shalt  }
0x74: {  	_ =	shalt  }
0x75: {  	_ =	shalt  }
0x76: {  	_ =	shalt  }
0x77: {  	_ =	shalt  }
0x78: {  	_ =	shalt  }
0x79: {  	_ =	shalt  }
0x7a: {  	_ =	shalt  }
0x7b: {  	_ =	shalt  }
0x7c: {  	_ =	shalt  }
0x7d: {  	_ =	shalt  }
0x7e: {  	_ =	shalt  }
0x7f: {  	_ =	shalt  }
0x80: {  	_ =	shalt  }
0x81: {  	_ =	shalt  }
0x82: {  	_ =	shalt  }
0x83: {  	_ =	shalt  }
0x84: {  	_ =	shalt  }
0x85: {  	_ =	shalt  }
0x86: {  	_ =	shalt  }
0x87: {  	_ =	shalt  }
.Lfunc_end0:
.L_simem_size_0:
called_computation.1_lowered:
.L_overlay_start_0:
0x88: {  	s2 =	sld [smem:$0x3FD9]  }
0x89: {  	s3 =	sld [smem:$0x3FFE];
	_ =	sdelay $0x1  }
0x8a: {  	s1 =	srdreg.scid  }
0x8b: {  	s0 =	sand.u32 $0x1, s1  }
0x8c: {  	s17 =	sshll.u32 s0, $0xA;
	s2 =	sadd.s32 s3, s2  }
0x8d: {  	s2 =	sadd.s32 s2, s17  }
0x8e: {  	[smem:$0x3FC5] =	sst s2  }
0x8f: {  	_ = 	snop  }
0x90: {  	s2 =	sld [smem:$0x3FD0];
	(tm) =	ssettm $0x1  }
0x91: {  	s18 =	sld [smem:$0x3FFB];
	_ =	sdelay $0x3  }
0x92: {  	_ =	strace s18  }
0x93: {  	s3 =	sld [smem:$0x3FFC];
	_ =	sdelay $0x3  }
0x94: {  	_ =	strace s3  }
0x95: {  	s3 =	sld [smem:$0x3FFD];
	_ =	sdelay $0x3  }
0x96: {  	_ =	strace s3  }
0x97: {  	_ =	strace $0x8FFFFFFF  }
0x98: {  	s19 =	sld [smem:$0x3FDB];
	_ =	sdelay $0x1  }
0x99: {  	s4 =	simm.s32 $_scs_section_size  }
0x9a: {  	s5 =	simm.s32 $_size__tile_overlayer_lowered;
	s6 =	simm.s32 $_tile_overlayer_lowered  }
0x9b: {  	s22 =	simm.s32 $0x1BFF;
	s21 =	sshll.u32 s6, $0x1;
	s3 =	sadd.s32 s4, s19  }
0x9c: {  	s7 =	simm.s32 $0x0;
	s20 =	sshll.u32 s5, $0x1;
	s5 =	sadd.s32 s21, s3  }
0x9d: {  	[timem:s7], [sflag:s22] =	dma.local [hbm:s5], s20  }
0x9e: {  	_ =	swait.ge [sflag:s22], s20  }
0x9f: {  	s4 =	ssub.s32 $0x0, s20;
	[sflag:s22] =	ssyncset.done $0x0  }
0xa0: {  	[sflag:s22] =	ssyncadd.s32 s4;
	_ =	sdelay $0x1  }
0xa1: {  	s23 =	simm.s32 $0x1B8B  }
0xa2: {  	_ =	swait.ge [sflag:s23], $0x1  }
0xa3: {  	[sflag:s23] =	ssyncset.done $0x0  }
0xa4: {  	s25 =	simm.s32 $0x1B8E;
	s24 =	sld [smem:$0x3FFE];
	[sflag:s23] =	ssyncadd.s32 $0xFFFFFFFF  }
0xa5: {  	s26 =	simm.s32 $execute0_lowered;
	[smem:$0x3FD2] =	sst s25  }
0xa6: {  	s5 =	sshll.u32 s26, $0x1;
	_ =	strace $0x80000046;
	[dreg:$0x1] =	wrdreg $0xFFFFFFFF  }
0xa7: {  	s28 =	simm.s32 $_size_execute0_lowered;
	s3 =	sadd.s32 s3, s5;
	[dreg:$0x0] =	wrdreg $0x0  }
0xa8: {  	s5 =	sshll.u32 s28, $0x1;
	[dreg:$0x2] =	wrdreg s3  }
0xa9: {  	[dreg:$0x3] =	wrdreg s5  }
0xaa: {  	[dreg:$0x4] =	wrdreg $0xC0  }
0xab: {  	_ =	task [dreg:s7], $0x5FFFF  }
0xac: {  	[dreg:$0x1] =	wrdreg $0xFFFFFFFF  }
0xad: {  	[dreg:$0x0] =	wrdreg $0x60  }
0xae: {  	[dreg:$0x2] =	wrdreg s24  }
0xaf: {  	[dreg:$0x3] =	wrdreg s2  }
0xb0: {  	[dreg:$0x4] =	wrdreg $0x196000  }
0xb1: {  	[dreg:$0x5] =	wrdreg $0x9  }
0xb2: {  	_ =	task.clear_ibuf [dreg:s7], $0x6FFFF;
	_ =	strace $0x90000046  }
0xb3: {  	s29 =	simm.s32 $0x9;
	_ =	strace $0x80000048  }
0xb4: {  	_ =	swait.ge [sflag:s29], $0x1  }
0xb5: {  	[sflag:s29] =	ssyncadd.s32 $0xFFFFFFFF  }
0xb6: {  	_ =	strace $0x90000048  }
0xb7: {  	_ =	sfence  }
0xb8: {  	s30 =	sld [smem:$0x0];
	_ =	sdelay $0x2  }
0xb9: {  	s31 =	sshll.u32 s1, $0xD;
	s1 =	sshrl.u32 s1, $0x2  }
0xba: {  	s3 =	sand.u32 $0x4000, s31;
	s1 =	sadd.s32 s1, s30  }
0xbb: {  	s0 =	sor.u32 s3, s0;
	s1 =	sshll.u32 s1, $0x11  }
0xbc: {  	s0 =	sor.u32 s1, s0  }
0xbd: {  	s0 =	sadd.s32 $0x8F2B, s0  }
0xbe: {  	[sflag:s0] =	ssyncadd.remote.s32 $0x1  }
0xbf: {  	_ =	sfence.sel $0xFFFF  }
0xc0: {  	[dreg:$0x0] =	wrdreg $0xFFFFFFFF;
	(pc) =	sbr.abs _section_cstart, $3  }
0xc1: {  	[dreg:$0x1] =	wrdreg $0xFFFFFFFF  }
0xc2: {  	_ =	task.clear_ibuf [dreg:s7], $0x2FFFF;
	_ =	strace $0x9FFFFFFF  }
0xc3: {  	(tm) =	ssettm $0x7FFFFFFF  }
tec
execute0_lowered:
.L_overlay_start_1:
0x0: {  	(tag) =	ssettag $0x1  }
0x1: {  	s0 =	rddreg [dreg:$0x0]  }
0x2: {  	s2 =	srdreg.scid;
	s6 =	stileid.u32  }
0x3: {  	s1 =	rddreg [dreg:$0x1];
	s16 =	simm.s32 $0x80;
	s18 =	simm.s32 $0x3200  }
0x4: {  	s19 =	simm.s32 $0x2;
	s20 =	simm.s32 $0x4600;
	s21 =	simm.s32 $0x200  }
0x5: {  	s28 =	simm.s32 $0x4E00;
	s30 =	simm.s32 $0xD600;
	s31 =	simm.s32 $0x4  }
0x6: {  	s17 =	simm.s32 $0x5;
	s5 =	sand.u32 $0x1, s2;
	s3 =	sshll.u32 s6, $0x1  }
0x7: {  	s2 =	rddreg [dreg:$0x2];
	s8 =	smul.u32 $0x61A0, s6;
	s23 =	sshll.u32 s6, $0x6  }
0x8: {  	p0 =	sne.s32 s6, $0x0;
	s6 =	simm.s32 $0x17600;
	s7 =	sor.u32 s5, s3  }
0x9: {  	s3 =	simm.s32 $0x0;
	s11 =	ssub.s32 $0x2, s5;
	s5 =	sadd.s32 $0x14C00, s0  }
0xa: {  	s24 =	sor.u32 $0x1C08, s23;
	s4 =	smul.u32 $0x1900, s7;
	[smem:$0x7FF] =	sst s3  }
0xb: {  	s10 =	sshrl.u32 s8, $0x3;
	s12 =	sshrl.u32 s11, $0x1;
	s8 =	sadd.s32 s8, s2  }
0xc: {  	_ =	strace $0x80000047;
	s10 =	sadd.s32 s10, s0;
	s11 =	ssub.s32 s11, s12  }
0xd: {  	[dreg:$0x5] =	wrdreg s24;
	s12 =	sadd.s32 $0x61A00, s2;
	s29 =	sshrl.u32 s8, $0x3  }
0xe: {  	s24 =	simm.s32 $0x7;
	s8 =	simm.s32 $0x0;
	s9 =	sshrl.u32 s4, $0x3  }
0xf: {  	s10 =	sadd.s32 $0x8800, s10;
	s26 =	smax.u32 s11, $0x1;
	[dreg:$0x9] =	wrdreg s29  }
.Ltmp0:
0x10: {  	s11 =	simm.s32 $0x0;
	[dreg:$0x4] =	wrdreg s10;
	(pc) =	sbr.rel .LBB2_1-.Ltmp0, $4  }
0x11: {  	s9 =	sadd.s32 s9, s0;
	s0 =	sadd.s32 $0x14B40, s0;
	[dreg:$0x8] =	wrdreg s26  }
0x12: {  	v1 =	vlaneseq.u32;
	s10 =	smul.u32 $0x64000, s7;
	[dreg:$0x6] =	wrdreg s0;
	s25 =	sadd.s32 $0x2400, s9  }
0x13: {  	v0 =	vshrl.u32 v1, $0x2;
	s26 =	simm.s32 $0x3;
	s0 =	sshrl.u32 @!p0 s12, $0x3;
	[dreg:$0x7] =	wrdreg s25  }
0x14: {  	v2 =	vimm.f32 $1.000000000e+00;
	v1 =	vand.u32 $0x3, v1;
	v3 =	vmul.u32 $0x10, v0;
	[dreg:$0xa] =	wrdreg s0;
	s25 =	simm.s32 $0x3A00;
	s0 =	simm.s32 $0x15600  }
.LBB2_20:
0x15: {  	s7 =	simm.s32 $0x6  }
0x16: {  	_ =	swait.ge [sflag:s7], $0x2000  }
0x17: {  	[sflag:s7] =	ssyncset.done $0x0  }
0x18: {  	[sflag:s7] =	ssyncadd.s32 $0xFFFFE000  }
0x19: {  	_ =	swait.ge [sflag:s24], $0x2000  }
0x1a: {  	s8 =	rddreg [dreg:$0xb]  }
0x1b: {  	s29 =	rddreg [dreg:$0x8];
	s8 =	sadd.s32 $0x1, s8  }
0x1c: {  	p1 =	sne.s32 s8, s29  }
.Ltmp1:
0x1d: {  	_ = 	snop;
	(pc) =	sbr.rel @!p1 .LBB2_21-.Ltmp1, $3  }
0x1e: {  	_ =	sdelay $0x1  }
0x1f: {  	[sflag:s24] =	ssyncset.done $0x0  }
0x20: {  	[sflag:s24] =	ssyncadd.s32 $0xFFFFE000  }
.LBB2_1:
0x21: {  	[dreg:$0xb] =	wrdreg s8  }
0x22: {  	s7 =	rddreg [dreg:$0x4]  }
0x23: {  	s8 =	rddreg [dreg:$0x5]  }
0x24: {  	s9 =	rddreg [dreg:$0x9];
	s22 =	simm.s32 $0x8  }
0x25: {  	[spmem:s9], [sflag:s8] =	dma.local [hbm:s7], $0xC34  }
0x26: {  	_ =	swait.ge [sflag:s22], $0xC34  }
0x27: {  	[sflag:s22] =	ssyncset.done $0x0;
	s7 =	rddreg [dreg:$0x6]  }
0x28: {  	s9 =	rddreg [dreg:$0xa];
	[sflag:s22] =	ssyncadd.s32 $0xFFFFF3CC  }
0x29: {  	[spmem:s9], [sflag:s8] =	dma.local @!p0 [hbm:s7], $0x10  }
0x2a: {  	s7 =	simm.s32 @!p0 $0x8  }
0x2b: {  	_ =	swait.ge @!p0 [sflag:s7], $0x10  }
0x2c: {  	[sflag:s7] =	ssyncset.done @!p0 $0x0  }
0x2d: {  	s29 =	simm.s32 $0x1;
	s23 =	rddreg [dreg:$0x7];
	[sflag:s7] =	ssyncadd.s32 @!p0 $0xFFFFFFF0  }
0x2e: {  	[tilespmem:s3], [sflag:$0x1] =	stream.linear.gather [hbm4b:s23+s3], $0x1900, $0x38;
	[tilespmem:$0x1F7A8] =	vst v63  }
0x2f: {  	_ =	swait.ge [sflag:s29], $0x1900  }
0x30: {  	[sflag:s29] =	ssyncset.done $0x0  }
0x31: {  	s7 =	simm.s32 $0x0;
	[sflag:s29] =	ssyncadd.s32 $0xFFFFE700  }
0x32: {  	s8 =	simm.s32 $0x40;
	v4 =	vld [tilespmem:s7+$0x0]  }
.LBB2_2:
0x33: {  	p1 =	sne.s32 s8, $0x63C0  }
.Ltmp2:
0x34: {  	_ = 	snop;
	(pc) =	sbr.rel @p1 .LBB2_2-.Ltmp2, $3  }
0x35: {  	_ =	sdelay $0x1  }
0x36: {  	s9 =	sshra.s32 s8, $0x2;
	s8 =	sadd.s32 $0x40, s8;
	v5 =	vshra.s32 v4, $0x2  }
0x37: {  	v4 =	vld [tilespmem:s9+$0x0];
	[tilespmem:s7+$0x1900] =	vst v5;
	s7 =	smov.u32 s9  }
0x38: {  	_ =	sdelay $0x3  }
0x39: {  	v4 =	vshra.s32 v4, $0x2  }
0x3a: {  	s22 =	simm.s32 $0x0;
	[tilespmem:s7+$0x1900] =	vst v4  }
0x3b: {  	s23 =	simm.s32 $0x1900;
	v4 =	vor.u32 s22, v0;
	[bflag:$0x0] =	sbarrier.arrive $0xFFFF  }
0x3c: {  	[tilespmem:s18], [sflag:$0x2] =	stream.indirect.gather [spmem:s2], $0x10, s23, s16, $0xb8;
	[tilespmem:$0x1F7A8] =	vst v63  }
0x3d: {  	_ =	swait.ge [sflag:s19], $0x800  }
0x3e: {  	[sflag:s19] =	ssyncset.done $0x0  }
0x3f: {  	[sflag:s19] =	ssyncadd.s32 $0xFFFFF800  }
0x40: {  	v5 =	vld.idx.msk [tilespmem:v4+s3+$0x0], $0xffff;
	_ =	sdelay $0x4  }
0x41: {  	v5 =	vshll.u32 v5, $0x2  }
0x42: {  	v5 =	vor.u32 v1, v5  }
0x43: {  	v4 =	vshll.u32 v4, $0x4;
	v5 =	vand.u32 $0xF, v5  }
0x44: {  	v5 =	vor.u32 v4, v5;
	_ =	sdelay $0x4  }
0x45: {  	v5 =	vld.idx.msk [tilespmem:v5+s18+$0x0], $0xffff;
	_ =	sdelay $0x1  }
0x46: {  	s29 =	simm.s32 $0x4;
	v4 =	vor.u32 v1, v4  }
0x47: {  	v6 =	vor.u32 s29, v0;
	_ =	sdelay $0x1  }
0x48: {  	s7 =	simm.s32 $0x4200;
	vm0 =	veq.s32 v5, $0x0  }
0x49: {  	[tilespmem:s7+$0x0] =	vst v5;
	v5 =	vsel vm0, $0x0, v2  }
0x4a: {  	[tilespmem:v4+s20+$0x0] =	vst.idx.msk $0xffff, v5  }
0x4b: {  	v4 =	vld.idx.msk [tilespmem:v6+s3+$0x0], $0xffff;
	_ =	sdelay $0x4  }
0x4c: {  	v4 =	vshll.u32 v4, $0x2  }
0x4d: {  	v4 =	vor.u32 v1, v4  }
0x4e: {  	v5 =	vshll.u32 v6, $0x4;
	v4 =	vand.u32 $0xF, v4  }
0x4f: {  	v4 =	vor.u32 v5, v4;
	_ =	sdelay $0x4  }
0x50: {  	v6 =	vld.idx.msk [tilespmem:v4+s18+$0x0], $0xffff;
	_ =	sdelay $0x1  }
0x51: {  	s8 =	simm.s32 $0x8;
	v5 =	vor.u32 v1, v5  }
0x52: {  	v4 =	vor.u32 s8, v0;
	s8 =	simm.s32 $0xC  }
.LBB2_4:
0x53: {  	p1 =	sne.s32 s8, $0x7C;
	s7 =	sadd.s32 $0x10, s7  }
0x54: {  	vm0 =	veq.s32 v6, $0x0;
	[tilespmem:s7+$0x0] =	vst v6  }
0x55: {  	v6 =	vsel vm0, $0x0, v2  }
0x56: {  	[tilespmem:v5+s20+$0x0] =	vst.idx.msk $0xffff, v6  }
0x57: {  	v5 =	vld.idx.msk [tilespmem:v4+s3+$0x0], $0xffff;
	_ =	sdelay $0x5  }
0x58: {  	v5 =	vshll.u32 v5, $0x2  }
0x59: {  	v5 =	vor.u32 v1, v5  }
0x5a: {  	v4 =	vshll.u32 v4, $0x4;
	v5 =	vand.u32 $0xF, v5  }
0x5b: {  	v5 =	vor.u32 v4, v5;
	_ =	sdelay $0x4  }
.Ltmp3:
0x5c: {  	v6 =	vld.idx.msk [tilespmem:v5+s18+$0x0], $0xffff;
	(pc) =	sbr.rel @p1 .LBB2_4-.Ltmp3, $3  }
0x5d: {  	_ =	sdelay $0x1  }
0x5e: {  	v5 =	vor.u32 v1, v4  }
0x5f: {  	v4 =	vor.u32 s8, v0;
	s8 =	sadd.s32 $0x4, s8  }
0x60: {  	_ =	sdelay $0x1  }
0x61: {  	s7 =	sadd.s32 $0x10, s7;
	vm0 =	veq.s32 v6, $0x0  }
0x62: {  	[tilespmem:s7+$0x0] =	vst v6;
	v63 =	vsel vm0, $0x0, v2  }
0x63: {  	[tilespmem:v5+s20+$0x0] =	vst.idx.msk $0xffff, v63  }
0x64: {  	v5 =	vld.idx.msk [tilespmem:v4+s3+$0x0], $0xffff;
	_ =	sdelay $0x4  }
0x65: {  	v5 =	vshll.u32 v5, $0x2  }
0x66: {  	v5 =	vor.u32 v1, v5  }
0x67: {  	v4 =	vshll.u32 v4, $0x4;
	v5 =	vand.u32 $0xF, v5  }
0x68: {  	v5 =	vor.u32 v4, v5;
	_ =	sdelay $0x4  }
0x69: {  	v5 =	vld.idx.msk [tilespmem:v5+s18+$0x0], $0xffff;
	_ =	sdelay $0x1  }
0x6a: {  	v4 =	vor.u32 v1, v4;
	_ =	sdelay $0x2  }
0x6b: {  	s7 =	sadd.s32 $0x10, s7;
	vm15 =	veq.s32 v5, $0x0  }
0x6c: {  	[tilespmem:s7+$0x0] =	vst v5;
	v5 =	vsel vm15, $0x0, v2  }
0x6d: {  	s23 =	simm.s32 $0x4200;
	s8 =	simm.s32 $0x5600;
	[tilespmem:v4+s20+$0x0] =	vst.idx.msk $0xffff, v5  }
0x6e: {  	[tilespmem:s8], [sflag:$0x4] =	stream.indirect.gather [hbm4b:s5+s21], $0x40, s23, s21, $0xb8;
	[tilespmem:$0x1F7A8] =	vst v63  }
0x6f: {  	s29 =	simm.s32 $0x1980;
	s12 =	simm.s32 $0x0  }
0x70: {  	[tilespmem:s25], [sflag:$0x3] =	stream.indirect.gather [spmem:s2], $0x10, s29, s16, $0xb8;
	[tilespmem:$0x1F7A8] =	vst v63  }
.LBB2_6:
0x71: {  	s15 =	sshll.u32 s12, $0x8  }
0x72: {  	s14 =	sor.u32 $0x80, s15  }
0x73: {  	v4 =	vor.u32 s14, v0  }
0x74: {  	v5 =	vor.u32 s11, v4;
	_ =	sdelay $0x1  }
0x75: {  	_ =	swait.ge [sflag:s26], $0x800  }
0x76: {  	[sflag:s26] =	ssyncset.done $0x0  }
0x77: {  	[sflag:s26] =	ssyncadd.s32 $0xFFFFF800  }
0x78: {  	v5 =	vld.idx.msk [tilespmem:v5+s3+$0x0], $0xffff;
	_ =	sdelay $0x4  }
0x79: {  	v6 =	vmov s11;
	v5 =	vshll.u32 v5, $0x2  }
0x7a: {  	v6 =	vshll.u32 v6, $0x4;
	v5 =	vor.u32 v1, v5  }
0x7b: {  	v6 =	vor.u32 v3, v6;
	v5 =	vand.u32 $0xF, v5  }
0x7c: {  	v5 =	vor.u32 v6, v5;
	_ =	sdelay $0x4  }
0x7d: {  	v5 =	vld.idx.msk [tilespmem:v5+s25+$0x0], $0xffff;
	_ =	sdelay $0x1  }
0x7e: {  	s8 =	simm.s32 $0x4;
	v6 =	vor.u32 v1, v6  }
0x7f: {  	v7 =	vor.u32 s8, v4;
	_ =	sdelay $0x1  }
0x80: {  	s7 =	simm.s32 $0x4400;
	vm0 =	veq.s32 v5, $0x0  }
0x81: {  	[tilespmem:s7+$0x0] =	vst v5;
	v5 =	vsel vm0, $0x0, v2  }
0x82: {  	[tilespmem:v6+s28+$0x0] =	vst.idx.msk $0xffff, v5  }
0x83: {  	v5 =	vld.idx.msk [tilespmem:v7+s3+$0x0], $0xffff;
	_ =	sdelay $0x4  }
0x84: {  	v6 =	vmov s8;
	v5 =	vshll.u32 v5, $0x2  }
0x85: {  	v6 =	vshll.u32 v6, $0x4;
	v5 =	vor.u32 v1, v5  }
0x86: {  	v6 =	vor.u32 v3, v6;
	v5 =	vand.u32 $0xF, v5  }
0x87: {  	v5 =	vor.u32 v6, v5;
	_ =	sdelay $0x4  }
0x88: {  	v7 =	vld.idx.msk [tilespmem:v5+s25+$0x0], $0xffff;
	_ =	sdelay $0x1  }
0x89: {  	s8 =	simm.s32 $0x8;
	v5 =	vor.u32 v1, v6  }
0x8a: {  	s9 =	simm.s32 $0xC;
	v6 =	vor.u32 s8, v4  }
.LBB2_7:
0x8b: {  	p1 =	sne.s32 s9, $0x7C;
	s7 =	sadd.s32 $0x10, s7  }
0x8c: {  	vm0 =	veq.s32 v7, $0x0;
	[tilespmem:s7+$0x0] =	vst v7  }
0x8d: {  	v7 =	vsel vm0, $0x0, v2  }
0x8e: {  	[tilespmem:v5+s28+$0x0] =	vst.idx.msk $0xffff, v7  }
0x8f: {  	v5 =	vld.idx.msk [tilespmem:v6+s3+$0x0], $0xffff;
	_ =	sdelay $0x5  }
0x90: {  	v6 =	vmov s8;
	s8 =	smov.u32 s9;
	v5 =	vshll.u32 v5, $0x2  }
0x91: {  	v6 =	vshll.u32 v6, $0x4;
	v5 =	vor.u32 v1, v5  }
0x92: {  	v6 =	vor.u32 v3, v6;
	v5 =	vand.u32 $0xF, v5  }
0x93: {  	v5 =	vor.u32 v6, v5;
	_ =	sdelay $0x4  }
.Ltmp4:
0x94: {  	v7 =	vld.idx.msk [tilespmem:v5+s25+$0x0], $0xffff;
	(pc) =	sbr.rel @p1 .LBB2_7-.Ltmp4, $3  }
0x95: {  	_ =	sdelay $0x1  }
0x96: {  	v5 =	vor.u32 v1, v6  }
0x97: {  	s9 =	sadd.s32 $0x4, s9;
	v6 =	vor.u32 s8, v4  }
0x98: {  	_ =	sdelay $0x1  }
0x99: {  	s7 =	sadd.s32 $0x10, s7;
	vm0 =	veq.s32 v7, $0x0  }
0x9a: {  	[tilespmem:s7+$0x0] =	vst v7;
	v4 =	vsel vm0, $0x0, v2  }
0x9b: {  	[tilespmem:v5+s28+$0x0] =	vst.idx.msk $0xffff, v4  }
0x9c: {  	v4 =	vld.idx.msk [tilespmem:v6+s3+$0x0], $0xffff;
	_ =	sdelay $0x4  }
0x9d: {  	v5 =	vmov s8;
	v4 =	vshll.u32 v4, $0x2  }
0x9e: {  	v5 =	vshll.u32 v5, $0x4;
	v4 =	vor.u32 v1, v4  }
0x9f: {  	v5 =	vor.u32 v3, v5;
	v4 =	vand.u32 $0xF, v4  }
0xa0: {  	v4 =	vor.u32 v5, v4;
	_ =	sdelay $0x4  }
0xa1: {  	v4 =	vld.idx.msk [tilespmem:v4+s25+$0x0], $0xffff;
	_ =	sdelay $0x1  }
0xa2: {  	v5 =	vor.u32 v1, v5;
	_ =	sdelay $0x2  }
0xa3: {  	s7 =	sadd.s32 $0x10, s7;
	vm15 =	veq.s32 v4, $0x0  }
0xa4: {  	[tilespmem:s7+$0x0] =	vst v4;
	v4 =	vsel vm15, $0x0, v2  }
0xa5: {  	s29 =	simm.s32 $0x4400;
	[tilespmem:v5+s28+$0x0] =	vst.idx.msk $0xffff, v4  }
0xa6: {  	[tilespmem:s30], [sflag:$0x5] =	stream.indirect.gather [hbm4b:s5+s21], $0x40, s29, s21, $0xb8;
	[tilespmem:$0x1F7A8] =	vst v63  }
0xa7: {  	_ =	swait.ge [sflag:s31], $0x8000  }
0xa8: {  	p1 =	seq.s32 s12, $0x0;
	[sflag:s31] =	ssyncset.done $0x0  }
0xa9: {  	s7 =	simm.s32 @!p1 $0x6;
	[sflag:s31] =	ssyncadd.s32 $0xFFFF8000  }
0xaa: {  	_ =	swait.ge @!p1 [sflag:s7], $0x2000  }
0xab: {  	[sflag:s7] =	ssyncset.done @!p1 $0x0  }
0xac: {  	s8 =	simm.s32 $0x5700;
	[sflag:s7] =	ssyncadd.s32 @!p1 $0xFFFFE000  }
0xad: {  	s9 =	simm.s32 $0x0;
	v4 =	vld [tilespmem:s8+$0xFFFFFF80]  }
0xae: {  	v5 =	vld [tilespmem:s9+$0x4600]  }
0xaf: {  	v6 =	vld [tilespmem:s8+$0xFFFFFFC0]  }
0xb0: {  	v7 =	vld [tilespmem:s8+$0xFFFFFF00]  }
0xb1: {  	v8 =	vld [tilespmem:s8+$0xFFFFFF40];
	_ =	sdelay $0x1  }
0xb2: {  	v9 =	vbroadcast v5, $0x0;
	v10 =	vbroadcast v5, $0x3  }
0xb3: {  	v11 =	vbroadcast v5, $0x1;
	v5 =	vbroadcast v5, $0x2  }
0xb4: {  	v7 =	vmul.f32 v9, v7;
	v6 =	vmul.f32 v6, v10  }
0xb5: {  	v8 =	vmul.f32 v8, v11;
	v4 =	vmul.f32 v4, v5;
	_ =	sdelay $0x1  }
0xb6: {  	v7 =	vadd.f32 v8, v7;
	v4 =	vadd.f32 v6, v4;
	_ =	sdelay $0x1  }
0xb7: {  	v4 =	vadd.f32 v4, v7  }
0xb8: {  	s7 =	simm.s32 $0x15640  }
0xb9: {  	[tilespmem:s7+$0xFFFFFFC0] =	vst v4  }
0xba: {  	v4 =	vld [tilespmem:s8+$0xFFFFFF10]  }
0xbb: {  	v6 =	vld [tilespmem:s8+$0xFFFFFF90]  }
0xbc: {  	v7 =	vld [tilespmem:s8+$0xFFFFFFD0]  }
0xbd: {  	v8 =	vld [tilespmem:s8+$0xFFFFFF50];
	_ =	sdelay $0x3  }
0xbe: {  	v4 =	vmul.f32 v4, v9;
	v6 =	vmul.f32 v6, v5  }
0xbf: {  	v7 =	vmul.f32 v7, v10;
	v8 =	vmul.f32 v8, v11;
	_ =	sdelay $0x1  }
0xc0: {  	v6 =	vadd.f32 v7, v6;
	v4 =	vadd.f32 v8, v4;
	_ =	sdelay $0x1  }
0xc1: {  	v4 =	vadd.f32 v6, v4;
	_ =	sdelay $0x1  }
0xc2: {  	[tilespmem:s7+$0xFFFFFFD0] =	vst v4  }
0xc3: {  	v4 =	vld [tilespmem:s8+$0xFFFFFFA0]  }
0xc4: {  	v6 =	vld [tilespmem:s8+$0xFFFFFFE0]  }
0xc5: {  	v7 =	vld [tilespmem:s8+$0xFFFFFF60]  }
0xc6: {  	v8 =	vld [tilespmem:s8+$0xFFFFFF20];
	_ =	sdelay $0x3  }
0xc7: {  	v6 =	vmul.f32 v6, v10;
	v7 =	vmul.f32 v7, v11  }
0xc8: {  	v4 =	vmul.f32 v4, v5;
	v8 =	vmul.f32 v8, v9;
	_ =	sdelay $0x1  }
0xc9: {  	v7 =	vadd.f32 v7, v8;
	v4 =	vadd.f32 v6, v4;
	_ =	sdelay $0x1  }
0xca: {  	v4 =	vadd.f32 v4, v7;
	_ =	sdelay $0x1  }
0xcb: {  	[tilespmem:s7+$0xFFFFFFE0] =	vst v4  }
0xcc: {  	v4 =	vld [tilespmem:s8+$0xFFFFFFB0]  }
0xcd: {  	v6 =	vld [tilespmem:s8+$0xFFFFFF70]  }
0xce: {  	v7 =	vld [tilespmem:s8+$0xFFFFFF30]  }
0xcf: {  	v8 =	vld [tilespmem:s8+$0xFFFFFFF0];
	_ =	sdelay $0x3  }
0xd0: {  	v6 =	vmul.f32 v6, v11;
	v7 =	vmul.f32 v7, v9  }
0xd1: {  	v4 =	vmul.f32 v4, v5;
	v5 =	vmul.f32 v8, v10;
	_ =	sdelay $0x1  }
0xd2: {  	v6 =	vadd.f32 v6, v7;
	v4 =	vadd.f32 v5, v4;
	_ =	sdelay $0x1  }
0xd3: {  	v4 =	vadd.f32 v4, v6;
	_ =	sdelay $0x1  }
0xd4: {  	[tilespmem:s7+$0xFFFFFFF0] =	vst v4  }
0xd5: {  	v8 =	vld [tilespmem:s8+$0x0]  }
0xd6: {  	v7 =	vld [tilespmem:s9+$0x4610]  }
0xd7: {  	v9 =	vld [tilespmem:s8+$0x40]  }
0xd8: {  	v10 =	vld [tilespmem:s8+$0x80]  }
0xd9: {  	v11 =	vld [tilespmem:s8+$0xC0];
	_ =	sdelay $0x1  }
0xda: {  	v6 =	vbroadcast v7, $0x0;
	v4 =	vbroadcast v7, $0x1  }
0xdb: {  	v5 =	vbroadcast v7, $0x2;
	v7 =	vbroadcast v7, $0x3  }
0xdc: {  	v8 =	vmul.f32 v6, v8;
	v9 =	vmul.f32 v9, v4  }
0xdd: {  	v10 =	vmul.f32 v10, v5;
	v11 =	vmul.f32 v11, v7;
	_ =	sdelay $0x1  }
0xde: {  	v8 =	vadd.f32 v9, v8;
	v9 =	vadd.f32 v11, v10;
	_ =	sdelay $0x1  }
0xdf: {  	v8 =	vadd.f32 v9, v8;
	_ =	sdelay $0x1  }
0xe0: {  	[tilespmem:s7+$0x0] =	vst v8  }
0xe1: {  	v8 =	vld [tilespmem:s8+$0x10]  }
0xe2: {  	v9 =	vld [tilespmem:s8+$0x50]  }
0xe3: {  	v10 =	vld [tilespmem:s8+$0xD0]  }
0xe4: {  	v11 =	vld [tilespmem:s8+$0x90];
	_ =	sdelay $0x3  }
0xe5: {  	v8 =	vmul.f32 v8, v6;
	v9 =	vmul.f32 v9, v4  }
0xe6: {  	v10 =	vmul.f32 v10, v7;
	v11 =	vmul.f32 v11, v5;
	_ =	sdelay $0x1  }
0xe7: {  	v8 =	vadd.f32 v9, v8;
	v9 =	vadd.f32 v10, v11;
	_ =	sdelay $0x1  }
0xe8: {  	v8 =	vadd.f32 v9, v8;
	_ =	sdelay $0x1  }
0xe9: {  	[tilespmem:s7+$0x10] =	vst v8  }
0xea: {  	v8 =	vld [tilespmem:s8+$0x60];
	_ =	sdelay $0x1  }
0xeb: {  	v10 =	vld [tilespmem:s8+$0xA0]  }
0xec: {  	v11 =	vld [tilespmem:s8+$0x20];
	_ =	sdelay $0x1  }
0xed: {  	v9 =	vmul.f32 v8, v4;
	v8 =	vld [tilespmem:s8+$0xE0];
	_ =	sdelay $0x1  }
0xee: {  	s13 =	sshll.u32 s12, $0xA  }
0xef: {  	s23 =	simm.s32 $0x80;
	s22 =	simm.s32 $0x5700;
	s9 =	simm.s32 $0x15640;
	v11 =	vmul.f32 v11, v6;
	v10 =	vmul.f32 v10, v5  }
.LBB2_9:
0xf0: {  	p2 =	sne.s32 s23, $0x1F80;
	s8 =	sadd.s32 $0x200, s8;
	s7 =	sadd.s32 $0x80, s7  }
0xf1: {  	v8 =	vmul.f32 v8, v7;
	s29 =	smov.u32 s23;
	s23 =	sadd.s32 $0x80, s23;
	v9 =	vadd.f32 v9, v11;
	_ =	sdelay $0x1  }
0xf2: {  	v8 =	vadd.f32 v8, v10;
	_ =	sdelay $0x1  }
0xf3: {  	v8 =	vadd.f32 v8, v9;
	_ =	sdelay $0x1  }
0xf4: {  	[tilespmem:s9+$0x20] =	vst v8  }
0xf5: {  	v8 =	vld [tilespmem:s22+$0x30]  }
0xf6: {  	v9 =	vld [tilespmem:s22+$0xF0]  }
0xf7: {  	v10 =	vld [tilespmem:s22+$0xB0]  }
0xf8: {  	v11 =	vld [tilespmem:s22+$0x70];
	s22 =	smov.u32 s8;
	_ =	sdelay $0x1  }
0xf9: {  	v6 =	vmul.f32 v8, v6  }
0xfa: {  	v7 =	vmul.f32 v9, v7  }
0xfb: {  	v5 =	vmul.f32 v10, v5  }
0xfc: {  	v4 =	vmul.f32 v11, v4  }
0xfd: {  	v5 =	vadd.f32 v7, v5  }
0xfe: {  	v4 =	vadd.f32 v4, v6;
	_ =	sdelay $0x1  }
0xff: {  	v4 =	vadd.f32 v5, v4;
	_ =	sdelay $0x1  }
0x100: {  	[tilespmem:s9+$0x30] =	vst v4;
	s9 =	smov.u32 s7  }
0x101: {  	s29 =	sshra.s32 s29, $0x2;
	v4 =	vld [tilespmem:s8+$0xFFFFFF80]  }
0x102: {  	v5 =	vld [tilespmem:s29+$0x4600]  }
0x103: {  	v6 =	vld [tilespmem:s8+$0xFFFFFFC0]  }
0x104: {  	v7 =	vld [tilespmem:s8+$0xFFFFFF00]  }
0x105: {  	v8 =	vld [tilespmem:s8+$0xFFFFFF40];
	_ =	sdelay $0x1  }
0x106: {  	v9 =	vbroadcast v5, $0x0;
	v10 =	vbroadcast v5, $0x3  }
0x107: {  	v11 =	vbroadcast v5, $0x1;
	v5 =	vbroadcast v5, $0x2  }
0x108: {  	v7 =	vmul.f32 v9, v7;
	v6 =	vmul.f32 v6, v10  }
0x109: {  	v4 =	vmul.f32 v4, v5;
	v8 =	vmul.f32 v8, v11;
	_ =	sdelay $0x1  }
0x10a: {  	v4 =	vadd.f32 v6, v4;
	v7 =	vadd.f32 v8, v7;
	_ =	sdelay $0x1  }
0x10b: {  	v4 =	vadd.f32 v4, v7;
	_ =	sdelay $0x1  }
0x10c: {  	[tilespmem:s7+$0xFFFFFFC0] =	vst v4  }
0x10d: {  	v4 =	vld [tilespmem:s8+$0xFFFFFF10]  }
0x10e: {  	v6 =	vld [tilespmem:s8+$0xFFFFFF90]  }
0x10f: {  	v7 =	vld [tilespmem:s8+$0xFFFFFFD0]  }
0x110: {  	v8 =	vld [tilespmem:s8+$0xFFFFFF50];
	_ =	sdelay $0x1  }
0x111: {  	v4 =	vmul.f32 v4, v9  }
0x112: {  	v6 =	vmul.f32 v6, v5  }
0x113: {  	v7 =	vmul.f32 v7, v10  }
0x114: {  	v8 =	vmul.f32 v8, v11  }
0x115: {  	v6 =	vadd.f32 v7, v6  }
0x116: {  	v4 =	vadd.f32 v8, v4;
	_ =	sdelay $0x1  }
0x117: {  	v4 =	vadd.f32 v6, v4;
	_ =	sdelay $0x1  }
0x118: {  	[tilespmem:s7+$0xFFFFFFD0] =	vst v4  }
0x119: {  	v4 =	vld [tilespmem:s8+$0xFFFFFFA0]  }
0x11a: {  	v6 =	vld [tilespmem:s8+$0xFFFFFFE0]  }
0x11b: {  	v7 =	vld [tilespmem:s8+$0xFFFFFF60]  }
0x11c: {  	v8 =	vld [tilespmem:s8+$0xFFFFFF20];
	_ =	sdelay $0x2  }
0x11d: {  	v6 =	vmul.f32 v6, v10  }
0x11e: {  	v4 =	vmul.f32 v4, v5;
	v7 =	vmul.f32 v7, v11  }
0x11f: {  	v8 =	vmul.f32 v8, v9;
	_ =	sdelay $0x1  }
0x120: {  	v4 =	vadd.f32 v6, v4;
	v7 =	vadd.f32 v7, v8;
	_ =	sdelay $0x1  }
0x121: {  	v4 =	vadd.f32 v4, v7;
	_ =	sdelay $0x1  }
0x122: {  	[tilespmem:s7+$0xFFFFFFE0] =	vst v4  }
0x123: {  	v4 =	vld [tilespmem:s8+$0xFFFFFFB0]  }
0x124: {  	v6 =	vld [tilespmem:s8+$0xFFFFFF70]  }
0x125: {  	v7 =	vld [tilespmem:s8+$0xFFFFFF30]  }
0x126: {  	v8 =	vld [tilespmem:s8+$0xFFFFFFF0];
	_ =	sdelay $0x2  }
0x127: {  	v6 =	vmul.f32 v6, v11  }
0x128: {  	v4 =	vmul.f32 v4, v5;
	v7 =	vmul.f32 v7, v9  }
0x129: {  	v5 =	vmul.f32 v8, v10  }
0x12a: {  	v6 =	vadd.f32 v6, v7  }
0x12b: {  	v4 =	vadd.f32 v5, v4;
	_ =	sdelay $0x1  }
0x12c: {  	v4 =	vadd.f32 v4, v6;
	_ =	sdelay $0x1  }
0x12d: {  	[tilespmem:s7+$0xFFFFFFF0] =	vst v4  }
0x12e: {  	v8 =	vld [tilespmem:s8+$0x0]  }
0x12f: {  	v7 =	vld [tilespmem:s29+$0x4610]  }
0x130: {  	v9 =	vld [tilespmem:s8+$0x40]  }
0x131: {  	v10 =	vld [tilespmem:s8+$0x80]  }
0x132: {  	v11 =	vld [tilespmem:s8+$0xC0];
	_ =	sdelay $0x1  }
0x133: {  	v6 =	vbroadcast v7, $0x0;
	v4 =	vbroadcast v7, $0x1  }
0x134: {  	v5 =	vbroadcast v7, $0x2;
	v7 =	vbroadcast v7, $0x3  }
0x135: {  	v8 =	vmul.f32 v6, v8;
	v9 =	vmul.f32 v9, v4  }
0x136: {  	v10 =	vmul.f32 v10, v5;
	v11 =	vmul.f32 v11, v7  }
0x137: {  	v8 =	vadd.f32 v9, v8  }
0x138: {  	v9 =	vadd.f32 v11, v10;
	_ =	sdelay $0x1  }
0x139: {  	v8 =	vadd.f32 v9, v8;
	_ =	sdelay $0x1  }
0x13a: {  	[tilespmem:s7+$0x0] =	vst v8  }
0x13b: {  	v8 =	vld [tilespmem:s8+$0x10]  }
0x13c: {  	v9 =	vld [tilespmem:s8+$0x50]  }
0x13d: {  	v10 =	vld [tilespmem:s8+$0xD0]  }
0x13e: {  	v11 =	vld [tilespmem:s8+$0x90];
	_ =	sdelay $0x2  }
0x13f: {  	v8 =	vmul.f32 v8, v6  }
0x140: {  	v9 =	vmul.f32 v9, v4;
	v10 =	vmul.f32 v10, v7  }
0x141: {  	v11 =	vmul.f32 v11, v5  }
0x142: {  	v8 =	vadd.f32 v9, v8  }
0x143: {  	v9 =	vadd.f32 v10, v11;
	_ =	sdelay $0x1  }
0x144: {  	v8 =	vadd.f32 v9, v8;
	_ =	sdelay $0x1  }
0x145: {  	[tilespmem:s7+$0x10] =	vst v8  }
0x146: {  	v10 =	vld [tilespmem:s8+$0xA0]  }
0x147: {  	v9 =	vld [tilespmem:s8+$0x60]  }
0x148: {  	v11 =	vld [tilespmem:s8+$0x20]  }
.Ltmp5:
0x149: {  	v8 =	vld [tilespmem:s8+$0xE0];
	(pc) =	sbr.rel @p2 .LBB2_9-.Ltmp5, $3  }
0x14a: {  	_ =	sdelay $0x1  }
0x14b: {  	v9 =	vmul.f32 v9, v4  }
0x14c: {  	v10 =	vmul.f32 v10, v5;
	v11 =	vmul.f32 v11, v6  }
0x14d: {  	v8 =	vmul.f32 v8, v7;
	_ =	sdelay $0x1  }
0x14e: {  	v9 =	vadd.f32 v9, v11;
	v8 =	vadd.f32 v8, v10;
	_ =	sdelay $0x1  }
0x14f: {  	v8 =	vadd.f32 v8, v9;
	_ =	sdelay $0x1  }
0x150: {  	[tilespmem:s9+$0x20] =	vst v8  }
0x151: {  	v8 =	vld [tilespmem:s22+$0x30]  }
0x152: {  	v60 =	vld [tilespmem:s22+$0xF0]  }
0x153: {  	v61 =	vld [tilespmem:s22+$0xB0]  }
0x154: {  	v62 =	vld [tilespmem:s22+$0x70];
	_ =	sdelay $0x3  }
0x155: {  	v6 =	vmul.f32 v8, v6;
	v63 =	vmul.f32 v60, v7  }
0x156: {  	v5 =	vmul.f32 v61, v5;
	v4 =	vmul.f32 v62, v4;
	_ =	sdelay $0x1  }
0x157: {  	p2 =	sne.s32 s12, $0x18;
	v5 =	vadd.f32 v63, v5;
	v4 =	vadd.f32 v4, v6  }
.Ltmp6:
0x158: {  	s7 =	sshll.u32 s12, $0xE;
	(pc) =	sbr.rel @p2 .LBB2_12-.Ltmp6, $4  }
0x159: {  	s7 =	sadd.s32 s10, s7;
	v4 =	vadd.f32 v5, v4  }
0x15a: {  	s7 =	sshrl.u32 s7, $0x3  }
0x15b: {  	s7 =	sadd.s32 s1, s7;
	[tilespmem:s9+$0x30] =	vst v4  }
0x15c: {  	[hbm4b:s7+s3] =	stream.linear.scatter [tilespmem:s0], [sflag:$0x6], $0x2000, $0x38;
	[tilespmem:$0x1F7A8] =	vst v63  }
.Ltmp7:
0x15d: {  	(pc) =	sbr.rel .LBB2_15-.Ltmp7, $4  }
0x15e: {  	_ = 	snop  }
0x15f: {  	_ =	swait.ge [sflag:s17], $0x8000  }
0x160: {  	[sflag:s17] =	ssyncset.done $0x0  }
0x161: {  	[sflag:s17] =	ssyncadd.s32 $0xFFFF8000  }
.LBB2_12:
0x162: {  	s7 =	sadd.s32 $0x100, s15  }
0x163: {  	s23 =	simm.s32 $0x0;
	v4 =	vor.u32 s7, v0  }
0x164: {  	s8 =	sadd.s32 $0x1A00, s15;
	v5 =	vor.u32 s23, v4  }
0x165: {  	[tilespmem:s18], [sflag:$0x2] =	stream.indirect.gather [spmem:s2], $0x10, s8, s16, $0xb8;
	[tilespmem:$0x1F7A8] =	vst v63  }
0x166: {  	_ =	swait.ge [sflag:s19], $0x800  }
0x167: {  	[sflag:s19] =	ssyncset.done $0x0  }
0x168: {  	[sflag:s19] =	ssyncadd.s32 $0xFFFFF800  }
0x169: {  	v5 =	vld.idx.msk [tilespmem:v5+s3+$0x0], $0xffff;
	_ =	sdelay $0x4  }
0x16a: {  	v6 =	vmov s23;
	v5 =	vshll.u32 v5, $0x2  }
0x16b: {  	v6 =	vshll.u32 v6, $0x4;
	v5 =	vor.u32 v1, v5  }
0x16c: {  	v6 =	vor.u32 v3, v6;
	v5 =	vand.u32 $0xF, v5  }
0x16d: {  	v5 =	vor.u32 v6, v5;
	_ =	sdelay $0x4  }
0x16e: {  	v5 =	vld.idx.msk [tilespmem:v5+s18+$0x0], $0xffff;
	_ =	sdelay $0x1  }
0x16f: {  	s29 =	simm.s32 $0x4;
	v6 =	vor.u32 v1, v6  }
0x170: {  	v7 =	vor.u32 s29, v4;
	_ =	sdelay $0x1  }
0x171: {  	s7 =	simm.s32 $0x4200;
	vm0 =	veq.s32 v5, $0x0  }
0x172: {  	[tilespmem:s7+$0x0] =	vst v5;
	v5 =	vsel vm0, $0x0, v2  }
0x173: {  	[tilespmem:v6+s20+$0x0] =	vst.idx.msk $0xffff, v5  }
0x174: {  	v5 =	vld.idx.msk [tilespmem:v7+s3+$0x0], $0xffff;
	_ =	sdelay $0x4  }
0x175: {  	v6 =	vmov s29;
	v5 =	vshll.u32 v5, $0x2  }
0x176: {  	v6 =	vshll.u32 v6, $0x4;
	v5 =	vor.u32 v1, v5  }
0x177: {  	v6 =	vor.u32 v3, v6;
	v5 =	vand.u32 $0xF, v5  }
0x178: {  	v5 =	vor.u32 v6, v5;
	_ =	sdelay $0x4  }
0x179: {  	v7 =	vld.idx.msk [tilespmem:v5+s18+$0x0], $0xffff;
	_ =	sdelay $0x1  }
0x17a: {  	s8 =	simm.s32 $0x8;
	v5 =	vor.u32 v1, v6  }
0x17b: {  	s9 =	simm.s32 $0xC;
	v6 =	vor.u32 s8, v4  }
.LBB2_13:
0x17c: {  	p2 =	sne.s32 s9, $0x7C;
	s7 =	sadd.s32 $0x10, s7  }
0x17d: {  	vm0 =	veq.s32 v7, $0x0;
	[tilespmem:s7+$0x0] =	vst v7  }
0x17e: {  	v7 =	vsel vm0, $0x0, v2  }
0x17f: {  	[tilespmem:v5+s20+$0x0] =	vst.idx.msk $0xffff, v7  }
0x180: {  	v5 =	vld.idx.msk [tilespmem:v6+s3+$0x0], $0xffff;
	_ =	sdelay $0x5  }
0x181: {  	v6 =	vmov s8;
	s8 =	smov.u32 s9;
	v5 =	vshll.u32 v5, $0x2  }
0x182: {  	v6 =	vshll.u32 v6, $0x4;
	v5 =	vor.u32 v1, v5  }
0x183: {  	v6 =	vor.u32 v3, v6;
	v5 =	vand.u32 $0xF, v5  }
0x184: {  	v5 =	vor.u32 v6, v5;
	_ =	sdelay $0x4  }
.Ltmp8:
0x185: {  	v7 =	vld.idx.msk [tilespmem:v5+s18+$0x0], $0xffff;
	(pc) =	sbr.rel @p2 .LBB2_13-.Ltmp8, $3  }
0x186: {  	_ =	sdelay $0x1  }
0x187: {  	v5 =	vor.u32 v1, v6  }
0x188: {  	s9 =	sadd.s32 $0x4, s9;
	v6 =	vor.u32 s8, v4  }
0x189: {  	_ =	sdelay $0x1  }
0x18a: {  	s7 =	sadd.s32 $0x10, s7;
	vm0 =	veq.s32 v7, $0x0  }
0x18b: {  	[tilespmem:s7+$0x0] =	vst v7;
	v4 =	vsel vm0, $0x0, v2  }
0x18c: {  	[tilespmem:v5+s20+$0x0] =	vst.idx.msk $0xffff, v4  }
0x18d: {  	v4 =	vld.idx.msk [tilespmem:v6+s3+$0x0], $0xffff;
	_ =	sdelay $0x4  }
0x18e: {  	v5 =	vmov s8;
	v4 =	vshll.u32 v4, $0x2  }
0x18f: {  	v5 =	vshll.u32 v5, $0x4;
	v4 =	vor.u32 v1, v4  }
0x190: {  	v5 =	vor.u32 v3, v5;
	v4 =	vand.u32 $0xF, v4  }
0x191: {  	v4 =	vor.u32 v5, v4;
	_ =	sdelay $0x4  }
0x192: {  	v4 =	vld.idx.msk [tilespmem:v4+s18+$0x0], $0xffff;
	_ =	sdelay $0x1  }
0x193: {  	v5 =	vor.u32 v1, v5;
	_ =	sdelay $0x2  }
0x194: {  	s7 =	sadd.s32 $0x10, s7;
	vm15 =	veq.s32 v4, $0x0  }
0x195: {  	[tilespmem:s7+$0x0] =	vst v4;
	v4 =	vsel vm15, $0x0, v2  }
.Ltmp9:
0x196: {  	s23 =	simm.s32 $0x4200;
	s29 =	simm.s32 $0x5600;
	[tilespmem:v5+s20+$0x0] =	vst.idx.msk $0xffff, v4;
	(pc) =	sbr.rel @p1 .LBB2_16-.Ltmp9, $4  }
0x197: {  	[tilespmem:s29], [sflag:$0x4] =	stream.indirect.gather [hbm4b:s5+s21], $0x40, s23, s21, $0xb8;
	[tilespmem:$0x1F7A8] =	vst v63  }
0x198: {  	_ =	swait.ge [sflag:s17], $0x8000  }
0x199: {  	[sflag:s17] =	ssyncset.done $0x0  }
0x19a: {  	[sflag:s17] =	ssyncadd.s32 $0xFFFF8000  }
.LBB2_15:
0x19b: {  	_ =	swait.ge [sflag:s24], $0x2000  }
0x19c: {  	[sflag:s24] =	ssyncset.done $0x0  }
0x19d: {  	[sflag:s24] =	ssyncadd.s32 $0xFFFFE000  }
.LBB2_16:
0x19e: {  	s15 =	simm.s32 $0x0  }
0x19f: {  	s8 =	simm.s32 $0x4E10;
	v4 =	vld [tilespmem:s15+$0xD6C0]  }
0x1a0: {  	v5 =	vld [tilespmem:s8+$0xFFFFFFF0]  }
0x1a1: {  	v6 =	vld [tilespmem:s15+$0xD600]  }
0x1a2: {  	v7 =	vld [tilespmem:s15+$0xD640]  }
0x1a3: {  	v8 =	vld [tilespmem:s15+$0xD680];
	_ =	sdelay $0x1  }
0x1a4: {  	v9 =	vbroadcast v5, $0x0;
	v10 =	vbroadcast v5, $0x1  }
0x1a5: {  	v11 =	vbroadcast v5, $0x2;
	v5 =	vbroadcast v5, $0x3  }
0x1a6: {  	v6 =	vmul.f32 v9, v6;
	v7 =	vmul.f32 v7, v10  }
0x1a7: {  	v8 =	vmul.f32 v8, v11;
	v4 =	vmul.f32 v4, v5;
	_ =	sdelay $0x1  }
0x1a8: {  	v6 =	vadd.f32 v7, v6;
	v4 =	vadd.f32 v4, v8;
	_ =	sdelay $0x1  }
0x1a9: {  	v4 =	vadd.f32 v4, v6  }
0x1aa: {  	s7 =	simm.s32 $0x17670  }
0x1ab: {  	[tilespmem:s7+$0xFFFFFF90] =	vst v4  }
0x1ac: {  	v4 =	vld [tilespmem:s15+$0xD610]  }
0x1ad: {  	v6 =	vld [tilespmem:s15+$0xD690]  }
0x1ae: {  	v7 =	vld [tilespmem:s15+$0xD6D0]  }
0x1af: {  	v8 =	vld [tilespmem:s15+$0xD650];
	_ =	sdelay $0x3  }
0x1b0: {  	v4 =	vmul.f32 v4, v9;
	v6 =	vmul.f32 v6, v11  }
0x1b1: {  	v7 =	vmul.f32 v7, v5;
	v8 =	vmul.f32 v8, v10;
	_ =	sdelay $0x1  }
0x1b2: {  	v6 =	vadd.f32 v7, v6;
	v4 =	vadd.f32 v8, v4;
	_ =	sdelay $0x1  }
0x1b3: {  	v4 =	vadd.f32 v6, v4;
	_ =	sdelay $0x1  }
0x1b4: {  	[tilespmem:s7+$0xFFFFFFA0] =	vst v4  }
0x1b5: {  	v4 =	vld [tilespmem:s15+$0xD620]  }
0x1b6: {  	v6 =	vld [tilespmem:s15+$0xD660]  }
0x1b7: {  	v7 =	vld [tilespmem:s15+$0xD6A0]  }
0x1b8: {  	v8 =	vld [tilespmem:s15+$0xD6E0];
	_ =	sdelay $0x3  }
0x1b9: {  	v4 =	vmul.f32 v4, v9;
	v6 =	vmul.f32 v6, v10  }
0x1ba: {  	v7 =	vmul.f32 v7, v11;
	v8 =	vmul.f32 v8, v5;
	_ =	sdelay $0x1  }
0x1bb: {  	v4 =	vadd.f32 v6, v4;
	v6 =	vadd.f32 v8, v7;
	_ =	sdelay $0x1  }
0x1bc: {  	v4 =	vadd.f32 v6, v4;
	_ =	sdelay $0x1  }
0x1bd: {  	[tilespmem:s7+$0xFFFFFFB0] =	vst v4  }
0x1be: {  	v4 =	vld [tilespmem:s15+$0xD630]  }
0x1bf: {  	v6 =	vld [tilespmem:s15+$0xD670]  }
0x1c0: {  	v7 =	vld [tilespmem:s15+$0xD6B0]  }
0x1c1: {  	v8 =	vld [tilespmem:s15+$0xD6F0];
	_ =	sdelay $0x3  }
0x1c2: {  	v4 =	vmul.f32 v4, v9;
	v6 =	vmul.f32 v6, v10  }
0x1c3: {  	v7 =	vmul.f32 v7, v11;
	v5 =	vmul.f32 v8, v5;
	_ =	sdelay $0x1  }
0x1c4: {  	v4 =	vadd.f32 v6, v4;
	v5 =	vadd.f32 v5, v7;
	_ =	sdelay $0x1  }
0x1c5: {  	v4 =	vadd.f32 v5, v4;
	_ =	sdelay $0x1  }
0x1c6: {  	[tilespmem:s7+$0xFFFFFFC0] =	vst v4  }
0x1c7: {  	v8 =	vld [tilespmem:s15+$0xD700]  }
0x1c8: {  	v7 =	vld [tilespmem:s8+$0x0]  }
0x1c9: {  	v9 =	vld [tilespmem:s15+$0xD740]  }
0x1ca: {  	v10 =	vld [tilespmem:s15+$0xD780]  }
0x1cb: {  	v11 =	vld [tilespmem:s15+$0xD7C0];
	_ =	sdelay $0x1  }
0x1cc: {  	v6 =	vbroadcast v7, $0x0;
	v5 =	vbroadcast v7, $0x1  }
0x1cd: {  	v4 =	vbroadcast v7, $0x2;
	v7 =	vbroadcast v7, $0x3  }
0x1ce: {  	v8 =	vmul.f32 v6, v8;
	v9 =	vmul.f32 v9, v5  }
0x1cf: {  	v10 =	vmul.f32 v10, v4;
	v11 =	vmul.f32 v11, v7;
	_ =	sdelay $0x1  }
0x1d0: {  	v8 =	vadd.f32 v9, v8;
	v9 =	vadd.f32 v11, v10;
	_ =	sdelay $0x1  }
0x1d1: {  	v8 =	vadd.f32 v9, v8;
	_ =	sdelay $0x1  }
0x1d2: {  	[tilespmem:s7+$0xFFFFFFD0] =	vst v8  }
0x1d3: {  	v8 =	vld [tilespmem:s15+$0xD710]  }
0x1d4: {  	v9 =	vld [tilespmem:s15+$0xD7D0]  }
0x1d5: {  	v10 =	vld [tilespmem:s15+$0xD790]  }
0x1d6: {  	v11 =	vld [tilespmem:s15+$0xD750];
	_ =	sdelay $0x3  }
0x1d7: {  	v8 =	vmul.f32 v8, v6;
	v9 =	vmul.f32 v9, v7  }
0x1d8: {  	v10 =	vmul.f32 v10, v4;
	v11 =	vmul.f32 v11, v5;
	_ =	sdelay $0x1  }
0x1d9: {  	v9 =	vadd.f32 v9, v10;
	v8 =	vadd.f32 v11, v8;
	_ =	sdelay $0x1  }
0x1da: {  	v8 =	vadd.f32 v9, v8;
	_ =	sdelay $0x1  }
0x1db: {  	[tilespmem:s7+$0xFFFFFFE0] =	vst v8  }
0x1dc: {  	v8 =	vld [tilespmem:s15+$0xD7E0]  }
0x1dd: {  	v11 =	vld [tilespmem:s15+$0xD720]  }
0x1de: {  	v9 =	vld [tilespmem:s15+$0xD760]  }
0x1df: {  	v10 =	vld [tilespmem:s15+$0xD7A0];
	_ =	sdelay $0x2  }
0x1e0: {  	s22 =	simm.s32 $0x800;
	s9 =	simm.s32 $0x17670;
	v8 =	vmul.f32 v8, v7;
	v11 =	vmul.f32 v11, v6  }
.LBB2_17:
0x1e1: {  	p1 =	sne.s32 s22, $0x1F800;
	s7 =	sadd.s32 $0x80, s7;
	s8 =	sadd.s32 $0x20, s8  }
0x1e2: {  	v9 =	vmul.f32 v9, v5;
	s23 =	smov.u32 s22;
	s22 =	sadd.s32 $0x800, s22;
	v10 =	vmul.f32 v10, v4;
	_ =	sdelay $0x1  }
0x1e3: {  	v9 =	vadd.f32 v9, v11;
	v8 =	vadd.f32 v8, v10;
	_ =	sdelay $0x1  }
0x1e4: {  	v8 =	vadd.f32 v8, v9;
	_ =	sdelay $0x1  }
0x1e5: {  	[tilespmem:s9+$0xFFFFFFF0] =	vst v8  }
0x1e6: {  	v8 =	vld [tilespmem:s15+$0xD730]  }
0x1e7: {  	v9 =	vld [tilespmem:s15+$0xD770]  }
0x1e8: {  	v10 =	vld [tilespmem:s15+$0xD7F0];
	_ =	sdelay $0x1  }
0x1e9: {  	v11 =	vld [tilespmem:s15+$0xD7B0]  }
0x1ea: {  	v6 =	vmul.f32 v8, v6  }
0x1eb: {  	v5 =	vmul.f32 v9, v5  }
0x1ec: {  	v7 =	vmul.f32 v10, v7;
	_ =	sdelay $0x1  }
0x1ed: {  	v4 =	vmul.f32 v11, v4;
	_ =	sdelay $0x1  }
0x1ee: {  	v5 =	vadd.f32 v5, v6;
	v4 =	vadd.f32 v7, v4;
	_ =	sdelay $0x1  }
0x1ef: {  	v4 =	vadd.f32 v4, v5;
	_ =	sdelay $0x1  }
0x1f0: {  	s15 =	sshra.s32 s23, $0x2;
	[tilespmem:s9+$0x0] =	vst v4;
	s9 =	smov.u32 s7  }
0x1f1: {  	v4 =	vld [tilespmem:s15+$0xD6C0]  }
0x1f2: {  	v5 =	vld [tilespmem:s8+$0xFFFFFFF0]  }
0x1f3: {  	v6 =	vld [tilespmem:s15+$0xD600]  }
0x1f4: {  	v7 =	vld [tilespmem:s15+$0xD640]  }
0x1f5: {  	v8 =	vld [tilespmem:s15+$0xD680];
	_ =	sdelay $0x1  }
0x1f6: {  	v9 =	vbroadcast v5, $0x0;
	v10 =	vbroadcast v5, $0x1  }
0x1f7: {  	v11 =	vbroadcast v5, $0x2;
	v5 =	vbroadcast v5, $0x3  }
0x1f8: {  	v6 =	vmul.f32 v9, v6;
	v7 =	vmul.f32 v7, v10  }
0x1f9: {  	v4 =	vmul.f32 v4, v5;
	v8 =	vmul.f32 v8, v11  }
0x1fa: {  	v6 =	vadd.f32 v7, v6  }
0x1fb: {  	v4 =	vadd.f32 v4, v8;
	_ =	sdelay $0x1  }
0x1fc: {  	v4 =	vadd.f32 v4, v6;
	_ =	sdelay $0x1  }
0x1fd: {  	[tilespmem:s7+$0xFFFFFF90] =	vst v4  }
0x1fe: {  	v4 =	vld [tilespmem:s15+$0xD610]  }
0x1ff: {  	v6 =	vld [tilespmem:s15+$0xD690]  }
0x200: {  	v7 =	vld [tilespmem:s15+$0xD6D0]  }
0x201: {  	v8 =	vld [tilespmem:s15+$0xD650];
	_ =	sdelay $0x2  }
0x202: {  	v4 =	vmul.f32 v4, v9;
	v6 =	vmul.f32 v6, v11  }
0x203: {  	v7 =	vmul.f32 v7, v5  }
0x204: {  	v8 =	vmul.f32 v8, v10  }
0x205: {  	v6 =	vadd.f32 v7, v6  }
0x206: {  	v4 =	vadd.f32 v8, v4;
	_ =	sdelay $0x1  }
0x207: {  	v4 =	vadd.f32 v6, v4;
	_ =	sdelay $0x1  }
0x208: {  	[tilespmem:s7+$0xFFFFFFA0] =	vst v4  }
0x209: {  	v4 =	vld [tilespmem:s15+$0xD620]  }
0x20a: {  	v6 =	vld [tilespmem:s15+$0xD660]  }
0x20b: {  	v7 =	vld [tilespmem:s15+$0xD6A0]  }
0x20c: {  	v8 =	vld [tilespmem:s15+$0xD6E0];
	_ =	sdelay $0x1  }
0x20d: {  	v4 =	vmul.f32 v4, v9  }
0x20e: {  	v6 =	vmul.f32 v6, v10  }
0x20f: {  	v7 =	vmul.f32 v7, v11  }
0x210: {  	v8 =	vmul.f32 v8, v5;
	_ =	sdelay $0x1  }
0x211: {  	v4 =	vadd.f32 v6, v4;
	v6 =	vadd.f32 v8, v7;
	_ =	sdelay $0x1  }
0x212: {  	v4 =	vadd.f32 v6, v4;
	_ =	sdelay $0x1  }
0x213: {  	[tilespmem:s7+$0xFFFFFFB0] =	vst v4  }
0x214: {  	v4 =	vld [tilespmem:s15+$0xD630]  }
0x215: {  	v6 =	vld [tilespmem:s15+$0xD670]  }
0x216: {  	v7 =	vld [tilespmem:s15+$0xD6B0]  }
0x217: {  	v8 =	vld [tilespmem:s15+$0xD6F0];
	_ =	sdelay $0x1  }
0x218: {  	v4 =	vmul.f32 v4, v9  }
0x219: {  	v6 =	vmul.f32 v6, v10  }
0x21a: {  	v7 =	vmul.f32 v7, v11  }
0x21b: {  	v5 =	vmul.f32 v8, v5;
	_ =	sdelay $0x1  }
0x21c: {  	v4 =	vadd.f32 v6, v4;
	v5 =	vadd.f32 v5, v7;
	_ =	sdelay $0x1  }
0x21d: {  	v4 =	vadd.f32 v5, v4;
	_ =	sdelay $0x1  }
0x21e: {  	[tilespmem:s7+$0xFFFFFFC0] =	vst v4  }
0x21f: {  	v8 =	vld [tilespmem:s15+$0xD700]  }
0x220: {  	v7 =	vld [tilespmem:s8+$0x0]  }
0x221: {  	v9 =	vld [tilespmem:s15+$0xD740]  }
0x222: {  	v10 =	vld [tilespmem:s15+$0xD780]  }
0x223: {  	v11 =	vld [tilespmem:s15+$0xD7C0];
	_ =	sdelay $0x1  }
0x224: {  	v6 =	vbroadcast v7, $0x0;
	v5 =	vbroadcast v7, $0x1  }
0x225: {  	v4 =	vbroadcast v7, $0x2;
	v7 =	vbroadcast v7, $0x3  }
0x226: {  	v8 =	vmul.f32 v6, v8;
	v9 =	vmul.f32 v9, v5  }
0x227: {  	v10 =	vmul.f32 v10, v4;
	v11 =	vmul.f32 v11, v7;
	_ =	sdelay $0x1  }
0x228: {  	v8 =	vadd.f32 v9, v8;
	v9 =	vadd.f32 v11, v10;
	_ =	sdelay $0x1  }
0x229: {  	v8 =	vadd.f32 v9, v8;
	_ =	sdelay $0x1  }
0x22a: {  	[tilespmem:s7+$0xFFFFFFD0] =	vst v8  }
0x22b: {  	v8 =	vld [tilespmem:s15+$0xD710]  }
0x22c: {  	v9 =	vld [tilespmem:s15+$0xD7D0]  }
0x22d: {  	v10 =	vld [tilespmem:s15+$0xD790]  }
0x22e: {  	v11 =	vld [tilespmem:s15+$0xD750];
	_ =	sdelay $0x1  }
0x22f: {  	v8 =	vmul.f32 v8, v6  }
0x230: {  	v9 =	vmul.f32 v9, v7  }
0x231: {  	v10 =	vmul.f32 v10, v4  }
0x232: {  	v11 =	vmul.f32 v11, v5  }
0x233: {  	v9 =	vadd.f32 v9, v10  }
0x234: {  	v8 =	vadd.f32 v11, v8;
	_ =	sdelay $0x1  }
0x235: {  	v8 =	vadd.f32 v9, v8;
	_ =	sdelay $0x1  }
0x236: {  	[tilespmem:s7+$0xFFFFFFE0] =	vst v8  }
0x237: {  	v8 =	vld [tilespmem:s15+$0xD7E0]  }
0x238: {  	v11 =	vld [tilespmem:s15+$0xD720]  }
.Ltmp10:
0x239: {  	v9 =	vld [tilespmem:s15+$0xD760];
	(pc) =	sbr.rel @p1 .LBB2_17-.Ltmp10, $3  }
0x23a: {  	v10 =	vld [tilespmem:s15+$0xD7A0];
	_ =	sdelay $0x1  }
0x23b: {  	v8 =	vmul.f32 v8, v7  }
0x23c: {  	v11 =	vmul.f32 v11, v6  }
0x23d: {  	_ = 	snop  }
0x23e: {  	v9 =	vmul.f32 v9, v5;
	v10 =	vmul.f32 v10, v4;
	_ =	sdelay $0x1  }
0x23f: {  	v9 =	vadd.f32 v9, v11;
	v8 =	vadd.f32 v8, v10;
	_ =	sdelay $0x1  }
0x240: {  	v8 =	vadd.f32 v8, v9;
	_ =	sdelay $0x1  }
0x241: {  	[tilespmem:s9+$0xFFFFFFF0] =	vst v8  }
0x242: {  	v8 =	vld [tilespmem:s15+$0xD730]  }
0x243: {  	v61 =	vld [tilespmem:s15+$0xD770]  }
0x244: {  	v62 =	vld [tilespmem:s15+$0xD7F0]  }
0x245: {  	v63 =	vld [tilespmem:s15+$0xD7B0];
	_ =	sdelay $0x3  }
0x246: {  	v6 =	vmul.f32 v8, v6;
	v5 =	vmul.f32 v61, v5  }
0x247: {  	v7 =	vmul.f32 v62, v7;
	v4 =	vmul.f32 v63, v4;
	_ =	sdelay $0x1  }
0x248: {  	p1 =	seq.s32 s12, $0x18;
	v5 =	vadd.f32 v5, v6;
	v4 =	vadd.f32 v7, v4  }
.Ltmp11:
0x249: {  	s7 =	sadd.s32 s4, s14;
	(pc) =	sbr.rel @p1 .LBB2_20-.Ltmp11, $4  }
0x24a: {  	s7 =	sshll.u32 s7, $0x3;
	v4 =	vadd.f32 v4, v5  }
0x24b: {  	s7 =	sand.u32 $0x1FFFFC00, s7  }
0x24c: {  	s7 =	sadd.s32 s1, s7;
	[tilespmem:s9+$0x0] =	vst v4  }
0x24d: {  	[hbm4b:s7+s3] =	stream.linear.scatter [tilespmem:s6], [sflag:$0x7], $0x2000, $0x38;
	[tilespmem:$0x1F7A8] =	vst v63  }
.Ltmp12:
0x24e: {  	(pc) =	sbr.rel .LBB2_6-.Ltmp12, $4  }
0x24f: {  	_ = 	snop  }
0x250: {  	s7 =	sshrl.u32 s13, $0x2  }
0x251: {  	s12 =	sadd.s32 $0x1, s12;
	s7 =	sadd.s32 $0x1A80, s7  }
0x252: {  	[tilespmem:s25], [sflag:$0x3] =	stream.indirect.gather [spmem:s2], $0x10, s7, s16, $0xb8;
	[tilespmem:$0x1F7A8] =	vst v63  }
.LBB2_21:
0x253: {  	_ =	sfence.sel $0x180000  }
0x254: {  	[bflag:$0x0] =	sbarrier.arrive $0xFFFF  }
0x255: {  	_ =	strace $0x90000047  }
0x256: {  	[bflag:$0x2] =	sbarrier.arrive $0xFFFF  }
0x257: {  	s0 =	rddreg [dreg:$0x3]  }
0x258: {  	s0 =	sadd.s32 @!p0 $0x100000, s0  }
0x259: {  	[sflag:s0] =	ssyncadd.tile.s32 @!p0 $0x1;
	_ =	shalt  }
.Lfunc_end2:
_tile_overlayer_lowered:
.L_overlay_start_2:
0x25a: {  	(tag) =	ssettag $0x2  }
0x25b: {  	s0 =	rddreg [dreg:$0x0];
	s2 =	stileid.u32  }
0x25c: {  	s1 =	rddreg [dreg:$0x1];
	p0 =	sne.s32 s2, $0x0  }
0x25d: {  	s3 =	rddreg [dreg:$0x2];
	[bflag:$0x3] =	sbarrier.arrive $0xFFFF;
	s2 =	simm.s32 @!p0 $0x1C08  }
0x25e: {  	[timem:s3], [sflag:s2] =	dma.local @!p0 [hbm:s0], s1  }
0x25f: {  	s0 =	simm.s32 @!p0 $0x8  }
0x260: {  	_ =	swait.ge @!p0 [sflag:s0], s1  }
0x261: {  	s1 =	ssub.s32 @!p0 $0x0, s1;
	[sflag:s0] =	ssyncset.done @!p0 $0x0  }
0x262: {  	[sflag:s0] =	ssyncadd.s32 @!p0 s1  }
0x263: {  	[bflag:$0x3] =	sbarrier.arrive $0xFFFF  }
0x264: {  	_ =	shalt  }

// kernel: sparse-core-data-format-call.cloned.1.call-start
scs
called_computation_lowered:
.L_overlay_start_0:
0x0: {  	s2 =	sld [smem:$0x3FD9]  }
0x1: {  	s3 =	sld [smem:$0x3FFE];
	_ =	sdelay $0x1  }
0x2: {  	s1 =	srdreg.scid  }
0x3: {  	s0 =	sand.u32 $0x1, s1  }
0x4: {  	s18 =	sshll.u32 s0, $0xA;
	s2 =	sadd.s32 s3, s2  }
0x5: {  	s2 =	sadd.s32 s2, s18  }
0x6: {  	[smem:$0x3FC5] =	sst s2  }
0x7: {  	_ = 	snop  }
0x8: {  	s2 =	sld [smem:$0x3FD0];
	(tm) =	ssettm $0x1  }
0x9: {  	s19 =	sld [smem:$0x3FFB];
	_ =	sdelay $0x3  }
0xa: {  	_ =	strace s19  }
0xb: {  	s3 =	sld [smem:$0x3FFC];
	_ =	sdelay $0x3  }
0xc: {  	_ =	strace s3  }
0xd: {  	s3 =	sld [smem:$0x3FFD];
	_ =	sdelay $0x3  }
0xe: {  	_ =	strace s3  }
0xf: {  	_ =	strace $0x8FFFFFFF  }
0x10: {  	s20 =	sld [smem:$0x3FDB];
	_ =	sdelay $0x1  }
0x11: {  	s4 =	simm.s32 $_scs_section_size  }
0x12: {  	s5 =	simm.s32 $_size__tile_overlayer_lowered;
	s6 =	simm.s32 $_tile_overlayer_lowered  }
0x13: {  	s23 =	simm.s32 $0x1BFF;
	s22 =	sshll.u32 s6, $0x1;
	s3 =	sadd.s32 s4, s20  }
0x14: {  	s7 =	simm.s32 $0x0;
	s21 =	sshll.u32 s5, $0x1;
	s5 =	sadd.s32 s22, s3  }
0x15: {  	[timem:s7], [sflag:s23] =	dma.local [hbm:s5], s21  }
0x16: {  	_ =	swait.ge [sflag:s23], s21  }
0x17: {  	s4 =	ssub.s32 $0x0, s21;
	[sflag:s23] =	ssyncset.done $0x0  }
0x18: {  	[sflag:s23] =	ssyncadd.s32 s4;
	_ =	sdelay $0x1  }
0x19: {  	s24 =	simm.s32 $0x1B8B  }
0x1a: {  	_ =	swait.ge [sflag:s24], $0x1  }
0x1b: {  	[sflag:s24] =	ssyncset.done $0x0  }
0x1c: {  	s26 =	simm.s32 $0x1B8E;
	s25 =	sld [smem:$0x3FFE];
	[sflag:s24] =	ssyncadd.s32 $0xFFFFFFFF  }
0x1d: {  	s27 =	simm.s32 $execute0_lowered;
	[smem:$0x3FD2] =	sst s26  }
0x1e: {  	s5 =	sshll.u32 s27, $0x1;
	_ =	strace $0x80000049;
	[dreg:$0x1] =	wrdreg $0xFFFFFFFF  }
0x1f: {  	s28 =	simm.s32 $_size_execute0_lowered;
	s3 =	sadd.s32 s3, s5;
	[dreg:$0x0] =	wrdreg $0x0  }
0x20: {  	s5 =	sshll.u32 s28, $0x1;
	[dreg:$0x2] =	wrdreg s3  }
0x21: {  	[dreg:$0x3] =	wrdreg s5  }
0x22: {  	[dreg:$0x4] =	wrdreg $0xC0  }
0x23: {  	_ =	task [dreg:s7], $0x5FFFF  }
0x24: {  	[dreg:$0x1] =	wrdreg $0xFFFFFFFF  }
0x25: {  	[dreg:$0x0] =	wrdreg $0x60  }
0x26: {  	[dreg:$0x2] =	wrdreg s25  }
0x27: {  	[dreg:$0x3] =	wrdreg s2  }
0x28: {  	[dreg:$0x4] =	wrdreg $0x9  }
0x29: {  	_ =	task.clear_ibuf [dreg:s7], $0x5FFFF;
	_ =	strace $0x90000049  }
0x2a: {  	s29 =	simm.s32 $0x9;
	_ =	strace $0x8000004B  }
0x2b: {  	_ =	swait.ge [sflag:s29], $0x1  }
0x2c: {  	[sflag:s29] =	ssyncadd.s32 $0xFFFFFFFF  }
0x2d: {  	_ =	strace $0x9000004B  }
0x2e: {  	_ =	sfence  }
0x2f: {  	s30 =	sld [smem:$0x0];
	_ =	sdelay $0x2  }
0x30: {  	s31 =	sshll.u32 s1, $0xD;
	s1 =	sshrl.u32 s1, $0x2  }
0x31: {  	s3 =	sand.u32 $0x4000, s31;
	s1 =	sadd.s32 s1, s30  }
0x32: {  	s0 =	sor.u32 s3, s0;
	s1 =	sshll.u32 s1, $0x11  }
0x33: {  	s0 =	sor.u32 s1, s0  }
0x34: {  	s0 =	sadd.s32 $0x8F2B, s0  }
0x35: {  	[sflag:s0] =	ssyncadd.remote.s32 $0x1  }
0x36: {  	_ =	sfence.sel $0xFFFF  }
0x37: {  	[dreg:$0x0] =	wrdreg $0xFFFFFFFF;
	(pc) =	sbr.abs _section_cstart, $3  }
0x38: {  	[dreg:$0x1] =	wrdreg $0xFFFFFFFF  }
0x39: {  	_ =	task.clear_ibuf [dreg:s7], $0x2FFFF;
	_ =	strace $0x9FFFFFFF  }
0x3a: {  	(tm) =	ssettm $0x7FFFFFFF  }
0x3b: {  	_ =	shalt  }
tec
execute0_lowered:
.L_overlay_start_1:
0x0: {  	(tag) =	ssettag $0x1  }
0x1: {  	s0 =	srdreg.scid  }
0x2: {  	s1 =	sshll.u32 s0, $0x4  }
0x3: {  	s0 =	stileid.u32;
	s1 =	sand.u32 $0x10, s1  }
0x4: {  	s1 =	sor.u32 s0, s1  }
0x5: {  	s6 =	rddreg [dreg:$0x0];
	s4 =	simm.s32 $0x1;
	s2 =	sshll.u32 s1, $0x7  }
0x6: {  	s7 =	simm.s32 $0x2;
	s12 =	simm.s32 $0x0;
	s1 =	ssub.s32 $0x1000, s2  }
0x7: {  	s8 =	simm.s32 $0x8000;
	s13 =	simm.s32 $0x0;
	s3 =	sand.u32 $0xF80, s1  }
0x8: {  	s9 =	simm.s32 $0x0;
	s5 =	sshrl.u32 s1, $0xC;
	p0 =	sne.s32 s3, $0x0  }
.Ltmp0:
0x9: {  	s1 =	rddreg [dreg:$0x2];
	s4 =	simm.s32 @!p0 $0x0;
	(pc) =	sbr.rel .LBB1_1-.Ltmp0, $4  }
0xa: {  	s11 =	simm.s32 $0x0;
	s3 =	rddreg [dreg:$0x1];
	s5 =	sadd.s32 s4, s5  }
0xb: {  	_ =	strace $0x8000004A;
	s4 =	simm.s32 $0x1;
	s5 =	smul.u32 $0x32, s5  }
0xc: {  	s6 =	sadd.s32 $0x2400, s6;
	s10 =	smov.u32 s2;
	[sflag:s4] =	ssyncpa.u1 $0x0  }
0xd: {  	p0 =	por $0x0, $0x0;
	[sflag:s7] =	ssyncpa.u1 $0x0;
	s7 =	sor.u32 $0x1, s5  }
.LBB1_4:
0xe: {  	s16 =	sshll.u32 s13, $0x3;
	s17 =	sand.u32 $0x78, s13  }
0xf: {  	s30 =	sand.u32 $0x7E00, s13;
	s12 =	sshll.u32 s12, $0xF;
	s16 =	sand.u32 $0xC00, s16  }
0x10: {  	[tilespmem:s15+$0x810 ss:$0x81] =	vst.msk $0xffff, v2;
	s31 =	sand.u32 $0x7, s13;
	s16 =	sor.u32 s17, s16;
	s17 =	sadd.s32 s3, s30  }
0x11: {  	[tilespmem:s15+$0x1020 ss:$0x81] =	vst.msk $0xffff, v0;
	s13 =	sshll.u32 s31, $0x12;
	s12 =	sadd.s32 s12, s17;
	s16 =	sshrl.u32 s16, $0x3  }
0x12: {  	[tilespmem:s15+$0x0 ss:$0x81] =	vst.msk $0xffff, v1;
	s13 =	sor.u32 $0x400, s13;
	s12 =	sadd.s32 s16, s12  }
0x13: {  	[hbm4b:s12+s13] =	stream.strided.scatter [tilespmem:s14], [sflag:$0x2], $0x2000, s8, s13, $0x20;
	[tilespmem:$0x8080] =	vst v63  }
.LBB1_5:
0x14: {  	s14 =	sadd.s32 $0x1, s9  }
0x15: {  	s12 =	sadd.s32 $0x1000, s10;
	s16 =	smov.u32 s10;
	p2 =	sgt.s32 s14, $0x31  }
0x16: {  	s16 =	smov.u32 @p2 s12  }
0x17: {  	s14 =	simm.s32 @p2 $0x0;
	p2 =	sgt.s32 s16, $0xFFF  }
0x18: {  	s16 =	smov.u32 @p2 s2;
	p2 =	sne.s32 s11, s7  }
.Ltmp1:
0x19: {  	p1 =	slt.u32 s11, $0x2;
	(pc) =	sbr.rel @!p2 .LBB1_6-.Ltmp1, $4  }
0x1a: {  	s15 =	simm.s32 @!p1 $0x2  }
0x1b: {  	s13 =	smov.u32 s10;
	p0 =	por !p0, !p0;
	_ =	swait.ge @!p1 [sflag:s15], $0x2000  }
0x1c: {  	s12 =	smov.u32 s9;
	[sflag:s15] =	ssyncset.done @!p1 $0x0;
	s9 =	smov.u32 s14  }
0x1d: {  	s11 =	sadd.s32 $0x1, s11;
	[sflag:s15] =	ssyncadd.s32 @!p1 $0xFFFFE000;
	s10 =	smov.u32 s16  }
.LBB1_1:
0x1e: {  	p1 =	sge.u32 s11, s5  }
0x1f: {  	s14 =	sand.u32 @!p1 $0x1FFFFFF, s9  }
0x20: {  	s15 =	smulhi.u32 @!p1 $0x4924925, s14;
	_ =	sdelay $0x1  }
0x21: {  	s15 =	smul.u32 @!p1 $0x38, s15  }
0x22: {  	s16 =	sxor.u32 @!p1 $0xFFFFFFFF, s11;
	s17 =	smul.u32 @!p1 $0x380, s10  }
0x23: {  	s31 =	sadd.s32 $0xFFFFFFFF, s11;
	s16 =	sshll.u32 @!p1 s16, $0xD;
	s14 =	ssub.s32 @!p1 s14, s15  }
0x24: {  	s15 =	sand.u32 @!p1 $0x2000, s16;
	s16 =	sadd.s32 @!p1 s6, s17;
	s14 =	sshll.u32 @!p1 s14, $0x4  }
0x25: {  	s17 =	simm.s32 @!p1 $0x1C00;
	s14 =	sadd.s32 @!p1 s14, s16;
	s16 =	simm.s32 @!p1 $0x40  }
0x26: {  	[tilespmem:s15], [sflag:$0x1] =	stream.strided.gather @!p1 [hbm4b:s14+s16], $0x2000, s17, s16, $0x38;
	[tilespmem:$0x8080] =	vst v63  }
0x27: {  	p1 =	sge.u32 s31, s5  }
.Ltmp2:
0x28: {  	_ = 	snop;
	(pc) =	sbr.rel @p1 .LBB1_5-.Ltmp2, $1  }
0x29: {  	_ =	sdelay $0x3  }
0x2a: {  	s14 =	simm.s32 $0x1  }
0x2b: {  	_ =	swait.ge [sflag:s4], $0x2000;
	s14 =	simm.s32 @!p0 $0x0  }
0x2c: {  	[sflag:s4] =	ssyncset.done $0x0;
	s15 =	sshll.u32 s14, $0xD  }
0x2d: {  	[sflag:s4] =	ssyncadd.s32 $0xFFFFE000;
	s18 =	sor.u32 $0x20, s15  }
0x2e: {  	s14 =	smul.u32 $0x8100, s14;
	v3 =	vld [tilespmem:s18+$0x10]  }
0x2f: {  	s30 =	sand.u32 $0x1, s11;
	v2 =	vld [tilespmem:s18+$0xFFFFFFF0]  }
0x30: {  	s15 =	smul.u32 $0x8100, s30;
	s14 =	sshrl.u32 s14, $0x2;
	v0 =	vld [tilespmem:s18+$0x0]  }
0x31: {  	v1 =	vld [tilespmem:s18+$0xFFFFFFE0];
	s16 =	sor.u32 $0x4000, s14  }
0x32: {  	s31 =	sshrl.u32 s15, $0x2;
	s15 =	sadd.s32 $0x0, s16  }
0x33: {  	s17 =	simm.s32 $0x4;
	s18 =	sadd.s32 $0x40, s18;
	s14 =	sor.u32 $0x4000, s31;
	[tilespmem:s15+$0x1830 ss:$0x81] =	vst.msk $0xffff, v3  }
.LBB1_3:
0x34: {  	v3 =	vld [tilespmem:s18+$0x10];
	p1 =	sne.s32 s17, $0x1FC;
	[tilespmem:s15+$0x810 ss:$0x81] =	vst.msk $0xffff, v2;
	s19 =	smov.u32 s17;
	s17 =	sadd.s32 $0x4, s17  }
.Ltmp3:
0x35: {  	v2 =	vld [tilespmem:s18+$0xFFFFFFF0];
	[tilespmem:s15+$0x1020 ss:$0x81] =	vst.msk $0xffff, v0;
	(pc) =	sbr.rel @p1 .LBB1_3-.Ltmp3, $4  }
0x36: {  	v0 =	vld [tilespmem:s18+$0x0];
	[tilespmem:s15+$0x0 ss:$0x81] =	vst.msk $0xffff, v1  }
0x37: {  	s15 =	sshra.s32 s19, $0x2;
	v1 =	vld [tilespmem:s18+$0xFFFFFFE0]  }
0x38: {  	s15 =	sadd.s32 s15, s16  }
0x39: {  	s18 =	sadd.s32 $0x40, s18;
	[tilespmem:s15+$0x1830 ss:$0x81] =	vst.msk $0xffff, v3  }
.Ltmp4:
0x3a: {  	_ = 	snop;
	(pc) =	sbr.rel .LBB1_4-.Ltmp4, $1  }
0x3b: {  	_ =	sdelay $0x3  }
.LBB1_6:
0x3c: {  	_ =	sfence.sel $0x180000  }
0x3d: {  	s2 =	simm.s32 $0x1;
	[bflag:$0x0] =	sbarrier.arrive $0xFFFF  }
0x3e: {  	s31 =	simm.s32 $0x2;
	[sflag:s2] =	ssyncpa.u1 $0x1  }
0x3f: {  	[sflag:s31] =	ssyncpa.u1 $0x1  }
0x40: {  	p0 =	sne.s32 s0, $0x0;
	_ =	strace $0x9000004A  }
0x41: {  	s0 =	sadd.s32 @!p0 $0x100000, s1;
	[bflag:$0x2] =	sbarrier.arrive $0xFFFF  }
0x42: {  	[sflag:s0] =	ssyncadd.tile.s32 @!p0 $0x1;
	_ =	shalt  }
.Lfunc_end1:
_tile_overlayer_lowered:
.L_overlay_start_2:
0x43: {  	(tag) =	ssettag $0x2  }
0x44: {  	s0 =	rddreg [dreg:$0x0];
	s2 =	stileid.u32  }
0x45: {  	s1 =	rddreg [dreg:$0x1];
	p0 =	sne.s32 s2, $0x0  }
0x46: {  	s3 =	rddreg [dreg:$0x2];
	[bflag:$0x3] =	sbarrier.arrive $0xFFFF;
	s2 =	simm.s32 @!p0 $0x1C01  }
0x47: {  	[timem:s3], [sflag:s2] =	dma.local @!p0 [hbm:s0], s1  }
0x48: {  	s0 =	simm.s32 @!p0 $0x1  }
0x49: {  	_ =	swait.ge @!p0 [sflag:s0], s1  }
0x4a: {  	s1 =	ssub.s32 @!p0 $0x0, s1;
	[sflag:s0] =	ssyncset.done @!p0 $0x0  }
0x4b: {  	[sflag:s0] =	ssyncadd.s32 @!p0 s1  }
0x4c: {  	[bflag:$0x3] =	sbarrier.arrive $0xFFFF  }
0x4d: {  	_ =	shalt  }

</sc_bundles>
